<compile_context>
chip_gen: v7x
topology: tpu7x:2x2x1
jax: 0.10.2.dev20260603
libtpu: 0.0.44.dev20260713+nightly
codegen_flags: <defaults>
</compile_context>

<pallas_src>
import functools

import jax
import jax.numpy as jnp
from jax import lax
from jax.experimental import pallas as pl
from jax.experimental.pallas import tpu as pltpu
from jax.experimental.pallas import tpu_sc as plsc

_NC = 2
_NS = 16
_NW = _NC * _NS
_CH = 128
_SUP = 8
_LN = 128
_F32 = jnp.float32


def _node_prep(x_pad, Wn1, bn1, Wn2, bn2, Wn3, bn3, Wc1, We3, be3, n_real):
    np_, d = x_pad.shape
    blk = 1024
    grid = np_ // blk

    def body(x_ref, w1, b1, w2, b2, w3, b3, wc1, we3, be3r,
             hp_ref, m3_ref, c0_ref):
        pid = pl.program_id(0)
        h = jnp.maximum(
            jnp.dot(x_ref[...], w1[...], preferred_element_type=_F32, precision=jax.lax.Precision.HIGHEST) + b1[...], 0.0)
        h = jnp.maximum(
            jnp.dot(h, w2[...], preferred_element_type=_F32, precision=jax.lax.Precision.HIGHEST) + b2[...], 0.0)
        h = jnp.dot(h, w3[...], preferred_element_type=_F32, precision=jax.lax.Precision.HIGHEST) + b3[...]
        hp = jnp.dot(h, wc1[...], preferred_element_type=_F32, precision=jax.lax.Precision.HIGHEST)
        rows = pid * blk + lax.broadcasted_iota(jnp.int32, (blk, 1), 0)
        hp_ref[...] = jnp.where(rows < n_real, hp, 0.0)

        @pl.when(pid == 0)
        def _():
            m3_ref[...] = jnp.dot(we3[...], wc1[...], preferred_element_type=_F32, precision=jax.lax.Precision.HIGHEST)
            c0_ref[...] = jnp.dot(be3r[...], wc1[...], preferred_element_type=_F32, precision=jax.lax.Precision.HIGHEST)

    full = lambda i: (0, 0)
    wspec = lambda a: pl.BlockSpec(a.shape, full)
    return pl.pallas_call(
        body,
        grid=(grid,),
        in_specs=[pl.BlockSpec((blk, d), lambda i: (i, 0)),
                  wspec(Wn1), wspec(bn1), wspec(Wn2), wspec(bn2),
                  wspec(Wn3), wspec(bn3), wspec(Wc1), wspec(We3), wspec(be3)],
        out_specs=[pl.BlockSpec((blk, d), lambda i: (i, 0)),
                   pl.BlockSpec((d, d), full),
                   pl.BlockSpec((1, d), full)],
        out_shape=[jax.ShapeDtypeStruct((np_, d), _F32),
                   jax.ShapeDtypeStruct((d, d), _F32),
                   jax.ShapeDtypeStruct((1, d), _F32)],
    )(x_pad, Wn1, bn1, Wn2, bn2, Wn3, bn3, Wc1, We3, be3)


def _edge_mlp(ea_pad, We1, be1, We2, be2):
    ep, de = ea_pad.shape
    d = We2.shape[1]
    blk = 2048
    grid = ep // blk

    def body(ea_ref, w1, b1, w2, b2, r_ref):
        r = jnp.maximum(
            jnp.dot(ea_ref[...], w1[...], preferred_element_type=_F32, precision=jax.lax.Precision.HIGHEST) + b1[...], 0.0)
        r_ref[...] = jnp.maximum(
            jnp.dot(r, w2[...], preferred_element_type=_F32, precision=jax.lax.Precision.HIGHEST) + b2[...], 0.0)

    full = lambda i: (0, 0)
    wspec = lambda a: pl.BlockSpec(a.shape, full)
    return pl.pallas_call(
        body,
        grid=(grid,),
        in_specs=[pl.BlockSpec((blk, de), lambda i: (i, 0)),
                  wspec(We1), wspec(be1), wspec(We2), wspec(be2)],
        out_specs=pl.BlockSpec((blk, d), lambda i: (i, 0)),
        out_shape=jax.ShapeDtypeStruct((ep, d), _F32),
    )(ea_pad, We1, be1, We2, be2)


def _sc_conv1(src2, dst2, hp):
    nch_total, ch = src2.shape
    nch = nch_total // _NW
    np_, d = hp.shape
    rpt = np_ // _NS
    mesh = plsc.VectorSubcoreMesh(core_axis_name="c", subcore_axis_name="s",
                                  num_cores=_NC, num_subcores=_NS)

    @functools.partial(
        pl.kernel,
        out_type=(jax.ShapeDtypeStruct((np_, d), _F32),
                  jax.ShapeDtypeStruct((np_, d), _F32),
                  jax.ShapeDtypeStruct((np_,), _F32),
                  jax.ShapeDtypeStruct((np_,), _F32)),
        mesh=mesh,
        scratch_types=[
            pltpu.VMEM((_SUP, ch), jnp.int32),
            pltpu.VMEM((_SUP, ch), jnp.int32),
            pltpu.VMEM((2 * ch, d), _F32),
            pltpu.VMEM((ch,), _F32),
            pltpu.VMEM((rpt,), _F32),
            pltpu.VMEM_SHARED((np_, d), _F32),
            pltpu.VMEM_SHARED((np_,), _F32),
            pltpu.SemaphoreType.DMA,
        ])
    def k_fn(src_hbm, dst_hbm, hp_hbm, agg0_hbm, agg1_hbm,
             deg0_hbm, deg1_hbm,
             src_sup, dst_sup, rows_v, ones_v, z1_v, agg_sh, deg_sh, g0):
        c = lax.axis_index("c")
        s = lax.axis_index("s")
        wid = c * _NS + s
        row0 = s * rpt
        cbase = wid * nch

        def _z2(i, _):
            rows_v[i // (d // 16), pl.ds((i % (d // 16)) * 16, 16)] = (
                jnp.zeros((16,), _F32))
            return 0
        lax.fori_loop(0, 2 * ch * (d // 16), _z2, 0)

        def _z1(i, _):
            z1_v[pl.ds(i * 16, 16)] = jnp.zeros((16,), _F32)
            return 0
        lax.fori_loop(0, rpt // 16, _z1, 0)
        for v in range(ch // 16):
            ones_v[pl.ds(v * 16, 16)] = jnp.ones((16,), _F32)

        for q in range(rpt // ch):
            pltpu.sync_copy(
                rows_v.at[pl.ds(0, ch)],
                agg_sh.at[pl.ds(pl.multiple_of(row0 + q * ch, ch), ch)])
        pltpu.sync_copy(z1_v, deg_sh.at[pl.ds(pl.multiple_of(row0, rpt), rpt)])
        plsc.subcore_barrier()

        def step(p, _):
            jj = 2 * p
            pos = jj % _SUP

            @pl.when(pos == 0)
            def _():
                base = pl.multiple_of(cbase + jj, _SUP)
                pltpu.sync_copy(src_hbm.at[pl.ds(base, _SUP)], src_sup)
                pltpu.sync_copy(dst_hbm.at[pl.ds(base, _SUP)], dst_sup)

            pltpu.async_copy(hp_hbm.at[src_sup.at[pos]],
                             rows_v.at[pl.ds(0, ch)], g0)
            pltpu.async_copy(hp_hbm.at[src_sup.at[pos + 1]],
                             rows_v.at[pl.ds(ch, ch)], g0)
            pltpu.make_async_copy(hp_hbm.at[src_sup.at[pos]],
                                  rows_v.at[pl.ds(0, ch)], g0).wait()
            pltpu.make_async_copy(hp_hbm.at[src_sup.at[pos + 1]],
                                  rows_v.at[pl.ds(ch, ch)], g0).wait()

            pltpu.sync_copy(rows_v.at[pl.ds(0, ch)],
                            agg_sh.at[dst_sup.at[pos]], add=True)
            pltpu.sync_copy(ones_v, deg_sh.at[dst_sup.at[pos]], add=True)
            pltpu.sync_copy(rows_v.at[pl.ds(ch, ch)],
                            agg_sh.at[dst_sup.at[pos + 1]], add=True)
            pltpu.sync_copy(ones_v, deg_sh.at[dst_sup.at[pos + 1]], add=True)
            return 0

        lax.fori_loop(0, nch // 2, step, 0)
        plsc.subcore_barrier()

        for q in range(rpt // ch):
            r = pl.multiple_of(row0 + q * ch, ch)

            @pl.when(c == 0)
            def _():
                pltpu.sync_copy(agg_sh.at[pl.ds(r, ch)],
                                agg0_hbm.at[pl.ds(r, ch)])

            @pl.when(c == 1)
            def _():
                pltpu.sync_copy(agg_sh.at[pl.ds(r, ch)],
                                agg1_hbm.at[pl.ds(r, ch)])

        rr = pl.multiple_of(row0, rpt)

        @pl.when(c == 0)
        def _():
            pltpu.sync_copy(deg_sh.at[pl.ds(rr, rpt)],
                            deg0_hbm.at[pl.ds(rr, rpt)])

        @pl.when(c == 1)
        def _():
            pltpu.sync_copy(deg_sh.at[pl.ds(rr, rpt)],
                            deg1_hbm.at[pl.ds(rr, rpt)])

    return k_fn(src2, dst2, hp)


def _sc_conv1_edges(dst2, r2, np_):
    nch_total, ch = dst2.shape
    nch = nch_total // _NW
    d = r2.shape[1]
    rpt = np_ // _NS
    mesh = plsc.VectorSubcoreMesh(core_axis_name="c", subcore_axis_name="s",
                                  num_cores=_NC, num_subcores=_NS)

    @functools.partial(
        pl.kernel,
        out_type=(jax.ShapeDtypeStruct((np_, d), _F32),
                  jax.ShapeDtypeStruct((np_, d), _F32)),
        mesh=mesh,
        scratch_types=[
            pltpu.VMEM((_SUP, ch), jnp.int32),
            pltpu.VMEM((2 * ch, d), _F32),
            pltpu.VMEM_SHARED((np_, d), _F32),
        ])
    def k_fn(dst_hbm, r2_hbm, e0_hbm, e1_hbm,
             dst_sup, r_v, agg_sh):
        c = lax.axis_index("c")
        s = lax.axis_index("s")
        wid = c * _NS + s
        row0 = s * rpt
        cbase = wid * nch

        def _z2(i, _):
            r_v[i // (d // 16), pl.ds((i % (d // 16)) * 16, 16)] = (
                jnp.zeros((16,), _F32))
            return 0
        lax.fori_loop(0, 2 * ch * (d // 16), _z2, 0)
        for q in range(rpt // ch):
            pltpu.sync_copy(
                r_v.at[pl.ds(0, ch)],
                agg_sh.at[pl.ds(pl.multiple_of(row0 + q * ch, ch), ch)])
        plsc.subcore_barrier()

        def step(p, _):
            jj = 2 * p
            pos = jj % _SUP

            @pl.when(pos == 0)
            def _():
                base = pl.multiple_of(cbase + jj, _SUP)
                pltpu.sync_copy(dst_hbm.at[pl.ds(base, _SUP)], dst_sup)

            pltpu.sync_copy(
                r2_hbm.at[pl.ds(pl.multiple_of((cbase + jj) * ch, ch), 2 * ch)],
                r_v)
            pltpu.sync_copy(r_v.at[pl.ds(0, ch)],
                            agg_sh.at[dst_sup.at[pos]], add=True)
            pltpu.sync_copy(r_v.at[pl.ds(ch, ch)],
                            agg_sh.at[dst_sup.at[pos + 1]], add=True)
            return 0

        lax.fori_loop(0, nch // 2, step, 0)
        plsc.subcore_barrier()

        for q in range(rpt // ch):
            r = pl.multiple_of(row0 + q * ch, ch)

            @pl.when(c == 0)
            def _():
                pltpu.sync_copy(agg_sh.at[pl.ds(r, ch)],
                                e0_hbm.at[pl.ds(r, ch)])

            @pl.when(c == 1)
            def _():
                pltpu.sync_copy(agg_sh.at[pl.ds(r, ch)],
                                e1_hbm.at[pl.ds(r, ch)])

    return k_fn(dst2, r2)


def _conv1_finish(agg0, agg1, e0, e1, d0, d1, m3, c0, bc1r, Wc2):
    np_, d = agg0.shape
    blk = 1024
    grid = np_ // blk

    def body(a0, a1, e0r, e1r, d0r, d1r, m3r, c0r, b1r, wc2, s1_ref, deg_ref):
        degt = d0r[...] + d1r[...]
        degc = jnp.maximum(degt, 1.0)
        eagg = jnp.dot(e0r[...] + e1r[...], m3r[...],
                       preferred_element_type=_F32, precision=jax.lax.Precision.HIGHEST)
        agg = a0[...] + a1[...] + eagg + degt * c0r[...]
        z = agg / degc + b1r[...]
        h1 = jnp.maximum(z, 0.0)
        s1_ref[...] = jnp.dot(h1, wc2[...], preferred_element_type=_F32, precision=jax.lax.Precision.HIGHEST)
        deg_ref[...] = degc

    full = lambda i: (0, 0)
    nspec = lambda: pl.BlockSpec((blk, d), lambda i: (i, 0))
    return pl.pallas_call(
        body,
        grid=(grid,),
        in_specs=[nspec(), nspec(), nspec(), nspec(),
                  pl.BlockSpec((blk, 1), lambda i: (i, 0)),
                  pl.BlockSpec((blk, 1), lambda i: (i, 0)),
                  pl.BlockSpec((d, d), full),
                  pl.BlockSpec((1, d), full),
                  pl.BlockSpec((1, d), full),
                  pl.BlockSpec((d, 1), full)],
        out_specs=[pl.BlockSpec((blk, 1), lambda i: (i, 0)),
                   pl.BlockSpec((blk, 1), lambda i: (i, 0))],
        out_shape=[jax.ShapeDtypeStruct((np_, 1), _F32),
                   jax.ShapeDtypeStruct((np_, 1), _F32)],
    )(agg0, agg1, e0, e1, d0, d1, m3, c0, bc1r, Wc2)


def _sc_conv2(src2, dst2, s1_flat):
    nck_total, ln = src2.shape
    k = nck_total // _NW
    np_ = s1_flat.shape[0]
    rpt = np_ // _NS
    mesh = plsc.VectorSubcoreMesh(core_axis_name="c", subcore_axis_name="s",
                                  num_cores=_NC, num_subcores=_NS)

    @functools.partial(
        pl.kernel,
        out_type=(jax.ShapeDtypeStruct((np_,), _F32),
                  jax.ShapeDtypeStruct((np_,), _F32)),
        mesh=mesh,
        scratch_types=[
            pltpu.VMEM((k, ln), jnp.int32),
            pltpu.VMEM((k, ln), jnp.int32),
            pltpu.VMEM((8, ln), _F32),
            pltpu.VMEM((rpt,), _F32),
            pltpu.VMEM_SHARED((np_,), _F32),
            pltpu.SemaphoreType.DMA,
        ])
    def k_fn(src_hbm, dst_hbm, s1_hbm, out0_hbm, out1_hbm,
             src_v, dst_v, val_v, z1_v, out_sh, g0):
        c = lax.axis_index("c")
        s = lax.axis_index("s")
        wid = c * _NS + s
        row0 = s * rpt

        def _z1(i, _):
            z1_v[pl.ds(i * 16, 16)] = jnp.zeros((16,), _F32)
            return 0
        lax.fori_loop(0, rpt // 16, _z1, 0)
        rr = pl.multiple_of(row0, rpt)
        kb = pl.multiple_of(wid * k, 8)
        pltpu.sync_copy(z1_v, out_sh.at[pl.ds(rr, rpt)])
        pltpu.sync_copy(src_hbm.at[pl.ds(kb, k)], src_v)
        pltpu.sync_copy(dst_hbm.at[pl.ds(kb, k)], dst_v)
        plsc.subcore_barrier()

        def step(r, _):
            base = 8 * r
            for b in range(8):
                pltpu.async_copy(s1_hbm.at[src_v.at[base + b]],
                                 val_v.at[b], g0)
            for b in range(8):
                pltpu.make_async_copy(s1_hbm.at[src_v.at[base + b]],
                                      val_v.at[b], g0).wait()
            for b in range(8):
                pltpu.sync_copy(val_v.at[b], out_sh.at[dst_v.at[base + b]],
                                add=True)
            return 0

        lax.fori_loop(0, k // 8, step, 0)
        plsc.subcore_barrier()

        @pl.when(c == 0)
        def _():
            pltpu.sync_copy(out_sh.at[pl.ds(rr, rpt)],
                            out0_hbm.at[pl.ds(rr, rpt)])

        @pl.when(c == 1)
        def _():
            pltpu.sync_copy(out_sh.at[pl.ds(rr, rpt)],
                            out1_hbm.at[pl.ds(rr, rpt)])

    return k_fn(src2, dst2, s1_flat)


def _final(p0, p1, degc, bc2r):
    np_ = p0.shape[0]
    blk = 1024
    grid = np_ // blk

    def body(a, b, dg, b2, out_ref):
        out_ref[...] = (a[...] + b[...]) / dg[...] + b2[...]

    nspec = pl.BlockSpec((blk, 1), lambda i: (i, 0))
    return pl.pallas_call(
        body,
        grid=(grid,),
        in_specs=[nspec, nspec, nspec, pl.BlockSpec((1, 1), lambda i: (0, 0))],
        out_specs=nspec,
        out_shape=jax.ShapeDtypeStruct((np_, 1), _F32),
    )(p0, p1, degc, bc2r)


def kernel(x, edge_index, edge_attr, Wn1, bn1, Wn2, bn2, Wn3, bn3,
           We1, be1, We2, be2, We3, be3, Wc1, bc1, Wc2, bc2):
    n, d = x.shape
    e = edge_index.shape[1]
    epu = _NW * _SUP * _CH
    ep = -(-e // epu) * epu
    np_ = -(-n // (_NS * _LN)) * (_NS * _LN)
    if ep > e and np_ == n:
        np_ += _NS * _LN

    pad_e = ep - e
    src = edge_index[0].astype(jnp.int32)
    dst = edge_index[1].astype(jnp.int32)
    if pad_e:
        src = jnp.concatenate([src, jnp.zeros((pad_e,), jnp.int32)])
        dst = jnp.concatenate([dst, jnp.full((pad_e,), np_ - 1, jnp.int32)])
    x_pad = jnp.pad(x, ((0, np_ - n), (0, 0)))
    ea_pad = jnp.pad(edge_attr, ((0, pad_e), (0, 0)))

    r1 = lambda b: b.reshape(1, -1)
    hp, m3, c0 = _node_prep(x_pad, Wn1, r1(bn1), Wn2, r1(bn2), Wn3, r1(bn3),
                            Wc1, We3, r1(be3), n)
    r2 = _edge_mlp(ea_pad, We1, r1(be1), We2, r1(be2))
    agg0, agg1, deg0, deg1 = _sc_conv1(src.reshape(-1, _CH),
                                       dst.reshape(-1, _CH), hp)
    e0, e1 = _sc_conv1_edges(dst.reshape(-1, _CH), r2, np_)
    s1, degc = _conv1_finish(agg0, agg1, e0, e1,
                             deg0.reshape(np_, 1), deg1.reshape(np_, 1),
                             m3, c0, r1(bc1), Wc2)
    out0, out1 = _sc_conv2(src.reshape(-1, _LN), dst.reshape(-1, _LN),
                           s1.reshape(np_))
    outf = _final(out0.reshape(np_, 1), out1.reshape(np_, 1),
                  degc, bc2.reshape(1, 1))
    return outf[:n]

# --- scband reference (transcript-rebuilt; emitter-appended) ---
"""Pipeline reference for scband-my-nn-22557168239387 (READ-ONLY COPY).

The authoritative reference and input builder live on the scoring server;
editing this copy changes nothing except your own understanding.
"""

import jax, jax.numpy as jnp
import numpy as np

N = 10000
E = 320000
D = 128
DE = 16


def _w(k, shape, fan_in):
    return jax.random.normal(k, shape, dtype=jnp.float32) * (1.0 / np.sqrt(fan_in))


def setup_inputs(seed: int = 0):
    key = jax.random.key(seed)
    ks = jax.random.split(key, 24)
    inp = {}
    inp['x'] = jax.random.normal(ks[0], (N, D), dtype=jnp.float32)
    inp['edge_index'] = jax.random.randint(ks[1], (2, E), 0, N)
    inp['edge_attr'] = jax.random.normal(ks[2], (E, DE), dtype=jnp.float32)
    # node encoder MLP (Linear-ReLU-Linear-ReLU-Linear), all D->D
    inp['Wn1'] = _w(ks[3], (D, D), D); inp['bn1'] = jnp.zeros((D,), jnp.float32)
    inp['Wn2'] = _w(ks[4], (D, D), D); inp['bn2'] = jnp.zeros((D,), jnp.float32)
    inp['Wn3'] = _w(ks[5], (D, D), D); inp['bn3'] = jnp.zeros((D,), jnp.float32)
    # edge encoder MLP for the single edge type: DE->D, D->D, D->D
    inp['We1'] = _w(ks[6], (DE, D), DE); inp['be1'] = jnp.zeros((D,), jnp.float32)
    inp['We2'] = _w(ks[7], (D, D), D); inp['be2'] = jnp.zeros((D,), jnp.float32)
    inp['We3'] = _w(ks[8], (D, D), D); inp['be3'] = jnp.zeros((D,), jnp.float32)
    # GraphConv layers: conv1 D->D, conv2 D->1
    inp['Wc1'] = _w(ks[9], (D, D), D); inp['bc1'] = jnp.zeros((D,), jnp.float32)
    inp['Wc2'] = _w(ks[10], (D, 1), D); inp['bc2'] = jnp.zeros((1,), jnp.float32)
    return inp


def reference(x, edge_index, edge_attr, Wn1, bn1, Wn2, bn2, Wn3, bn3, We1, be1, We2, be2, We3, be3, Wc1, bc1, Wc2, bc2):
    # node embedding MLP
    h = x @ Wn1 + bn1
    h = jax.nn.relu(h)
    h = h @ Wn2 + bn2
    h = jax.nn.relu(h)
    h = h @ Wn3 + bn3
    # edge embedding MLP (single edge type)
    e = edge_attr @ We1 + be1
    e = jax.nn.relu(e)
    e = e @ We2 + be2
    e = jax.nn.relu(e)
    e = e @ We3 + be3
    src = edge_index[0]
    dst = edge_index[1]
    # u_add_v style message: source node embedding + edge embedding, mean-aggregated at dst
    msg = h[src] + e
    agg = jax.ops.segment_sum(msg, dst, num_segments=N)
    deg = jax.ops.segment_sum(jnp.ones((E, 1), jnp.float32), dst, num_segments=N)
    deg = jnp.maximum(deg, 1.0)
    agg = agg / deg
    h1 = jax.nn.relu(agg @ Wc1 + bc1)
    # second graph conv: gather-neighbors, mean, project to scalar
    msg2 = h1[src]
    agg2 = jax.ops.segment_sum(msg2, dst, num_segments=N) / deg
    out = agg2 @ Wc2 + bc2
    return out

if __name__ == "__main__":
    import jax
    _d = setup_inputs()
    print(jax.jit(kernel)(*tuple(_d.values())))

</pallas_src>

<mosaic_0001>
#map = affine_map<(d0, d1) -> (0, 0)>
#map1 = affine_map<(d0, d1) -> (0)>
module attributes {stable_mosaic.version = 14 : i64} {
  func.func @k_fn(%arg0: i32, %arg1: i32, %arg2: memref<2560x128xi32, #tpu.memory_space<hbm>>, %arg3: memref<2560x128xi32, #tpu.memory_space<hbm>>, %arg4: memref<10240xf32, #tpu.memory_space<hbm>>, %arg5: memref<10240xf32, #tpu.memory_space<hbm>>, %arg6: memref<10240xf32, #tpu.memory_space<hbm>>, %arg7: memref<80x128xi32, #tpu.memory_space<vmem>>, %arg8: memref<80x128xi32, #tpu.memory_space<vmem>>, %arg9: memref<8x128xf32, #tpu.memory_space<vmem>>, %arg10: memref<640xf32, #tpu.memory_space<vmem>>, %arg11: memref<10240xf32, #tpu.memory_space<vmem_shared>>, %arg12: memref<!tpu.dma_semaphore, #tpu.memory_space<semaphore_mem>>) attributes {dimension_semantics = [#tpu.dimension_semantics<core_parallel>, #tpu.dimension_semantics<subcore_parallel>], iteration_bounds = array<i64: 2, 16>, scalar_prefetch = 0 : i64, scratch_operands = 6 : i64, tpu.core_type = #tpu.core_type<sc_vector_subcore>, window_params = [{transform_indices = #map}, {transform_indices = #map}, {transform_indices = #map1}, {transform_indices = #map1}, {transform_indices = #map1}]} {
    %mul3A = arith.constant 16 : i32
    %mul3A_0 = arith.muli %arg0, %mul3A : i32
    %add3A = arith.addi %mul3A_0, %arg1 : i32
    %mul3A_1 = arith.constant 640 : i32
    %mul3A_2 = arith.muli %arg1, %mul3A_1 : i32
    %scan3A = arith.constant 0 : i32
    %scan3A_3 = arith.constant 0 : i32
    %scan3A_4 = arith.constant 40 : i32
    %scan3A_5 = arith.addi %scan3A_3, %scan3A_4 : i32
    %scan3A_6 = arith.constant 1 : i32
    %scan3A_7 = scf.for %scan3A_27 = %scan3A_3 to %scan3A_5 step %scan3A_6 iter_args(%scan3A_28 = %scan3A) -> (i32)  : i32 {
      %broadcast_in_dim3A = arith.constant 0.000000e+00 : f32
      %broadcast_in_dim3A_29 = vector.broadcast %broadcast_in_dim3A : f32 to vector<16xf32>
      %mul3A_30 = arith.constant 16 : i32
      %mul3A_31 = arith.muli %scan3A_27, %mul3A_30 : i32
      %swap3A = arith.index_cast %mul3A_31 : i32 to index
      %swap3A_32 = tpu.vector_load %arg10[%swap3A] {strides = array<i32>} : memref<640xf32, #tpu.memory_space<vmem>>, vector<16xf32>,
      %swap3A_33 = vector.shape_cast %swap3A_32 : vector<16xf32> to vector<16xf32>
      %swap3A_34 = vector.shape_cast %broadcast_in_dim3A_29 : vector<16xf32> to vector<16xf32>
      tpu.vector_store %arg10[%swap3A], %swap3A_34 {strides = array<i32>} : memref<640xf32, #tpu.memory_space<vmem>>, vector<16xf32>,
      %scan3A_35 = arith.constant 0 : i32
      scf.yield %scan3A_35 : i32
    }
    %scan3A_8 = arith.constant 40 : i32
    %multiple_of3A = tpu.assume_multiple %mul3A_2, 640 : i32
    %mul3A_9 = arith.constant 80 : i32
    %mul3A_10 = arith.muli %add3A, %mul3A_9 : i32
    %multiple_of3A_11 = tpu.assume_multiple %mul3A_10, 8 : i32
    "tpu.region"() ({
      %run_scoped3A = tpu.sem_alloc : memref<!tpu.dma_semaphore, #tpu.memory_space<semaphore_mem>>
      %dma_start3A = tpu.memref_slice %arg11[%multiple_of3A] : memref<10240xf32, #tpu.memory_space<vmem_shared>> -> memref<640xf32, #tpu.memory_space<vmem_shared>>
      %dma_start3A_27 = tpu.memref_slice %arg11[%multiple_of3A] : memref<10240xf32, #tpu.memory_space<vmem_shared>> -> memref<640xf32, #tpu.memory_space<vmem_shared>>
      tpu.enqueue_dma source(%arg10 : memref<640xf32, #tpu.memory_space<vmem>>) target(%dma_start3A_27 : memref<640xf32, #tpu.memory_space<vmem_shared>>) target_semaphore(%run_scoped3A : memref<!tpu.dma_semaphore, #tpu.memory_space<semaphore_mem>>)
      %dma_wait3A = tpu.memref_slice %arg11[%multiple_of3A] : memref<10240xf32, #tpu.memory_space<vmem_shared>> -> memref<640xf32, #tpu.memory_space<vmem_shared>>
      %dma_wait3A_28 = tpu.memref_slice %arg11[%multiple_of3A] : memref<10240xf32, #tpu.memory_space<vmem_shared>> -> memref<640xf32, #tpu.memory_space<vmem_shared>>
      tpu.wait_dma2 semaphore(%run_scoped3A : memref<!tpu.dma_semaphore, #tpu.memory_space<semaphore_mem>>) src(%arg10 : memref<640xf32, #tpu.memory_space<vmem>>) dst(%dma_wait3A_28 : memref<640xf32, #tpu.memory_space<vmem_shared>>)
      tpu.yield
    }) : () -> ()
    "tpu.region"() ({
      %run_scoped3A = tpu.sem_alloc : memref<!tpu.dma_semaphore, #tpu.memory_space<semaphore_mem>>
      %dma_start3A = arith.constant 0 : i32
      %dma_start3A_27 = tpu.memref_slice %arg2[%multiple_of3A_11, %dma_start3A] : memref<2560x128xi32, #tpu.memory_space<hbm>> -> memref<80x128xi32, #tpu.memory_space<hbm>>
      %dma_start3A_28 = arith.constant 0 : i32
      %dma_start3A_29 = tpu.memref_slice %arg2[%multiple_of3A_11, %dma_start3A_28] : memref<2560x128xi32, #tpu.memory_space<hbm>> -> memref<80x128xi32, #tpu.memory_space<hbm>>
      tpu.enqueue_dma source(%dma_start3A_29 : memref<80x128xi32, #tpu.memory_space<hbm>>) target(%arg7 : memref<80x128xi32, #tpu.memory_space<vmem>>) target_semaphore(%run_scoped3A : memref<!tpu.dma_semaphore, #tpu.memory_space<semaphore_mem>>)
      %dma_wait3A = arith.constant 0 : i32
      %dma_wait3A_30 = tpu.memref_slice %arg2[%multiple_of3A_11, %dma_wait3A] : memref<2560x128xi32, #tpu.memory_space<hbm>> -> memref<80x128xi32, #tpu.memory_space<hbm>>
      %dma_wait3A_31 = arith.constant 0 : i32
      %dma_wait3A_32 = tpu.memref_slice %arg2[%multiple_of3A_11, %dma_wait3A_31] : memref<2560x128xi32, #tpu.memory_space<hbm>> -> memref<80x128xi32, #tpu.memory_space<hbm>>
      tpu.wait_dma2 semaphore(%run_scoped3A : memref<!tpu.dma_semaphore, #tpu.memory_space<semaphore_mem>>) src(%dma_wait3A_32 : memref<80x128xi32, #tpu.memory_space<hbm>>) dst(%arg7 : memref<80x128xi32, #tpu.memory_space<vmem>>)
      tpu.yield
    }) : () -> ()
    "tpu.region"() ({
      %run_scoped3A = tpu.sem_alloc : memref<!tpu.dma_semaphore, #tpu.memory_space<semaphore_mem>>
      %dma_start3A = arith.constant 0 : i32
      %dma_start3A_27 = tpu.memref_slice %arg3[%multiple_of3A_11, %dma_start3A] : memref<2560x128xi32, #tpu.memory_space<hbm>> -> memref<80x128xi32, #tpu.memory_space<hbm>>
      %dma_start3A_28 = arith.constant 0 : i32
      %dma_start3A_29 = tpu.memref_slice %arg3[%multiple_of3A_11, %dma_start3A_28] : memref<2560x128xi32, #tpu.memory_space<hbm>> -> memref<80x128xi32, #tpu.memory_space<hbm>>
      tpu.enqueue_dma source(%dma_start3A_29 : memref<80x128xi32, #tpu.memory_space<hbm>>) target(%arg8 : memref<80x128xi32, #tpu.memory_space<vmem>>) target_semaphore(%run_scoped3A : memref<!tpu.dma_semaphore, #tpu.memory_space<semaphore_mem>>)
      %dma_wait3A = arith.constant 0 : i32
      %dma_wait3A_30 = tpu.memref_slice %arg3[%multiple_of3A_11, %dma_wait3A] : memref<2560x128xi32, #tpu.memory_space<hbm>> -> memref<80x128xi32, #tpu.memory_space<hbm>>
      %dma_wait3A_31 = arith.constant 0 : i32
      %dma_wait3A_32 = tpu.memref_slice %arg3[%multiple_of3A_11, %dma_wait3A_31] : memref<2560x128xi32, #tpu.memory_space<hbm>> -> memref<80x128xi32, #tpu.memory_space<hbm>>
      tpu.wait_dma2 semaphore(%run_scoped3A : memref<!tpu.dma_semaphore, #tpu.memory_space<semaphore_mem>>) src(%dma_wait3A_32 : memref<80x128xi32, #tpu.memory_space<hbm>>) dst(%arg8 : memref<80x128xi32, #tpu.memory_space<vmem>>)
      tpu.yield
    }) : () -> ()
    %barrier3A = arith.constant 0 : index
    tpu.barrier barrier_id(%barrier3A)
    %scan3A_12 = arith.constant 0 : i32
    %scan3A_13 = arith.constant 0 : i32
    %scan3A_14 = arith.constant 10 : i32
    %scan3A_15 = arith.addi %scan3A_13, %scan3A_14 : i32
    %scan3A_16 = arith.constant 1 : i32
    %scan3A_17 = scf.for %scan3A_27 = %scan3A_13 to %scan3A_15 step %scan3A_16 iter_args(%scan3A_28 = %scan3A_12) -> (i32)  : i32 {
      %mul3A_29 = arith.constant 8 : i32
      %mul3A_30 = arith.muli %mul3A_29, %scan3A_27 : i32
      %add3A_31 = arith.constant 0 : i32
      %add3A_32 = arith.addi %mul3A_30, %add3A_31 : i32
      %dma_start3A = arith.constant 0 : i32
      %dma_start3A_33 = arith.constant 0 : i32
      %dma_start3A_34 = tpu.memref_slice %arg9[%dma_start3A, %dma_start3A_33] : memref<8x128xf32, #tpu.memory_space<vmem>> -> memref<1x128xf32, #tpu.memory_space<vmem>>
      %dma_start3A_35 = tpu.memref_squeeze %dma_start3A_34 : memref<1x128xf32, #tpu.memory_space<vmem>> -> memref<128xf32, #tpu.memory_space<vmem>>
      %dma_start3A_36 = arith.constant 0 : i32
      %dma_start3A_37 = tpu.memref_slice %arg7[%add3A_32, %dma_start3A_36] : memref<80x128xi32, #tpu.memory_space<vmem>> -> memref<1x128xi32, #tpu.memory_space<vmem>>
      %dma_start3A_38 = tpu.memref_squeeze %dma_start3A_37 : memref<1x128xi32, #tpu.memory_space<vmem>> -> memref<128xi32, #tpu.memory_space<vmem>>
      %dma_start3A_39 = arith.constant 0 : i32
      %dma_start3A_40 = tpu.memref_slice %arg4[%dma_start3A_39] : memref<10240xf32, #tpu.memory_space<hbm>> -> memref<10240xf32, #tpu.memory_space<hbm>>
      tpu.enqueue_indirect_dma source(%dma_start3A_40 : memref<10240xf32, #tpu.memory_space<hbm>>) target(%dma_start3A_35 : memref<128xf32, #tpu.memory_space<vmem>>) offsets(%dma_start3A_38 : memref<128xi32, #tpu.memory_space<vmem>>) semaphore(%arg12 : memref<!tpu.dma_semaphore, #tpu.memory_space<semaphore_mem>>)
      %add3A_41 = arith.constant 1 : i32
      %add3A_42 = arith.addi %mul3A_30, %add3A_41 : i32
      %dma_start3A_43 = arith.constant 1 : i32
      %dma_start3A_44 = arith.constant 0 : i32
      %dma_start3A_45 = tpu.memref_slice %arg9[%dma_start3A_43, %dma_start3A_44] : memref<8x128xf32, #tpu.memory_space<vmem>> -> memref<1x128xf32, #tpu.memory_space<vmem>>
      %dma_start3A_46 = tpu.memref_squeeze %dma_start3A_45 : memref<1x128xf32, #tpu.memory_space<vmem>> -> memref<128xf32, #tpu.memory_space<vmem>>
      %dma_start3A_47 = arith.constant 0 : i32
      %dma_start3A_48 = tpu.memref_slice %arg7[%add3A_42, %dma_start3A_47] : memref<80x128xi32, #tpu.memory_space<vmem>> -> memref<1x128xi32, #tpu.memory_space<vmem>>
      %dma_start3A_49 = tpu.memref_squeeze %dma_start3A_48 : memref<1x128xi32, #tpu.memory_space<vmem>> -> memref<128xi32, #tpu.memory_space<vmem>>
      %dma_start3A_50 = arith.constant 0 : i32
      %dma_start3A_51 = tpu.memref_slice %arg4[%dma_start3A_50] : memref<10240xf32, #tpu.memory_space<hbm>> -> memref<10240xf32, #tpu.memory_space<hbm>>
      tpu.enqueue_indirect_dma source(%dma_start3A_51 : memref<10240xf32, #tpu.memory_space<hbm>>) target(%dma_start3A_46 : memref<128xf32, #tpu.memory_space<vmem>>) offsets(%dma_start3A_49 : memref<128xi32, #tpu.memory_space<vmem>>) semaphore(%arg12 : memref<!tpu.dma_semaphore, #tpu.memory_space<semaphore_mem>>)
      %add3A_52 = arith.constant 2 : i32
      %add3A_53 = arith.addi %mul3A_30, %add3A_52 : i32
      %dma_start3A_54 = arith.constant 2 : i32
      %dma_start3A_55 = arith.constant 0 : i32
      %dma_start3A_56 = tpu.memref_slice %arg9[%dma_start3A_54, %dma_start3A_55] : memref<8x128xf32, #tpu.memory_space<vmem>> -> memref<1x128xf32, #tpu.memory_space<vmem>>
      %dma_start3A_57 = tpu.memref_squeeze %dma_start3A_56 : memref<1x128xf32, #tpu.memory_space<vmem>> -> memref<128xf32, #tpu.memory_space<vmem>>
      %dma_start3A_58 = arith.constant 0 : i32
      %dma_start3A_59 = tpu.memref_slice %arg7[%add3A_53, %dma_start3A_58] : memref<80x128xi32, #tpu.memory_space<vmem>> -> memref<1x128xi32, #tpu.memory_space<vmem>>
      %dma_start3A_60 = tpu.memref_squeeze %dma_start3A_59 : memref<1x128xi32, #tpu.memory_space<vmem>> -> memref<128xi32, #tpu.memory_space<vmem>>
      %dma_start3A_61 = arith.constant 0 : i32
      %dma_start3A_62 = tpu.memref_slice %arg4[%dma_start3A_61] : memref<10240xf32, #tpu.memory_space<hbm>> -> memref<10240xf32, #tpu.memory_space<hbm>>
      tpu.enqueue_indirect_dma source(%dma_start3A_62 : memref<10240xf32, #tpu.memory_space<hbm>>) target(%dma_start3A_57 : memref<128xf32, #tpu.memory_space<vmem>>) offsets(%dma_start3A_60 : memref<128xi32, #tpu.memory_space<vmem>>) semaphore(%arg12 : memref<!tpu.dma_semaphore, #tpu.memory_space<semaphore_mem>>)
      %add3A_63 = arith.constant 3 : i32
      %add3A_64 = arith.addi %mul3A_30, %add3A_63 : i32
      %dma_start3A_65 = arith.constant 3 : i32
      %dma_start3A_66 = arith.constant 0 : i32
      %dma_start3A_67 = tpu.memref_slice %arg9[%dma_start3A_65, %dma_start3A_66] : memref<8x128xf32, #tpu.memory_space<vmem>> -> memref<1x128xf32, #tpu.memory_space<vmem>>
      %dma_start3A_68 = tpu.memref_squeeze %dma_start3A_67 : memref<1x128xf32, #tpu.memory_space<vmem>> -> memref<128xf32, #tpu.memory_space<vmem>>
      %dma_start3A_69 = arith.constant 0 : i32
      %dma_start3A_70 = tpu.memref_slice %arg7[%add3A_64, %dma_start3A_69] : memref<80x128xi32, #tpu.memory_space<vmem>> -> memref<1x128xi32, #tpu.memory_space<vmem>>
      %dma_start3A_71 = tpu.memref_squeeze %dma_start3A_70 : memref<1x128xi32, #tpu.memory_space<vmem>> -> memref<128xi32, #tpu.memory_space<vmem>>
      %dma_start3A_72 = arith.constant 0 : i32
      %dma_start3A_73 = tpu.memref_slice %arg4[%dma_start3A_72] : memref<10240xf32, #tpu.memory_space<hbm>> -> memref<10240xf32, #tpu.memory_space<hbm>>
      tpu.enqueue_indirect_dma source(%dma_start3A_73 : memref<10240xf32, #tpu.memory_space<hbm>>) target(%dma_start3A_68 : memref<128xf32, #tpu.memory_space<vmem>>) offsets(%dma_start3A_71 : memref<128xi32, #tpu.memory_space<vmem>>) semaphore(%arg12 : memref<!tpu.dma_semaphore, #tpu.memory_space<semaphore_mem>>)
      %add3A_74 = arith.constant 4 : i32
      %add3A_75 = arith.addi %mul3A_30, %add3A_74 : i32
      %dma_start3A_76 = arith.constant 4 : i32
      %dma_start3A_77 = arith.constant 0 : i32
      %dma_start3A_78 = tpu.memref_slice %arg9[%dma_start3A_76, %dma_start3A_77] : memref<8x128xf32, #tpu.memory_space<vmem>> -> memref<1x128xf32, #tpu.memory_space<vmem>>
      %dma_start3A_79 = tpu.memref_squeeze %dma_start3A_78 : memref<1x128xf32, #tpu.memory_space<vmem>> -> memref<128xf32, #tpu.memory_space<vmem>>
      %dma_start3A_80 = arith.constant 0 : i32
      %dma_start3A_81 = tpu.memref_slice %arg7[%add3A_75, %dma_start3A_80] : memref<80x128xi32, #tpu.memory_space<vmem>> -> memref<1x128xi32, #tpu.memory_space<vmem>>
      %dma_start3A_82 = tpu.memref_squeeze %dma_start3A_81 : memref<1x128xi32, #tpu.memory_space<vmem>> -> memref<128xi32, #tpu.memory_space<vmem>>
      %dma_start3A_83 = arith.constant 0 : i32
      %dma_start3A_84 = tpu.memref_slice %arg4[%dma_start3A_83] : memref<10240xf32, #tpu.memory_space<hbm>> -> memref<10240xf32, #tpu.memory_space<hbm>>
      tpu.enqueue_indirect_dma source(%dma_start3A_84 : memref<10240xf32, #tpu.memory_space<hbm>>) target(%dma_start3A_79 : memref<128xf32, #tpu.memory_space<vmem>>) offsets(%dma_start3A_82 : memref<128xi32, #tpu.memory_space<vmem>>) semaphore(%arg12 : memref<!tpu.dma_semaphore, #tpu.memory_space<semaphore_mem>>)
      %add3A_85 = arith.constant 5 : i32
      %add3A_86 = arith.addi %mul3A_30, %add3A_85 : i32
      %dma_start3A_87 = arith.constant 5 : i32
      %dma_start3A_88 = arith.constant 0 : i32
      %dma_start3A_89 = tpu.memref_slice %arg9[%dma_start3A_87, %dma_start3A_88] : memref<8x128xf32, #tpu.memory_space<vmem>> -> memref<1x128xf32, #tpu.memory_space<vmem>>
      %dma_start3A_90 = tpu.memref_squeeze %dma_start3A_89 : memref<1x128xf32, #tpu.memory_space<vmem>> -> memref<128xf32, #tpu.memory_space<vmem>>
      %dma_start3A_91 = arith.constant 0 : i32
      %dma_start3A_92 = tpu.memref_slice %arg7[%add3A_86, %dma_start3A_91] : memref<80x128xi32, #tpu.memory_space<vmem>> -> memref<1x128xi32, #tpu.memory_space<vmem>>
      %dma_start3A_93 = tpu.memref_squeeze %dma_start3A_92 : memref<1x128xi32, #tpu.memory_space<vmem>> -> memref<128xi32, #tpu.memory_space<vmem>>
      %dma_start3A_94 = arith.constant 0 : i32
      %dma_start3A_95 = tpu.memref_slice %arg4[%dma_start3A_94] : memref<10240xf32, #tpu.memory_space<hbm>> -> memref<10240xf32, #tpu.memory_space<hbm>>
      tpu.enqueue_indirect_dma source(%dma_start3A_95 : memref<10240xf32, #tpu.memory_space<hbm>>) target(%dma_start3A_90 : memref<128xf32, #tpu.memory_space<vmem>>) offsets(%dma_start3A_93 : memref<128xi32, #tpu.memory_space<vmem>>) semaphore(%arg12 : memref<!tpu.dma_semaphore, #tpu.memory_space<semaphore_mem>>)
      %add3A_96 = arith.constant 6 : i32
      %add3A_97 = arith.addi %mul3A_30, %add3A_96 : i32
      %dma_start3A_98 = arith.constant 6 : i32
      %dma_start3A_99 = arith.constant 0 : i32
      %dma_start3A_100 = tpu.memref_slice %arg9[%dma_start3A_98, %dma_start3A_99] : memref<8x128xf32, #tpu.memory_space<vmem>> -> memref<1x128xf32, #tpu.memory_space<vmem>>
      %dma_start3A_101 = tpu.memref_squeeze %dma_start3A_100 : memref<1x128xf32, #tpu.memory_space<vmem>> -> memref<128xf32, #tpu.memory_space<vmem>>
      %dma_start3A_102 = arith.constant 0 : i32
      %dma_start3A_103 = tpu.memref_slice %arg7[%add3A_97, %dma_start3A_102] : memref<80x128xi32, #tpu.memory_space<vmem>> -> memref<1x128xi32, #tpu.memory_space<vmem>>
      %dma_start3A_104 = tpu.memref_squeeze %dma_start3A_103 : memref<1x128xi32, #tpu.memory_space<vmem>> -> memref<128xi32, #tpu.memory_space<vmem>>
      %dma_start3A_105 = arith.constant 0 : i32
      %dma_start3A_106 = tpu.memref_slice %arg4[%dma_start3A_105] : memref<10240xf32, #tpu.memory_space<hbm>> -> memref<10240xf32, #tpu.memory_space<hbm>>
      tpu.enqueue_indirect_dma source(%dma_start3A_106 : memref<10240xf32, #tpu.memory_space<hbm>>) target(%dma_start3A_101 : memref<128xf32, #tpu.memory_space<vmem>>) offsets(%dma_start3A_104 : memref<128xi32, #tpu.memory_space<vmem>>) semaphore(%arg12 : memref<!tpu.dma_semaphore, #tpu.memory_space<semaphore_mem>>)
      %add3A_107 = arith.constant 7 : i32
      %add3A_108 = arith.addi %mul3A_30, %add3A_107 : i32
      %dma_start3A_109 = arith.constant 7 : i32
      %dma_start3A_110 = arith.constant 0 : i32
      %dma_start3A_111 = tpu.memref_slice %arg9[%dma_start3A_109, %dma_start3A_110] : memref<8x128xf32, #tpu.memory_space<vmem>> -> memref<1x128xf32, #tpu.memory_space<vmem>>
      %dma_start3A_112 = tpu.memref_squeeze %dma_start3A_111 : memref<1x128xf32, #tpu.memory_space<vmem>> -> memref<128xf32, #tpu.memory_space<vmem>>
      %dma_start3A_113 = arith.constant 0 : i32
      %dma_start3A_114 = tpu.memref_slice %arg7[%add3A_108, %dma_start3A_113] : memref<80x128xi32, #tpu.memory_space<vmem>> -> memref<1x128xi32, #tpu.memory_space<vmem>>
      %dma_start3A_115 = tpu.memref_squeeze %dma_start3A_114 : memref<1x128xi32, #tpu.memory_space<vmem>> -> memref<128xi32, #tpu.memory_space<vmem>>
      %dma_start3A_116 = arith.constant 0 : i32
      %dma_start3A_117 = tpu.memref_slice %arg4[%dma_start3A_116] : memref<10240xf32, #tpu.memory_space<hbm>> -> memref<10240xf32, #tpu.memory_space<hbm>>
      tpu.enqueue_indirect_dma source(%dma_start3A_117 : memref<10240xf32, #tpu.memory_space<hbm>>) target(%dma_start3A_112 : memref<128xf32, #tpu.memory_space<vmem>>) offsets(%dma_start3A_115 : memref<128xi32, #tpu.memory_space<vmem>>) semaphore(%arg12 : memref<!tpu.dma_semaphore, #tpu.memory_space<semaphore_mem>>)
      %add3A_118 = arith.constant 0 : i32
      %add3A_119 = arith.addi %mul3A_30, %add3A_118 : i32
      %dma_wait3A = arith.constant 0 : i32
      %dma_wait3A_120 = arith.constant 0 : i32
      %dma_wait3A_121 = tpu.memref_slice %arg9[%dma_wait3A, %dma_wait3A_120] : memref<8x128xf32, #tpu.memory_space<vmem>> -> memref<1x128xf32, #tpu.memory_space<vmem>>
      %dma_wait3A_122 = tpu.memref_squeeze %dma_wait3A_121 : memref<1x128xf32, #tpu.memory_space<vmem>> -> memref<128xf32, #tpu.memory_space<vmem>>
      %dma_wait3A_123 = arith.constant 0 : i32
      %dma_wait3A_124 = tpu.memref_slice %arg7[%add3A_119, %dma_wait3A_123] : memref<80x128xi32, #tpu.memory_space<vmem>> -> memref<1x128xi32, #tpu.memory_space<vmem>>
      %dma_wait3A_125 = tpu.memref_squeeze %dma_wait3A_124 : memref<1x128xi32, #tpu.memory_space<vmem>> -> memref<128xi32, #tpu.memory_space<vmem>>
      %dma_wait3A_126 = arith.constant 0 : i32
      %dma_wait3A_127 = tpu.memref_slice %arg4[%dma_wait3A_126] : memref<10240xf32, #tpu.memory_space<hbm>> -> memref<10240xf32, #tpu.memory_space<hbm>>
      tpu.wait_indirect_dma semaphore(%arg12 : memref<!tpu.dma_semaphore, #tpu.memory_space<semaphore_mem>>) src(%dma_wait3A_127 : memref<10240xf32, #tpu.memory_space<hbm>>) dst(%dma_wait3A_122 : memref<128xf32, #tpu.memory_space<vmem>>)
      %add3A_128 = arith.constant 1 : i32
      %add3A_129 = arith.addi %mul3A_30, %add3A_128 : i32
      %dma_wait3A_130 = arith.constant 1 : i32
      %dma_wait3A_131 = arith.constant 0 : i32
      %dma_wait3A_132 = tpu.memref_slice %arg9[%dma_wait3A_130, %dma_wait3A_131] : memref<8x128xf32, #tpu.memory_space<vmem>> -> memref<1x128xf32, #tpu.memory_space<vmem>>
      %dma_wait3A_133 = tpu.memref_squeeze %dma_wait3A_132 : memref<1x128xf32, #tpu.memory_space<vmem>> -> memref<128xf32, #tpu.memory_space<vmem>>
      %dma_wait3A_134 = arith.constant 0 : i32
      %dma_wait3A_135 = tpu.memref_slice %arg7[%add3A_129, %dma_wait3A_134] : memref<80x128xi32, #tpu.memory_space<vmem>> -> memref<1x128xi32, #tpu.memory_space<vmem>>
      %dma_wait3A_136 = tpu.memref_squeeze %dma_wait3A_135 : memref<1x128xi32, #tpu.memory_space<vmem>> -> memref<128xi32, #tpu.memory_space<vmem>>
      %dma_wait3A_137 = arith.constant 0 : i32
      %dma_wait3A_138 = tpu.memref_slice %arg4[%dma_wait3A_137] : memref<10240xf32, #tpu.memory_space<hbm>> -> memref<10240xf32, #tpu.memory_space<hbm>>
      tpu.wait_indirect_dma semaphore(%arg12 : memref<!tpu.dma_semaphore, #tpu.memory_space<semaphore_mem>>) src(%dma_wait3A_138 : memref<10240xf32, #tpu.memory_space<hbm>>) dst(%dma_wait3A_133 : memref<128xf32, #tpu.memory_space<vmem>>)
      %add3A_139 = arith.constant 2 : i32
      %add3A_140 = arith.addi %mul3A_30, %add3A_139 : i32
      %dma_wait3A_141 = arith.constant 2 : i32
      %dma_wait3A_142 = arith.constant 0 : i32
      %dma_wait3A_143 = tpu.memref_slice %arg9[%dma_wait3A_141, %dma_wait3A_142] : memref<8x128xf32, #tpu.memory_space<vmem>> -> memref<1x128xf32, #tpu.memory_space<vmem>>
      %dma_wait3A_144 = tpu.memref_squeeze %dma_wait3A_143 : memref<1x128xf32, #tpu.memory_space<vmem>> -> memref<128xf32, #tpu.memory_space<vmem>>
      %dma_wait3A_145 = arith.constant 0 : i32
      %dma_wait3A_146 = tpu.memref_slice %arg7[%add3A_140, %dma_wait3A_145] : memref<80x128xi32, #tpu.memory_space<vmem>> -> memref<1x128xi32, #tpu.memory_space<vmem>>
      %dma_wait3A_147 = tpu.memref_squeeze %dma_wait3A_146 : memref<1x128xi32, #tpu.memory_space<vmem>> -> memref<128xi32, #tpu.memory_space<vmem>>
      %dma_wait3A_148 = arith.constant 0 : i32
      %dma_wait3A_149 = tpu.memref_slice %arg4[%dma_wait3A_148] : memref<10240xf32, #tpu.memory_space<hbm>> -> memref<10240xf32, #tpu.memory_space<hbm>>
      tpu.wait_indirect_dma semaphore(%arg12 : memref<!tpu.dma_semaphore, #tpu.memory_space<semaphore_mem>>) src(%dma_wait3A_149 : memref<10240xf32, #tpu.memory_space<hbm>>) dst(%dma_wait3A_144 : memref<128xf32, #tpu.memory_space<vmem>>)
      %add3A_150 = arith.constant 3 : i32
      %add3A_151 = arith.addi %mul3A_30, %add3A_150 : i32
      %dma_wait3A_152 = arith.constant 3 : i32
      %dma_wait3A_153 = arith.constant 0 : i32
      %dma_wait3A_154 = tpu.memref_slice %arg9[%dma_wait3A_152, %dma_wait3A_153] : memref<8x128xf32, #tpu.memory_space<vmem>> -> memref<1x128xf32, #tpu.memory_space<vmem>>
      %dma_wait3A_155 = tpu.memref_squeeze %dma_wait3A_154 : memref<1x128xf32, #tpu.memory_space<vmem>> -> memref<128xf32, #tpu.memory_space<vmem>>
      %dma_wait3A_156 = arith.constant 0 : i32
      %dma_wait3A_157 = tpu.memref_slice %arg7[%add3A_151, %dma_wait3A_156] : memref<80x128xi32, #tpu.memory_space<vmem>> -> memref<1x128xi32, #tpu.memory_space<vmem>>
      %dma_wait3A_158 = tpu.memref_squeeze %dma_wait3A_157 : memref<1x128xi32, #tpu.memory_space<vmem>> -> memref<128xi32, #tpu.memory_space<vmem>>
      %dma_wait3A_159 = arith.constant 0 : i32
      %dma_wait3A_160 = tpu.memref_slice %arg4[%dma_wait3A_159] : memref<10240xf32, #tpu.memory_space<hbm>> -> memref<10240xf32, #tpu.memory_space<hbm>>
      tpu.wait_indirect_dma semaphore(%arg12 : memref<!tpu.dma_semaphore, #tpu.memory_space<semaphore_mem>>) src(%dma_wait3A_160 : memref<10240xf32, #tpu.memory_space<hbm>>) dst(%dma_wait3A_155 : memref<128xf32, #tpu.memory_space<vmem>>)
      %add3A_161 = arith.constant 4 : i32
      %add3A_162 = arith.addi %mul3A_30, %add3A_161 : i32
      %dma_wait3A_163 = arith.constant 4 : i32
      %dma_wait3A_164 = arith.constant 0 : i32
      %dma_wait3A_165 = tpu.memref_slice %arg9[%dma_wait3A_163, %dma_wait3A_164] : memref<8x128xf32, #tpu.memory_space<vmem>> -> memref<1x128xf32, #tpu.memory_space<vmem>>
      %dma_wait3A_166 = tpu.memref_squeeze %dma_wait3A_165 : memref<1x128xf32, #tpu.memory_space<vmem>> -> memref<128xf32, #tpu.memory_space<vmem>>
      %dma_wait3A_167 = arith.constant 0 : i32
      %dma_wait3A_168 = tpu.memref_slice %arg7[%add3A_162, %dma_wait3A_167] : memref<80x128xi32, #tpu.memory_space<vmem>> -> memref<1x128xi32, #tpu.memory_space<vmem>>
      %dma_wait3A_169 = tpu.memref_squeeze %dma_wait3A_168 : memref<1x128xi32, #tpu.memory_space<vmem>> -> memref<128xi32, #tpu.memory_space<vmem>>
      %dma_wait3A_170 = arith.constant 0 : i32
      %dma_wait3A_171 = tpu.memref_slice %arg4[%dma_wait3A_170] : memref<10240xf32, #tpu.memory_space<hbm>> -> memref<10240xf32, #tpu.memory_space<hbm>>
      tpu.wait_indirect_dma semaphore(%arg12 : memref<!tpu.dma_semaphore, #tpu.memory_space<semaphore_mem>>) src(%dma_wait3A_171 : memref<10240xf32, #tpu.memory_space<hbm>>) dst(%dma_wait3A_166 : memref<128xf32, #tpu.memory_space<vmem>>)
      %add3A_172 = arith.constant 5 : i32
      %add3A_173 = arith.addi %mul3A_30, %add3A_172 : i32
      %dma_wait3A_174 = arith.constant 5 : i32
      %dma_wait3A_175 = arith.constant 0 : i32
      %dma_wait3A_176 = tpu.memref_slice %arg9[%dma_wait3A_174, %dma_wait3A_175] : memref<8x128xf32, #tpu.memory_space<vmem>> -> memref<1x128xf32, #tpu.memory_space<vmem>>
      %dma_wait3A_177 = tpu.memref_squeeze %dma_wait3A_176 : memref<1x128xf32, #tpu.memory_space<vmem>> -> memref<128xf32, #tpu.memory_space<vmem>>
      %dma_wait3A_178 = arith.constant 0 : i32
      %dma_wait3A_179 = tpu.memref_slice %arg7[%add3A_173, %dma_wait3A_178] : memref<80x128xi32, #tpu.memory_space<vmem>> -> memref<1x128xi32, #tpu.memory_space<vmem>>
      %dma_wait3A_180 = tpu.memref_squeeze %dma_wait3A_179 : memref<1x128xi32, #tpu.memory_space<vmem>> -> memref<128xi32, #tpu.memory_space<vmem>>
      %dma_wait3A_181 = arith.constant 0 : i32
      %dma_wait3A_182 = tpu.memref_slice %arg4[%dma_wait3A_181] : memref<10240xf32, #tpu.memory_space<hbm>> -> memref<10240xf32, #tpu.memory_space<hbm>>
      tpu.wait_indirect_dma semaphore(%arg12 : memref<!tpu.dma_semaphore, #tpu.memory_space<semaphore_mem>>) src(%dma_wait3A_182 : memref<10240xf32, #tpu.memory_space<hbm>>) dst(%dma_wait3A_177 : memref<128xf32, #tpu.memory_space<vmem>>)
      %add3A_183 = arith.constant 6 : i32
      %add3A_184 = arith.addi %mul3A_30, %add3A_183 : i32
      %dma_wait3A_185 = arith.constant 6 : i32
      %dma_wait3A_186 = arith.constant 0 : i32
      %dma_wait3A_187 = tpu.memref_slice %arg9[%dma_wait3A_185, %dma_wait3A_186] : memref<8x128xf32, #tpu.memory_space<vmem>> -> memref<1x128xf32, #tpu.memory_space<vmem>>
      %dma_wait3A_188 = tpu.memref_squeeze %dma_wait3A_187 : memref<1x128xf32, #tpu.memory_space<vmem>> -> memref<128xf32, #tpu.memory_space<vmem>>
      %dma_wait3A_189 = arith.constant 0 : i32
      %dma_wait3A_190 = tpu.memref_slice %arg7[%add3A_184, %dma_wait3A_189] : memref<80x128xi32, #tpu.memory_space<vmem>> -> memref<1x128xi32, #tpu.memory_space<vmem>>
      %dma_wait3A_191 = tpu.memref_squeeze %dma_wait3A_190 : memref<1x128xi32, #tpu.memory_space<vmem>> -> memref<128xi32, #tpu.memory_space<vmem>>
      %dma_wait3A_192 = arith.constant 0 : i32
      %dma_wait3A_193 = tpu.memref_slice %arg4[%dma_wait3A_192] : memref<10240xf32, #tpu.memory_space<hbm>> -> memref<10240xf32, #tpu.memory_space<hbm>>
      tpu.wait_indirect_dma semaphore(%arg12 : memref<!tpu.dma_semaphore, #tpu.memory_space<semaphore_mem>>) src(%dma_wait3A_193 : memref<10240xf32, #tpu.memory_space<hbm>>) dst(%dma_wait3A_188 : memref<128xf32, #tpu.memory_space<vmem>>)
      %add3A_194 = arith.constant 7 : i32
      %add3A_195 = arith.addi %mul3A_30, %add3A_194 : i32
      %dma_wait3A_196 = arith.constant 7 : i32
      %dma_wait3A_197 = arith.constant 0 : i32
      %dma_wait3A_198 = tpu.memref_slice %arg9[%dma_wait3A_196, %dma_wait3A_197] : memref<8x128xf32, #tpu.memory_space<vmem>> -> memref<1x128xf32, #tpu.memory_space<vmem>>
      %dma_wait3A_199 = tpu.memref_squeeze %dma_wait3A_198 : memref<1x128xf32, #tpu.memory_space<vmem>> -> memref<128xf32, #tpu.memory_space<vmem>>
      %dma_wait3A_200 = arith.constant 0 : i32
      %dma_wait3A_201 = tpu.memref_slice %arg7[%add3A_195, %dma_wait3A_200] : memref<80x128xi32, #tpu.memory_space<vmem>> -> memref<1x128xi32, #tpu.memory_space<vmem>>
      %dma_wait3A_202 = tpu.memref_squeeze %dma_wait3A_201 : memref<1x128xi32, #tpu.memory_space<vmem>> -> memref<128xi32, #tpu.memory_space<vmem>>
      %dma_wait3A_203 = arith.constant 0 : i32
      %dma_wait3A_204 = tpu.memref_slice %arg4[%dma_wait3A_203] : memref<10240xf32, #tpu.memory_space<hbm>> -> memref<10240xf32, #tpu.memory_space<hbm>>
      tpu.wait_indirect_dma semaphore(%arg12 : memref<!tpu.dma_semaphore, #tpu.memory_space<semaphore_mem>>) src(%dma_wait3A_204 : memref<10240xf32, #tpu.memory_space<hbm>>) dst(%dma_wait3A_199 : memref<128xf32, #tpu.memory_space<vmem>>)
      %add3A_205 = arith.constant 0 : i32
      %add3A_206 = arith.addi %mul3A_30, %add3A_205 : i32
      %run_scoped3A = arith.constant 0 : i32
      "tpu.region"() ({
        %run_scoped3A_229 = tpu.sem_alloc : memref<!tpu.dma_semaphore, #tpu.memory_space<semaphore_mem>>
        %dma_start3A_230 = arith.constant 0 : i32
        %dma_start3A_231 = tpu.memref_slice %arg9[%run_scoped3A, %dma_start3A_230] : memref<8x128xf32, #tpu.memory_space<vmem>> -> memref<1x128xf32, #tpu.memory_space<vmem>>
        %dma_start3A_232 = tpu.memref_squeeze %dma_start3A_231 : memref<1x128xf32, #tpu.memory_space<vmem>> -> memref<128xf32, #tpu.memory_space<vmem>>
        %dma_start3A_233 = arith.constant 0 : i32
        %dma_start3A_234 = tpu.memref_slice %arg8[%add3A_206, %dma_start3A_233] : memref<80x128xi32, #tpu.memory_space<vmem>> -> memref<1x128xi32, #tpu.memory_space<vmem>>
        %dma_start3A_235 = tpu.memref_squeeze %dma_start3A_234 : memref<1x128xi32, #tpu.memory_space<vmem>> -> memref<128xi32, #tpu.memory_space<vmem>>
        %dma_start3A_236 = arith.constant 0 : i32
        %dma_start3A_237 = tpu.memref_slice %arg11[%dma_start3A_236] : memref<10240xf32, #tpu.memory_space<vmem_shared>> -> memref<10240xf32, #tpu.memory_space<vmem_shared>>
        tpu.enqueue_indirect_dma source(%dma_start3A_232 : memref<128xf32, #tpu.memory_space<vmem>>) target(%dma_start3A_237 : memref<10240xf32, #tpu.memory_space<vmem_shared>>) offsets(%dma_start3A_235 : memref<128xi32, #tpu.memory_space<vmem>>) semaphore(%run_scoped3A_229 : memref<!tpu.dma_semaphore, #tpu.memory_space<semaphore_mem>>) {add = true}
        %dma_wait3A_238 = arith.constant 0 : i32
        %dma_wait3A_239 = tpu.memref_slice %arg9[%run_scoped3A, %dma_wait3A_238] : memref<8x128xf32, #tpu.memory_space<vmem>> -> memref<1x128xf32, #tpu.memory_space<vmem>>
        %dma_wait3A_240 = tpu.memref_squeeze %dma_wait3A_239 : memref<1x128xf32, #tpu.memory_space<vmem>> -> memref<128xf32, #tpu.memory_space<vmem>>
        %dma_wait3A_241 = arith.constant 0 : i32
        %dma_wait3A_242 = tpu.memref_slice %arg8[%add3A_206, %dma_wait3A_241] : memref<80x128xi32, #tpu.memory_space<vmem>> -> memref<1x128xi32, #tpu.memory_space<vmem>>
        %dma_wait3A_243 = tpu.memref_squeeze %dma_wait3A_242 : memref<1x128xi32, #tpu.memory_space<vmem>> -> memref<128xi32, #tpu.memory_space<vmem>>
        %dma_wait3A_244 = arith.constant 0 : i32
        %dma_wait3A_245 = tpu.memref_slice %arg11[%dma_wait3A_244] : memref<10240xf32, #tpu.memory_space<vmem_shared>> -> memref<10240xf32, #tpu.memory_space<vmem_shared>>
        tpu.wait_indirect_dma semaphore(%run_scoped3A_229 : memref<!tpu.dma_semaphore, #tpu.memory_space<semaphore_mem>>) src(%dma_wait3A_240 : memref<128xf32, #tpu.memory_space<vmem>>) dst(%dma_wait3A_245 : memref<10240xf32, #tpu.memory_space<vmem_shared>>)
        tpu.yield
      }) : () -> ()
      %add3A_207 = arith.constant 1 : i32
      %add3A_208 = arith.addi %mul3A_30, %add3A_207 : i32
      %run_scoped3A_209 = arith.constant 1 : i32
      "tpu.region"() ({
        %run_scoped3A_229 = tpu.sem_alloc : memref<!tpu.dma_semaphore, #tpu.memory_space<semaphore_mem>>
        %dma_start3A_230 = arith.constant 0 : i32
        %dma_start3A_231 = tpu.memref_slice %arg9[%run_scoped3A_209, %dma_start3A_230] : memref<8x128xf32, #tpu.memory_space<vmem>> -> memref<1x128xf32, #tpu.memory_space<vmem>>
        %dma_start3A_232 = tpu.memref_squeeze %dma_start3A_231 : memref<1x128xf32, #tpu.memory_space<vmem>> -> memref<128xf32, #tpu.memory_space<vmem>>
        %dma_start3A_233 = arith.constant 0 : i32
        %dma_start3A_234 = tpu.memref_slice %arg8[%add3A_208, %dma_start3A_233] : memref<80x128xi32, #tpu.memory_space<vmem>> -> memref<1x128xi32, #tpu.memory_space<vmem>>
        %dma_start3A_235 = tpu.memref_squeeze %dma_start3A_234 : memref<1x128xi32, #tpu.memory_space<vmem>> -> memref<128xi32, #tpu.memory_space<vmem>>
        %dma_start3A_236 = arith.constant 0 : i32
        %dma_start3A_237 = tpu.memref_slice %arg11[%dma_start3A_236] : memref<10240xf32, #tpu.memory_space<vmem_shared>> -> memref<10240xf32, #tpu.memory_space<vmem_shared>>
        tpu.enqueue_indirect_dma source(%dma_start3A_232 : memref<128xf32, #tpu.memory_space<vmem>>) target(%dma_start3A_237 : memref<10240xf32, #tpu.memory_space<vmem_shared>>) offsets(%dma_start3A_235 : memref<128xi32, #tpu.memory_space<vmem>>) semaphore(%run_scoped3A_229 : memref<!tpu.dma_semaphore, #tpu.memory_space<semaphore_mem>>) {add = true}
        %dma_wait3A_238 = arith.constant 0 : i32
        %dma_wait3A_239 = tpu.memref_slice %arg9[%run_scoped3A_209, %dma_wait3A_238] : memref<8x128xf32, #tpu.memory_space<vmem>> -> memref<1x128xf32, #tpu.memory_space<vmem>>
        %dma_wait3A_240 = tpu.memref_squeeze %dma_wait3A_239 : memref<1x128xf32, #tpu.memory_space<vmem>> -> memref<128xf32, #tpu.memory_space<vmem>>
        %dma_wait3A_241 = arith.constant 0 : i32
        %dma_wait3A_242 = tpu.memref_slice %arg8[%add3A_208, %dma_wait3A_241] : memref<80x128xi32, #tpu.memory_space<vmem>> -> memref<1x128xi32, #tpu.memory_space<vmem>>
        %dma_wait3A_243 = tpu.memref_squeeze %dma_wait3A_242 : memref<1x128xi32, #tpu.memory_space<vmem>> -> memref<128xi32, #tpu.memory_space<vmem>>
        %dma_wait3A_244 = arith.constant 0 : i32
        %dma_wait3A_245 = tpu.memref_slice %arg11[%dma_wait3A_244] : memref<10240xf32, #tpu.memory_space<vmem_shared>> -> memref<10240xf32, #tpu.memory_space<vmem_shared>>
        tpu.wait_indirect_dma semaphore(%run_scoped3A_229 : memref<!tpu.dma_semaphore, #tpu.memory_space<semaphore_mem>>) src(%dma_wait3A_240 : memref<128xf32, #tpu.memory_space<vmem>>) dst(%dma_wait3A_245 : memref<10240xf32, #tpu.memory_space<vmem_shared>>)
        tpu.yield
      }) : () -> ()
      %add3A_210 = arith.constant 2 : i32
      %add3A_211 = arith.addi %mul3A_30, %add3A_210 : i32
      %run_scoped3A_212 = arith.constant 2 : i32
      "tpu.region"() ({
        %run_scoped3A_229 = tpu.sem_alloc : memref<!tpu.dma_semaphore, #tpu.memory_space<semaphore_mem>>
        %dma_start3A_230 = arith.constant 0 : i32
        %dma_start3A_231 = tpu.memref_slice %arg9[%run_scoped3A_212, %dma_start3A_230] : memref<8x128xf32, #tpu.memory_space<vmem>> -> memref<1x128xf32, #tpu.memory_space<vmem>>
        %dma_start3A_232 = tpu.memref_squeeze %dma_start3A_231 : memref<1x128xf32, #tpu.memory_space<vmem>> -> memref<128xf32, #tpu.memory_space<vmem>>
        %dma_start3A_233 = arith.constant 0 : i32
        %dma_start3A_234 = tpu.memref_slice %arg8[%add3A_211, %dma_start3A_233] : memref<80x128xi32, #tpu.memory_space<vmem>> -> memref<1x128xi32, #tpu.memory_space<vmem>>
        %dma_start3A_235 = tpu.memref_squeeze %dma_start3A_234 : memref<1x128xi32, #tpu.memory_space<vmem>> -> memref<128xi32, #tpu.memory_space<vmem>>
        %dma_start3A_236 = arith.constant 0 : i32
        %dma_start3A_237 = tpu.memref_slice %arg11[%dma_start3A_236] : memref<10240xf32, #tpu.memory_space<vmem_shared>> -> memref<10240xf32, #tpu.memory_space<vmem_shared>>
        tpu.enqueue_indirect_dma source(%dma_start3A_232 : memref<128xf32, #tpu.memory_space<vmem>>) target(%dma_start3A_237 : memref<10240xf32, #tpu.memory_space<vmem_shared>>) offsets(%dma_start3A_235 : memref<128xi32, #tpu.memory_space<vmem>>) semaphore(%run_scoped3A_229 : memref<!tpu.dma_semaphore, #tpu.memory_space<semaphore_mem>>) {add = true}
        %dma_wait3A_238 = arith.constant 0 : i32
        %dma_wait3A_239 = tpu.memref_slice %arg9[%run_scoped3A_212, %dma_wait3A_238] : memref<8x128xf32, #tpu.memory_space<vmem>> -> memref<1x128xf32, #tpu.memory_space<vmem>>
        %dma_wait3A_240 = tpu.memref_squeeze %dma_wait3A_239 : memref<1x128xf32, #tpu.memory_space<vmem>> -> memref<128xf32, #tpu.memory_space<vmem>>
        %dma_wait3A_241 = arith.constant 0 : i32
        %dma_wait3A_242 = tpu.memref_slice %arg8[%add3A_211, %dma_wait3A_241] : memref<80x128xi32, #tpu.memory_space<vmem>> -> memref<1x128xi32, #tpu.memory_space<vmem>>
        %dma_wait3A_243 = tpu.memref_squeeze %dma_wait3A_242 : memref<1x128xi32, #tpu.memory_space<vmem>> -> memref<128xi32, #tpu.memory_space<vmem>>
        %dma_wait3A_244 = arith.constant 0 : i32
        %dma_wait3A_245 = tpu.memref_slice %arg11[%dma_wait3A_244] : memref<10240xf32, #tpu.memory_space<vmem_shared>> -> memref<10240xf32, #tpu.memory_space<vmem_shared>>
        tpu.wait_indirect_dma semaphore(%run_scoped3A_229 : memref<!tpu.dma_semaphore, #tpu.memory_space<semaphore_mem>>) src(%dma_wait3A_240 : memref<128xf32, #tpu.memory_space<vmem>>) dst(%dma_wait3A_245 : memref<10240xf32, #tpu.memory_space<vmem_shared>>)
        tpu.yield
      }) : () -> ()
      %add3A_213 = arith.constant 3 : i32
      %add3A_214 = arith.addi %mul3A_30, %add3A_213 : i32
      %run_scoped3A_215 = arith.constant 3 : i32
      "tpu.region"() ({
        %run_scoped3A_229 = tpu.sem_alloc : memref<!tpu.dma_semaphore, #tpu.memory_space<semaphore_mem>>
        %dma_start3A_230 = arith.constant 0 : i32
        %dma_start3A_231 = tpu.memref_slice %arg9[%run_scoped3A_215, %dma_start3A_230] : memref<8x128xf32, #tpu.memory_space<vmem>> -> memref<1x128xf32, #tpu.memory_space<vmem>>
        %dma_start3A_232 = tpu.memref_squeeze %dma_start3A_231 : memref<1x128xf32, #tpu.memory_space<vmem>> -> memref<128xf32, #tpu.memory_space<vmem>>
        %dma_start3A_233 = arith.constant 0 : i32
        %dma_start3A_234 = tpu.memref_slice %arg8[%add3A_214, %dma_start3A_233] : memref<80x128xi32, #tpu.memory_space<vmem>> -> memref<1x128xi32, #tpu.memory_space<vmem>>
        %dma_start3A_235 = tpu.memref_squeeze %dma_start3A_234 : memref<1x128xi32, #tpu.memory_space<vmem>> -> memref<128xi32, #tpu.memory_space<vmem>>
        %dma_start3A_236 = arith.constant 0 : i32
        %dma_start3A_237 = tpu.memref_slice %arg11[%dma_start3A_236] : memref<10240xf32, #tpu.memory_space<vmem_shared>> -> memref<10240xf32, #tpu.memory_space<vmem_shared>>
        tpu.enqueue_indirect_dma source(%dma_start3A_232 : memref<128xf32, #tpu.memory_space<vmem>>) target(%dma_start3A_237 : memref<10240xf32, #tpu.memory_space<vmem_shared>>) offsets(%dma_start3A_235 : memref<128xi32, #tpu.memory_space<vmem>>) semaphore(%run_scoped3A_229 : memref<!tpu.dma_semaphore, #tpu.memory_space<semaphore_mem>>) {add = true}
        %dma_wait3A_238 = arith.constant 0 : i32
        %dma_wait3A_239 = tpu.memref_slice %arg9[%run_scoped3A_215, %dma_wait3A_238] : memref<8x128xf32, #tpu.memory_space<vmem>> -> memref<1x128xf32, #tpu.memory_space<vmem>>
        %dma_wait3A_240 = tpu.memref_squeeze %dma_wait3A_239 : memref<1x128xf32, #tpu.memory_space<vmem>> -> memref<128xf32, #tpu.memory_space<vmem>>
        %dma_wait3A_241 = arith.constant 0 : i32
        %dma_wait3A_242 = tpu.memref_slice %arg8[%add3A_214, %dma_wait3A_241] : memref<80x128xi32, #tpu.memory_space<vmem>> -> memref<1x128xi32, #tpu.memory_space<vmem>>
        %dma_wait3A_243 = tpu.memref_squeeze %dma_wait3A_242 : memref<1x128xi32, #tpu.memory_space<vmem>> -> memref<128xi32, #tpu.memory_space<vmem>>
        %dma_wait3A_244 = arith.constant 0 : i32
        %dma_wait3A_245 = tpu.memref_slice %arg11[%dma_wait3A_244] : memref<10240xf32, #tpu.memory_space<vmem_shared>> -> memref<10240xf32, #tpu.memory_space<vmem_shared>>
        tpu.wait_indirect_dma semaphore(%run_scoped3A_229 : memref<!tpu.dma_semaphore, #tpu.memory_space<semaphore_mem>>) src(%dma_wait3A_240 : memref<128xf32, #tpu.memory_space<vmem>>) dst(%dma_wait3A_245 : memref<10240xf32, #tpu.memory_space<vmem_shared>>)
        tpu.yield
      }) : () -> ()
      %add3A_216 = arith.constant 4 : i32
      %add3A_217 = arith.addi %mul3A_30, %add3A_216 : i32
      %run_scoped3A_218 = arith.constant 4 : i32
      "tpu.region"() ({
        %run_scoped3A_229 = tpu.sem_alloc : memref<!tpu.dma_semaphore, #tpu.memory_space<semaphore_mem>>
        %dma_start3A_230 = arith.constant 0 : i32
        %dma_start3A_231 = tpu.memref_slice %arg9[%run_scoped3A_218, %dma_start3A_230] : memref<8x128xf32, #tpu.memory_space<vmem>> -> memref<1x128xf32, #tpu.memory_space<vmem>>
        %dma_start3A_232 = tpu.memref_squeeze %dma_start3A_231 : memref<1x128xf32, #tpu.memory_space<vmem>> -> memref<128xf32, #tpu.memory_space<vmem>>
        %dma_start3A_233 = arith.constant 0 : i32
        %dma_start3A_234 = tpu.memref_slice %arg8[%add3A_217, %dma_start3A_233] : memref<80x128xi32, #tpu.memory_space<vmem>> -> memref<1x128xi32, #tpu.memory_space<vmem>>
        %dma_start3A_235 = tpu.memref_squeeze %dma_start3A_234 : memref<1x128xi32, #tpu.memory_space<vmem>> -> memref<128xi32, #tpu.memory_space<vmem>>
        %dma_start3A_236 = arith.constant 0 : i32
        %dma_start3A_237 = tpu.memref_slice %arg11[%dma_start3A_236] : memref<10240xf32, #tpu.memory_space<vmem_shared>> -> memref<10240xf32, #tpu.memory_space<vmem_shared>>
        tpu.enqueue_indirect_dma source(%dma_start3A_232 : memref<128xf32, #tpu.memory_space<vmem>>) target(%dma_start3A_237 : memref<10240xf32, #tpu.memory_space<vmem_shared>>) offsets(%dma_start3A_235 : memref<128xi32, #tpu.memory_space<vmem>>) semaphore(%run_scoped3A_229 : memref<!tpu.dma_semaphore, #tpu.memory_space<semaphore_mem>>) {add = true}
        %dma_wait3A_238 = arith.constant 0 : i32
        %dma_wait3A_239 = tpu.memref_slice %arg9[%run_scoped3A_218, %dma_wait3A_238] : memref<8x128xf32, #tpu.memory_space<vmem>> -> memref<1x128xf32, #tpu.memory_space<vmem>>
        %dma_wait3A_240 = tpu.memref_squeeze %dma_wait3A_239 : memref<1x128xf32, #tpu.memory_space<vmem>> -> memref<128xf32, #tpu.memory_space<vmem>>
        %dma_wait3A_241 = arith.constant 0 : i32
        %dma_wait3A_242 = tpu.memref_slice %arg8[%add3A_217, %dma_wait3A_241] : memref<80x128xi32, #tpu.memory_space<vmem>> -> memref<1x128xi32, #tpu.memory_space<vmem>>
        %dma_wait3A_243 = tpu.memref_squeeze %dma_wait3A_242 : memref<1x128xi32, #tpu.memory_space<vmem>> -> memref<128xi32, #tpu.memory_space<vmem>>
        %dma_wait3A_244 = arith.constant 0 : i32
        %dma_wait3A_245 = tpu.memref_slice %arg11[%dma_wait3A_244] : memref<10240xf32, #tpu.memory_space<vmem_shared>> -> memref<10240xf32, #tpu.memory_space<vmem_shared>>
        tpu.wait_indirect_dma semaphore(%run_scoped3A_229 : memref<!tpu.dma_semaphore, #tpu.memory_space<semaphore_mem>>) src(%dma_wait3A_240 : memref<128xf32, #tpu.memory_space<vmem>>) dst(%dma_wait3A_245 : memref<10240xf32, #tpu.memory_space<vmem_shared>>)
        tpu.yield
      }) : () -> ()
      %add3A_219 = arith.constant 5 : i32
      %add3A_220 = arith.addi %mul3A_30, %add3A_219 : i32
      %run_scoped3A_221 = arith.constant 5 : i32
      "tpu.region"() ({
        %run_scoped3A_229 = tpu.sem_alloc : memref<!tpu.dma_semaphore, #tpu.memory_space<semaphore_mem>>
        %dma_start3A_230 = arith.constant 0 : i32
        %dma_start3A_231 = tpu.memref_slice %arg9[%run_scoped3A_221, %dma_start3A_230] : memref<8x128xf32, #tpu.memory_space<vmem>> -> memref<1x128xf32, #tpu.memory_space<vmem>>
        %dma_start3A_232 = tpu.memref_squeeze %dma_start3A_231 : memref<1x128xf32, #tpu.memory_space<vmem>> -> memref<128xf32, #tpu.memory_space<vmem>>
        %dma_start3A_233 = arith.constant 0 : i32
        %dma_start3A_234 = tpu.memref_slice %arg8[%add3A_220, %dma_start3A_233] : memref<80x128xi32, #tpu.memory_space<vmem>> -> memref<1x128xi32, #tpu.memory_space<vmem>>
        %dma_start3A_235 = tpu.memref_squeeze %dma_start3A_234 : memref<1x128xi32, #tpu.memory_space<vmem>> -> memref<128xi32, #tpu.memory_space<vmem>>
        %dma_start3A_236 = arith.constant 0 : i32
        %dma_start3A_237 = tpu.memref_slice %arg11[%dma_start3A_236] : memref<10240xf32, #tpu.memory_space<vmem_shared>> -> memref<10240xf32, #tpu.memory_space<vmem_shared>>
        tpu.enqueue_indirect_dma source(%dma_start3A_232 : memref<128xf32, #tpu.memory_space<vmem>>) target(%dma_start3A_237 : memref<10240xf32, #tpu.memory_space<vmem_shared>>) offsets(%dma_start3A_235 : memref<128xi32, #tpu.memory_space<vmem>>) semaphore(%run_scoped3A_229 : memref<!tpu.dma_semaphore, #tpu.memory_space<semaphore_mem>>) {add = true}
        %dma_wait3A_238 = arith.constant 0 : i32
        %dma_wait3A_239 = tpu.memref_slice %arg9[%run_scoped3A_221, %dma_wait3A_238] : memref<8x128xf32, #tpu.memory_space<vmem>> -> memref<1x128xf32, #tpu.memory_space<vmem>>
        %dma_wait3A_240 = tpu.memref_squeeze %dma_wait3A_239 : memref<1x128xf32, #tpu.memory_space<vmem>> -> memref<128xf32, #tpu.memory_space<vmem>>
        %dma_wait3A_241 = arith.constant 0 : i32
        %dma_wait3A_242 = tpu.memref_slice %arg8[%add3A_220, %dma_wait3A_241] : memref<80x128xi32, #tpu.memory_space<vmem>> -> memref<1x128xi32, #tpu.memory_space<vmem>>
        %dma_wait3A_243 = tpu.memref_squeeze %dma_wait3A_242 : memref<1x128xi32, #tpu.memory_space<vmem>> -> memref<128xi32, #tpu.memory_space<vmem>>
        %dma_wait3A_244 = arith.constant 0 : i32
        %dma_wait3A_245 = tpu.memref_slice %arg11[%dma_wait3A_244] : memref<10240xf32, #tpu.memory_space<vmem_shared>> -> memref<10240xf32, #tpu.memory_space<vmem_shared>>
        tpu.wait_indirect_dma semaphore(%run_scoped3A_229 : memref<!tpu.dma_semaphore, #tpu.memory_space<semaphore_mem>>) src(%dma_wait3A_240 : memref<128xf32, #tpu.memory_space<vmem>>) dst(%dma_wait3A_245 : memref<10240xf32, #tpu.memory_space<vmem_shared>>)
        tpu.yield
      }) : () -> ()
      %add3A_222 = arith.constant 6 : i32
      %add3A_223 = arith.addi %mul3A_30, %add3A_222 : i32
      %run_scoped3A_224 = arith.constant 6 : i32
      "tpu.region"() ({
        %run_scoped3A_229 = tpu.sem_alloc : memref<!tpu.dma_semaphore, #tpu.memory_space<semaphore_mem>>
        %dma_start3A_230 = arith.constant 0 : i32
        %dma_start3A_231 = tpu.memref_slice %arg9[%run_scoped3A_224, %dma_start3A_230] : memref<8x128xf32, #tpu.memory_space<vmem>> -> memref<1x128xf32, #tpu.memory_space<vmem>>
        %dma_start3A_232 = tpu.memref_squeeze %dma_start3A_231 : memref<1x128xf32, #tpu.memory_space<vmem>> -> memref<128xf32, #tpu.memory_space<vmem>>
        %dma_start3A_233 = arith.constant 0 : i32
        %dma_start3A_234 = tpu.memref_slice %arg8[%add3A_223, %dma_start3A_233] : memref<80x128xi32, #tpu.memory_space<vmem>> -> memref<1x128xi32, #tpu.memory_space<vmem>>
        %dma_start3A_235 = tpu.memref_squeeze %dma_start3A_234 : memref<1x128xi32, #tpu.memory_space<vmem>> -> memref<128xi32, #tpu.memory_space<vmem>>
        %dma_start3A_236 = arith.constant 0 : i32
        %dma_start3A_237 = tpu.memref_slice %arg11[%dma_start3A_236] : memref<10240xf32, #tpu.memory_space<vmem_shared>> -> memref<10240xf32, #tpu.memory_space<vmem_shared>>
        tpu.enqueue_indirect_dma source(%dma_start3A_232 : memref<128xf32, #tpu.memory_space<vmem>>) target(%dma_start3A_237 : memref<10240xf32, #tpu.memory_space<vmem_shared>>) offsets(%dma_start3A_235 : memref<128xi32, #tpu.memory_space<vmem>>) semaphore(%run_scoped3A_229 : memref<!tpu.dma_semaphore, #tpu.memory_space<semaphore_mem>>) {add = true}
        %dma_wait3A_238 = arith.constant 0 : i32
        %dma_wait3A_239 = tpu.memref_slice %arg9[%run_scoped3A_224, %dma_wait3A_238] : memref<8x128xf32, #tpu.memory_space<vmem>> -> memref<1x128xf32, #tpu.memory_space<vmem>>
        %dma_wait3A_240 = tpu.memref_squeeze %dma_wait3A_239 : memref<1x128xf32, #tpu.memory_space<vmem>> -> memref<128xf32, #tpu.memory_space<vmem>>
        %dma_wait3A_241 = arith.constant 0 : i32
        %dma_wait3A_242 = tpu.memref_slice %arg8[%add3A_223, %dma_wait3A_241] : memref<80x128xi32, #tpu.memory_space<vmem>> -> memref<1x128xi32, #tpu.memory_space<vmem>>
        %dma_wait3A_243 = tpu.memref_squeeze %dma_wait3A_242 : memref<1x128xi32, #tpu.memory_space<vmem>> -> memref<128xi32, #tpu.memory_space<vmem>>
        %dma_wait3A_244 = arith.constant 0 : i32
        %dma_wait3A_245 = tpu.memref_slice %arg11[%dma_wait3A_244] : memref<10240xf32, #tpu.memory_space<vmem_shared>> -> memref<10240xf32, #tpu.memory_space<vmem_shared>>
        tpu.wait_indirect_dma semaphore(%run_scoped3A_229 : memref<!tpu.dma_semaphore, #tpu.memory_space<semaphore_mem>>) src(%dma_wait3A_240 : memref<128xf32, #tpu.memory_space<vmem>>) dst(%dma_wait3A_245 : memref<10240xf32, #tpu.memory_space<vmem_shared>>)
        tpu.yield
      }) : () -> ()
      %add3A_225 = arith.constant 7 : i32
      %add3A_226 = arith.addi %mul3A_30, %add3A_225 : i32
      %run_scoped3A_227 = arith.constant 7 : i32
      "tpu.region"() ({
        %run_scoped3A_229 = tpu.sem_alloc : memref<!tpu.dma_semaphore, #tpu.memory_space<semaphore_mem>>
        %dma_start3A_230 = arith.constant 0 : i32
        %dma_start3A_231 = tpu.memref_slice %arg9[%run_scoped3A_227, %dma_start3A_230] : memref<8x128xf32, #tpu.memory_space<vmem>> -> memref<1x128xf32, #tpu.memory_space<vmem>>
        %dma_start3A_232 = tpu.memref_squeeze %dma_start3A_231 : memref<1x128xf32, #tpu.memory_space<vmem>> -> memref<128xf32, #tpu.memory_space<vmem>>
        %dma_start3A_233 = arith.constant 0 : i32
        %dma_start3A_234 = tpu.memref_slice %arg8[%add3A_226, %dma_start3A_233] : memref<80x128xi32, #tpu.memory_space<vmem>> -> memref<1x128xi32, #tpu.memory_space<vmem>>
        %dma_start3A_235 = tpu.memref_squeeze %dma_start3A_234 : memref<1x128xi32, #tpu.memory_space<vmem>> -> memref<128xi32, #tpu.memory_space<vmem>>
        %dma_start3A_236 = arith.constant 0 : i32
        %dma_start3A_237 = tpu.memref_slice %arg11[%dma_start3A_236] : memref<10240xf32, #tpu.memory_space<vmem_shared>> -> memref<10240xf32, #tpu.memory_space<vmem_shared>>
        tpu.enqueue_indirect_dma source(%dma_start3A_232 : memref<128xf32, #tpu.memory_space<vmem>>) target(%dma_start3A_237 : memref<10240xf32, #tpu.memory_space<vmem_shared>>) offsets(%dma_start3A_235 : memref<128xi32, #tpu.memory_space<vmem>>) semaphore(%run_scoped3A_229 : memref<!tpu.dma_semaphore, #tpu.memory_space<semaphore_mem>>) {add = true}
        %dma_wait3A_238 = arith.constant 0 : i32
        %dma_wait3A_239 = tpu.memref_slice %arg9[%run_scoped3A_227, %dma_wait3A_238] : memref<8x128xf32, #tpu.memory_space<vmem>> -> memref<1x128xf32, #tpu.memory_space<vmem>>
        %dma_wait3A_240 = tpu.memref_squeeze %dma_wait3A_239 : memref<1x128xf32, #tpu.memory_space<vmem>> -> memref<128xf32, #tpu.memory_space<vmem>>
        %dma_wait3A_241 = arith.constant 0 : i32
        %dma_wait3A_242 = tpu.memref_slice %arg8[%add3A_226, %dma_wait3A_241] : memref<80x128xi32, #tpu.memory_space<vmem>> -> memref<1x128xi32, #tpu.memory_space<vmem>>
        %dma_wait3A_243 = tpu.memref_squeeze %dma_wait3A_242 : memref<1x128xi32, #tpu.memory_space<vmem>> -> memref<128xi32, #tpu.memory_space<vmem>>
        %dma_wait3A_244 = arith.constant 0 : i32
        %dma_wait3A_245 = tpu.memref_slice %arg11[%dma_wait3A_244] : memref<10240xf32, #tpu.memory_space<vmem_shared>> -> memref<10240xf32, #tpu.memory_space<vmem_shared>>
        tpu.wait_indirect_dma semaphore(%run_scoped3A_229 : memref<!tpu.dma_semaphore, #tpu.memory_space<semaphore_mem>>) src(%dma_wait3A_240 : memref<128xf32, #tpu.memory_space<vmem>>) dst(%dma_wait3A_245 : memref<10240xf32, #tpu.memory_space<vmem_shared>>)
        tpu.yield
      }) : () -> ()
      %scan3A_228 = arith.constant 0 : i32
      scf.yield %scan3A_228 : i32
    }
    %scan3A_18 = arith.constant 10 : i32
    %barrier3A_19 = arith.constant 0 : index
    tpu.barrier barrier_id(%barrier3A_19)
    %eq3A = arith.constant 0 : i32
    %eq3A_20 = arith.cmpi eq, %arg0, %eq3A : i32
    %convert_element_type3A = arith.extui %eq3A_20 : i1 to i32
    %cond3A = arith.constant 0 : i32
    %cond3A_21 = arith.cmpi ne, %convert_element_type3A, %cond3A : i32
    scf.if %cond3A_21 {
      "tpu.region"() ({
        %run_scoped3A = tpu.sem_alloc : memref<!tpu.dma_semaphore, #tpu.memory_space<semaphore_mem>>
        %dma_start3A = tpu.memref_slice %arg5[%multiple_of3A] : memref<10240xf32, #tpu.memory_space<hbm>> -> memref<640xf32, #tpu.memory_space<hbm>>
        %dma_start3A_27 = tpu.memref_slice %arg11[%multiple_of3A] : memref<10240xf32, #tpu.memory_space<vmem_shared>> -> memref<640xf32, #tpu.memory_space<vmem_shared>>
        tpu.enqueue_dma source(%dma_start3A_27 : memref<640xf32, #tpu.memory_space<vmem_shared>>) target(%dma_start3A : memref<640xf32, #tpu.memory_space<hbm>>) target_semaphore(%run_scoped3A : memref<!tpu.dma_semaphore, #tpu.memory_space<semaphore_mem>>)
        %dma_wait3A = tpu.memref_slice %arg5[%multiple_of3A] : memref<10240xf32, #tpu.memory_space<hbm>> -> memref<640xf32, #tpu.memory_space<hbm>>
        %dma_wait3A_28 = tpu.memref_slice %arg11[%multiple_of3A] : memref<10240xf32, #tpu.memory_space<vmem_shared>> -> memref<640xf32, #tpu.memory_space<vmem_shared>>
        tpu.wait_dma2 semaphore(%run_scoped3A : memref<!tpu.dma_semaphore, #tpu.memory_space<semaphore_mem>>) src(%dma_wait3A_28 : memref<640xf32, #tpu.memory_space<vmem_shared>>) dst(%dma_wait3A : memref<640xf32, #tpu.memory_space<hbm>>)
        tpu.yield
      }) : () -> ()
    } else {
    }
    %eq3A_22 = arith.constant 1 : i32
    %eq3A_23 = arith.cmpi eq, %arg0, %eq3A_22 : i32
    %convert_element_type3A_24 = arith.extui %eq3A_23 : i1 to i32
    %cond3A_25 = arith.constant 0 : i32
    %cond3A_26 = arith.cmpi ne, %convert_element_type3A_24, %cond3A_25 : i32
    scf.if %cond3A_26 {
      "tpu.region"() ({
        %run_scoped3A = tpu.sem_alloc : memref<!tpu.dma_semaphore, #tpu.memory_space<semaphore_mem>>
        %dma_start3A = tpu.memref_slice %arg6[%multiple_of3A] : memref<10240xf32, #tpu.memory_space<hbm>> -> memref<640xf32, #tpu.memory_space<hbm>>
        %dma_start3A_27 = tpu.memref_slice %arg11[%multiple_of3A] : memref<10240xf32, #tpu.memory_space<vmem_shared>> -> memref<640xf32, #tpu.memory_space<vmem_shared>>
        tpu.enqueue_dma source(%dma_start3A_27 : memref<640xf32, #tpu.memory_space<vmem_shared>>) target(%dma_start3A : memref<640xf32, #tpu.memory_space<hbm>>) target_semaphore(%run_scoped3A : memref<!tpu.dma_semaphore, #tpu.memory_space<semaphore_mem>>)
        %dma_wait3A = tpu.memref_slice %arg6[%multiple_of3A] : memref<10240xf32, #tpu.memory_space<hbm>> -> memref<640xf32, #tpu.memory_space<hbm>>
        %dma_wait3A_28 = tpu.memref_slice %arg11[%multiple_of3A] : memref<10240xf32, #tpu.memory_space<vmem_shared>> -> memref<640xf32, #tpu.memory_space<vmem_shared>>
        tpu.wait_dma2 semaphore(%run_scoped3A : memref<!tpu.dma_semaphore, #tpu.memory_space<semaphore_mem>>) src(%dma_wait3A_28 : memref<640xf32, #tpu.memory_space<vmem_shared>>) dst(%dma_wait3A : memref<640xf32, #tpu.memory_space<hbm>>)
        tpu.yield
      }) : () -> ()
    } else {
    }
    return
  }
}

#map = affine_map<(d0, d1) -> (0, 0)>
#map1 = affine_map<(d0, d1) -> (0)>
module attributes {stable_mosaic.version = 14 : i64} {
  func.func @k_fn(%arg0: i32, %arg1: i32, %arg2: memref<2560x128xi32, #tpu.memory_space<hbm>>, %arg3: memref<2560x128xi32, #tpu.memory_space<hbm>>, %arg4: memref<10240x128xf32, #tpu.memory_space<hbm>>, %arg5: memref<10240x128xf32, #tpu.memory_space<hbm>>, %arg6: memref<10240x128xf32, #tpu.memory_space<hbm>>, %arg7: memref<10240xf32, #tpu.memory_space<hbm>>, %arg8: memref<10240xf32, #tpu.memory_space<hbm>>, %arg9: memref<8x128xi32, #tpu.memory_space<vmem>>, %arg10: memref<8x128xi32, #tpu.memory_space<vmem>>, %arg11: memref<256x128xf32, #tpu.memory_space<vmem>>, %arg12: memref<128xf32, #tpu.memory_space<vmem>>, %arg13: memref<640xf32, #tpu.memory_space<vmem>>, %arg14: memref<10240x128xf32, #tpu.memory_space<vmem_shared>>, %arg15: memref<10240xf32, #tpu.memory_space<vmem_shared>>, %arg16: memref<!tpu.dma_semaphore, #tpu.memory_space<semaphore_mem>>) attributes {dimension_semantics = [#tpu.dimension_semantics<core_parallel>, #tpu.dimension_semantics<subcore_parallel>], iteration_bounds = array<i64: 2, 16>, scalar_prefetch = 0 : i64, scratch_operands = 8 : i64, tpu.core_type = #tpu.core_type<sc_vector_subcore>, window_params = [{transform_indices = #map}, {transform_indices = #map}, {transform_indices = #map}, {transform_indices = #map}, {transform_indices = #map}, {transform_indices = #map1}, {transform_indices = #map1}]} {
    %mul3A = arith.constant 16 : i32
    %mul3A_0 = arith.muli %arg0, %mul3A : i32
    %add3A = arith.addi %mul3A_0, %arg1 : i32
    %mul3A_1 = arith.constant 640 : i32
    %mul3A_2 = arith.muli %arg1, %mul3A_1 : i32
    %mul3A_3 = arith.constant 80 : i32
    %mul3A_4 = arith.muli %add3A, %mul3A_3 : i32
    %scan3A = arith.constant 0 : i32
    %scan3A_5 = arith.constant 0 : i32
    %scan3A_6 = arith.constant 2048 : i32
    %scan3A_7 = arith.addi %scan3A_5, %scan3A_6 : i32
    %scan3A_8 = arith.constant 1 : i32
    %scan3A_9 = scf.for %scan3A_160 = %scan3A_5 to %scan3A_7 step %scan3A_8 iter_args(%scan3A_161 = %scan3A) -> (i32)  : i32 {
      %broadcast_in_dim3A_162 = arith.constant 0.000000e+00 : f32
      %broadcast_in_dim3A_163 = vector.broadcast %broadcast_in_dim3A_162 : f32 to vector<16xf32>
      %jit3A = arith.constant 8 : i32
      %div3A = arith.divsi %scan3A_160, %jit3A : i32
      %sign3A = arith.constant 0 : i32
      %sign3A_164 = arith.cmpi sgt, %scan3A_160, %sign3A : i32
      %sign3A_165 = arith.extui %sign3A_164 : i1 to i32
      %sign3A_166 = arith.constant 0 : i32
      %sign3A_167 = arith.cmpi slt, %scan3A_160, %sign3A_166 : i32
      %sign3A_168 = arith.extui %sign3A_167 : i1 to i32
      %sign3A_169 = arith.subi %sign3A_165, %sign3A_168 : i32
      %sign3A_170 = arith.constant 0 : i32
      %sign3A_171 = arith.cmpi sgt, %jit3A, %sign3A_170 : i32
      %sign3A_172 = arith.extui %sign3A_171 : i1 to i32
      %sign3A_173 = arith.constant 0 : i32
      %sign3A_174 = arith.cmpi slt, %jit3A, %sign3A_173 : i32
      %sign3A_175 = arith.extui %sign3A_174 : i1 to i32
      %sign3A_176 = arith.subi %sign3A_172, %sign3A_175 : i32
      %ne3A = arith.cmpi ne, %sign3A_169, %sign3A_176 : i32
      %rem3A = arith.remsi %scan3A_160, %jit3A : i32
      %ne3A_177 = arith.constant 0 : i32
      %ne3A_178 = arith.cmpi ne, %rem3A, %ne3A_177 : i32
      %and3A = arith.andi %ne3A, %ne3A_178 : i1
      %sub3A = arith.constant 1 : i32
      %sub3A_179 = arith.subi %div3A, %sub3A : i32
      %select_n3A = arith.select %and3A, %sub3A_179, %div3A : i32
      %jit3A_180 = arith.constant 8 : i32
      %eq3A_181 = arith.constant 0 : i32
      %eq3A_182 = arith.cmpi eq, %jit3A_180, %eq3A_181 : i32
      %jit3A_183 = arith.constant 1 : i32
      %select_n3A_184 = arith.select %eq3A_182, %jit3A_183, %jit3A_180 : i32
      %rem3A_185 = arith.remsi %scan3A_160, %select_n3A_184 : i32
      %ne3A_186 = arith.constant 0 : i32
      %ne3A_187 = arith.cmpi ne, %rem3A_185, %ne3A_186 : i32
      %lt3A = arith.constant 0 : i32
      %lt3A_188 = arith.cmpi slt, %rem3A_185, %lt3A : i32
      %lt3A_189 = arith.constant 0 : i32
      %lt3A_190 = arith.cmpi slt, %select_n3A_184, %lt3A_189 : i32
      %ne3A_191 = arith.xori %lt3A_188, %lt3A_190 : i1
      %and3A_192 = arith.andi %ne3A_191, %ne3A_187 : i1
      %add3A_193 = arith.addi %rem3A_185, %select_n3A_184 : i32
      %select_n3A_194 = arith.select %and3A_192, %add3A_193, %rem3A_185 : i32
      %mul3A_195 = arith.constant 16 : i32
      %mul3A_196 = arith.muli %select_n3A_194, %mul3A_195 : i32
      %swap3A_197 = arith.index_cast %select_n3A : i32 to index
      %swap3A_198 = arith.index_cast %mul3A_196 : i32 to index
      %swap3A_199 = tpu.vector_load %arg11[%swap3A_197, %swap3A_198] {strides = array<i32>} : memref<256x128xf32, #tpu.memory_space<vmem>>, vector<1x16xf32>,
      %swap3A_200 = vector.shape_cast %swap3A_199 : vector<1x16xf32> to vector<16xf32>
      %swap3A_201 = vector.shape_cast %broadcast_in_dim3A_163 : vector<16xf32> to vector<1x16xf32>
      tpu.vector_store %arg11[%swap3A_197, %swap3A_198], %swap3A_201 {strides = array<i32>} : memref<256x128xf32, #tpu.memory_space<vmem>>, vector<1x16xf32>,
      %scan3A_202 = arith.constant 0 : i32
      scf.yield %scan3A_202 : i32
    }
    %scan3A_10 = arith.constant 2048 : i32
    %scan3A_11 = arith.constant 0 : i32
    %scan3A_12 = arith.constant 0 : i32
    %scan3A_13 = arith.constant 40 : i32
    %scan3A_14 = arith.addi %scan3A_12, %scan3A_13 : i32
    %scan3A_15 = arith.constant 1 : i32
    %scan3A_16 = scf.for %scan3A_160 = %scan3A_12 to %scan3A_14 step %scan3A_15 iter_args(%scan3A_161 = %scan3A_11) -> (i32)  : i32 {
      %broadcast_in_dim3A_162 = arith.constant 0.000000e+00 : f32
      %broadcast_in_dim3A_163 = vector.broadcast %broadcast_in_dim3A_162 : f32 to vector<16xf32>
      %mul3A_164 = arith.constant 16 : i32
      %mul3A_165 = arith.muli %scan3A_160, %mul3A_164 : i32
      %swap3A_166 = arith.index_cast %mul3A_165 : i32 to index
      %swap3A_167 = tpu.vector_load %arg13[%swap3A_166] {strides = array<i32>} : memref<640xf32, #tpu.memory_space<vmem>>, vector<16xf32>,
      %swap3A_168 = vector.shape_cast %swap3A_167 : vector<16xf32> to vector<16xf32>
      %swap3A_169 = vector.shape_cast %broadcast_in_dim3A_163 : vector<16xf32> to vector<16xf32>
      tpu.vector_store %arg13[%swap3A_166], %swap3A_169 {strides = array<i32>} : memref<640xf32, #tpu.memory_space<vmem>>, vector<16xf32>,
      %scan3A_170 = arith.constant 0 : i32
      scf.yield %scan3A_170 : i32
    }
    %scan3A_17 = arith.constant 40 : i32
    %broadcast_in_dim3A = arith.constant 1.000000e+00 : f32
    %broadcast_in_dim3A_18 = vector.broadcast %broadcast_in_dim3A : f32 to vector<16xf32>
    %swap3A = arith.constant 0 : index
    %swap3A_19 = tpu.vector_load %arg12[%swap3A] {strides = array<i32>} : memref<128xf32, #tpu.memory_space<vmem>>, vector<16xf32>,
    %swap3A_20 = vector.shape_cast %swap3A_19 : vector<16xf32> to vector<16xf32>
    %swap3A_21 = vector.shape_cast %broadcast_in_dim3A_18 : vector<16xf32> to vector<16xf32>
    tpu.vector_store %arg12[%swap3A], %swap3A_21 {strides = array<i32>} : memref<128xf32, #tpu.memory_space<vmem>>, vector<16xf32>,
    %broadcast_in_dim3A_22 = arith.constant 1.000000e+00 : f32
    %broadcast_in_dim3A_23 = vector.broadcast %broadcast_in_dim3A_22 : f32 to vector<16xf32>
    %swap3A_24 = arith.constant 16 : index
    %swap3A_25 = tpu.vector_load %arg12[%swap3A_24] {strides = array<i32>} : memref<128xf32, #tpu.memory_space<vmem>>, vector<16xf32>,
    %swap3A_26 = vector.shape_cast %swap3A_25 : vector<16xf32> to vector<16xf32>
    %swap3A_27 = vector.shape_cast %broadcast_in_dim3A_23 : vector<16xf32> to vector<16xf32>
    tpu.vector_store %arg12[%swap3A_24], %swap3A_27 {strides = array<i32>} : memref<128xf32, #tpu.memory_space<vmem>>, vector<16xf32>,
    %broadcast_in_dim3A_28 = arith.constant 1.000000e+00 : f32
    %broadcast_in_dim3A_29 = vector.broadcast %broadcast_in_dim3A_28 : f32 to vector<16xf32>
    %swap3A_30 = arith.constant 32 : index
    %swap3A_31 = tpu.vector_load %arg12[%swap3A_30] {strides = array<i32>} : memref<128xf32, #tpu.memory_space<vmem>>, vector<16xf32>,
    %swap3A_32 = vector.shape_cast %swap3A_31 : vector<16xf32> to vector<16xf32>
    %swap3A_33 = vector.shape_cast %broadcast_in_dim3A_29 : vector<16xf32> to vector<16xf32>
    tpu.vector_store %arg12[%swap3A_30], %swap3A_33 {strides = array<i32>} : memref<128xf32, #tpu.memory_space<vmem>>, vector<16xf32>,
    %broadcast_in_dim3A_34 = arith.constant 1.000000e+00 : f32
    %broadcast_in_dim3A_35 = vector.broadcast %broadcast_in_dim3A_34 : f32 to vector<16xf32>
    %swap3A_36 = arith.constant 48 : index
    %swap3A_37 = tpu.vector_load %arg12[%swap3A_36] {strides = array<i32>} : memref<128xf32, #tpu.memory_space<vmem>>, vector<16xf32>,
    %swap3A_38 = vector.shape_cast %swap3A_37 : vector<16xf32> to vector<16xf32>
    %swap3A_39 = vector.shape_cast %broadcast_in_dim3A_35 : vector<16xf32> to vector<16xf32>
    tpu.vector_store %arg12[%swap3A_36], %swap3A_39 {strides = array<i32>} : memref<128xf32, #tpu.memory_space<vmem>>, vector<16xf32>,
    %broadcast_in_dim3A_40 = arith.constant 1.000000e+00 : f32
    %broadcast_in_dim3A_41 = vector.broadcast %broadcast_in_dim3A_40 : f32 to vector<16xf32>
    %swap3A_42 = arith.constant 64 : index
    %swap3A_43 = tpu.vector_load %arg12[%swap3A_42] {strides = array<i32>} : memref<128xf32, #tpu.memory_space<vmem>>, vector<16xf32>,
    %swap3A_44 = vector.shape_cast %swap3A_43 : vector<16xf32> to vector<16xf32>
    %swap3A_45 = vector.shape_cast %broadcast_in_dim3A_41 : vector<16xf32> to vector<16xf32>
    tpu.vector_store %arg12[%swap3A_42], %swap3A_45 {strides = array<i32>} : memref<128xf32, #tpu.memory_space<vmem>>, vector<16xf32>,
    %broadcast_in_dim3A_46 = arith.constant 1.000000e+00 : f32
    %broadcast_in_dim3A_47 = vector.broadcast %broadcast_in_dim3A_46 : f32 to vector<16xf32>
    %swap3A_48 = arith.constant 80 : index
    %swap3A_49 = tpu.vector_load %arg12[%swap3A_48] {strides = array<i32>} : memref<128xf32, #tpu.memory_space<vmem>>, vector<16xf32>,
    %swap3A_50 = vector.shape_cast %swap3A_49 : vector<16xf32> to vector<16xf32>
    %swap3A_51 = vector.shape_cast %broadcast_in_dim3A_47 : vector<16xf32> to vector<16xf32>
    tpu.vector_store %arg12[%swap3A_48], %swap3A_51 {strides = array<i32>} : memref<128xf32, #tpu.memory_space<vmem>>, vector<16xf32>,
    %broadcast_in_dim3A_52 = arith.constant 1.000000e+00 : f32
    %broadcast_in_dim3A_53 = vector.broadcast %broadcast_in_dim3A_52 : f32 to vector<16xf32>
    %swap3A_54 = arith.constant 96 : index
    %swap3A_55 = tpu.vector_load %arg12[%swap3A_54] {strides = array<i32>} : memref<128xf32, #tpu.memory_space<vmem>>, vector<16xf32>,
    %swap3A_56 = vector.shape_cast %swap3A_55 : vector<16xf32> to vector<16xf32>
    %swap3A_57 = vector.shape_cast %broadcast_in_dim3A_53 : vector<16xf32> to vector<16xf32>
    tpu.vector_store %arg12[%swap3A_54], %swap3A_57 {strides = array<i32>} : memref<128xf32, #tpu.memory_space<vmem>>, vector<16xf32>,
    %broadcast_in_dim3A_58 = arith.constant 1.000000e+00 : f32
    %broadcast_in_dim3A_59 = vector.broadcast %broadcast_in_dim3A_58 : f32 to vector<16xf32>
    %swap3A_60 = arith.constant 112 : index
    %swap3A_61 = tpu.vector_load %arg12[%swap3A_60] {strides = array<i32>} : memref<128xf32, #tpu.memory_space<vmem>>, vector<16xf32>,
    %swap3A_62 = vector.shape_cast %swap3A_61 : vector<16xf32> to vector<16xf32>
    %swap3A_63 = vector.shape_cast %broadcast_in_dim3A_59 : vector<16xf32> to vector<16xf32>
    tpu.vector_store %arg12[%swap3A_60], %swap3A_63 {strides = array<i32>} : memref<128xf32, #tpu.memory_space<vmem>>, vector<16xf32>,
    %add3A_64 = arith.constant 0 : i32
    %add3A_65 = arith.addi %mul3A_2, %add3A_64 : i32
    %multiple_of3A = tpu.assume_multiple %add3A_65, 128 : i32
    "tpu.region"() ({
      %run_scoped3A = tpu.sem_alloc : memref<!tpu.dma_semaphore, #tpu.memory_space<semaphore_mem>>
      %dma_start3A = arith.constant 0 : i32
      %dma_start3A_160 = arith.constant 0 : i32
      %dma_start3A_161 = tpu.memref_slice %arg11[%dma_start3A, %dma_start3A_160] : memref<256x128xf32, #tpu.memory_space<vmem>> -> memref<128x128xf32, #tpu.memory_space<vmem>>
      %dma_start3A_162 = arith.constant 0 : i32
      %dma_start3A_163 = tpu.memref_slice %arg14[%multiple_of3A, %dma_start3A_162] : memref<10240x128xf32, #tpu.memory_space<vmem_shared>> -> memref<128x128xf32, #tpu.memory_space<vmem_shared>>
      %dma_start3A_164 = arith.constant 0 : i32
      %dma_start3A_165 = tpu.memref_slice %arg14[%multiple_of3A, %dma_start3A_164] : memref<10240x128xf32, #tpu.memory_space<vmem_shared>> -> memref<128x128xf32, #tpu.memory_space<vmem_shared>>
      %dma_start3A_166 = arith.constant 0 : i32
      %dma_start3A_167 = arith.constant 0 : i32
      %dma_start3A_168 = tpu.memref_slice %arg11[%dma_start3A_166, %dma_start3A_167] : memref<256x128xf32, #tpu.memory_space<vmem>> -> memref<128x128xf32, #tpu.memory_space<vmem>>
      tpu.enqueue_dma source(%dma_start3A_168 : memref<128x128xf32, #tpu.memory_space<vmem>>) target(%dma_start3A_165 : memref<128x128xf32, #tpu.memory_space<vmem_shared>>) target_semaphore(%run_scoped3A : memref<!tpu.dma_semaphore, #tpu.memory_space<semaphore_mem>>)
      %dma_wait3A = arith.constant 0 : i32
      %dma_wait3A_169 = arith.constant 0 : i32
      %dma_wait3A_170 = tpu.memref_slice %arg11[%dma_wait3A, %dma_wait3A_169] : memref<256x128xf32, #tpu.memory_space<vmem>> -> memref<128x128xf32, #tpu.memory_space<vmem>>
      %dma_wait3A_171 = arith.constant 0 : i32
      %dma_wait3A_172 = tpu.memref_slice %arg14[%multiple_of3A, %dma_wait3A_171] : memref<10240x128xf32, #tpu.memory_space<vmem_shared>> -> memref<128x128xf32, #tpu.memory_space<vmem_shared>>
      %dma_wait3A_173 = arith.constant 0 : i32
      %dma_wait3A_174 = tpu.memref_slice %arg14[%multiple_of3A, %dma_wait3A_173] : memref<10240x128xf32, #tpu.memory_space<vmem_shared>> -> memref<128x128xf32, #tpu.memory_space<vmem_shared>>
      %dma_wait3A_175 = arith.constant 0 : i32
      %dma_wait3A_176 = arith.constant 0 : i32
      %dma_wait3A_177 = tpu.memref_slice %arg11[%dma_wait3A_175, %dma_wait3A_176] : memref<256x128xf32, #tpu.memory_space<vmem>> -> memref<128x128xf32, #tpu.memory_space<vmem>>
      tpu.wait_dma2 semaphore(%run_scoped3A : memref<!tpu.dma_semaphore, #tpu.memory_space<semaphore_mem>>) src(%dma_wait3A_177 : memref<128x128xf32, #tpu.memory_space<vmem>>) dst(%dma_wait3A_174 : memref<128x128xf32, #tpu.memory_space<vmem_shared>>)
      tpu.yield
    }) : () -> ()
    %add3A_66 = arith.constant 128 : i32
    %add3A_67 = arith.addi %mul3A_2, %add3A_66 : i32
    %multiple_of3A_68 = tpu.assume_multiple %add3A_67, 128 : i32
    "tpu.region"() ({
      %run_scoped3A = tpu.sem_alloc : memref<!tpu.dma_semaphore, #tpu.memory_space<semaphore_mem>>
      %dma_start3A = arith.constant 0 : i32
      %dma_start3A_160 = arith.constant 0 : i32
      %dma_start3A_161 = tpu.memref_slice %arg11[%dma_start3A, %dma_start3A_160] : memref<256x128xf32, #tpu.memory_space<vmem>> -> memref<128x128xf32, #tpu.memory_space<vmem>>
      %dma_start3A_162 = arith.constant 0 : i32
      %dma_start3A_163 = tpu.memref_slice %arg14[%multiple_of3A_68, %dma_start3A_162] : memref<10240x128xf32, #tpu.memory_space<vmem_shared>> -> memref<128x128xf32, #tpu.memory_space<vmem_shared>>
      %dma_start3A_164 = arith.constant 0 : i32
      %dma_start3A_165 = tpu.memref_slice %arg14[%multiple_of3A_68, %dma_start3A_164] : memref<10240x128xf32, #tpu.memory_space<vmem_shared>> -> memref<128x128xf32, #tpu.memory_space<vmem_shared>>
      %dma_start3A_166 = arith.constant 0 : i32
      %dma_start3A_167 = arith.constant 0 : i32
      %dma_start3A_168 = tpu.memref_slice %arg11[%dma_start3A_166, %dma_start3A_167] : memref<256x128xf32, #tpu.memory_space<vmem>> -> memref<128x128xf32, #tpu.memory_space<vmem>>
      tpu.enqueue_dma source(%dma_start3A_168 : memref<128x128xf32, #tpu.memory_space<vmem>>) target(%dma_start3A_165 : memref<128x128xf32, #tpu.memory_space<vmem_shared>>) target_semaphore(%run_scoped3A : memref<!tpu.dma_semaphore, #tpu.memory_space<semaphore_mem>>)
      %dma_wait3A = arith.constant 0 : i32
      %dma_wait3A_169 = arith.constant 0 : i32
      %dma_wait3A_170 = tpu.memref_slice %arg11[%dma_wait3A, %dma_wait3A_169] : memref<256x128xf32, #tpu.memory_space<vmem>> -> memref<128x128xf32, #tpu.memory_space<vmem>>
      %dma_wait3A_171 = arith.constant 0 : i32
      %dma_wait3A_172 = tpu.memref_slice %arg14[%multiple_of3A_68, %dma_wait3A_171] : memref<10240x128xf32, #tpu.memory_space<vmem_shared>> -> memref<128x128xf32, #tpu.memory_space<vmem_shared>>
      %dma_wait3A_173 = arith.constant 0 : i32
      %dma_wait3A_174 = tpu.memref_slice %arg14[%multiple_of3A_68, %dma_wait3A_173] : memref<10240x128xf32, #tpu.memory_space<vmem_shared>> -> memref<128x128xf32, #tpu.memory_space<vmem_shared>>
      %dma_wait3A_175 = arith.constant 0 : i32
      %dma_wait3A_176 = arith.constant 0 : i32
      %dma_wait3A_177 = tpu.memref_slice %arg11[%dma_wait3A_175, %dma_wait3A_176] : memref<256x128xf32, #tpu.memory_space<vmem>> -> memref<128x128xf32, #tpu.memory_space<vmem>>
      tpu.wait_dma2 semaphore(%run_scoped3A : memref<!tpu.dma_semaphore, #tpu.memory_space<semaphore_mem>>) src(%dma_wait3A_177 : memref<128x128xf32, #tpu.memory_space<vmem>>) dst(%dma_wait3A_174 : memref<128x128xf32, #tpu.memory_space<vmem_shared>>)
      tpu.yield
    }) : () -> ()
    %add3A_69 = arith.constant 256 : i32
    %add3A_70 = arith.addi %mul3A_2, %add3A_69 : i32
    %multiple_of3A_71 = tpu.assume_multiple %add3A_70, 128 : i32
    "tpu.region"() ({
      %run_scoped3A = tpu.sem_alloc : memref<!tpu.dma_semaphore, #tpu.memory_space<semaphore_mem>>
      %dma_start3A = arith.constant 0 : i32
      %dma_start3A_160 = arith.constant 0 : i32
      %dma_start3A_161 = tpu.memref_slice %arg11[%dma_start3A, %dma_start3A_160] : memref<256x128xf32, #tpu.memory_space<vmem>> -> memref<128x128xf32, #tpu.memory_space<vmem>>
      %dma_start3A_162 = arith.constant 0 : i32
      %dma_start3A_163 = tpu.memref_slice %arg14[%multiple_of3A_71, %dma_start3A_162] : memref<10240x128xf32, #tpu.memory_space<vmem_shared>> -> memref<128x128xf32, #tpu.memory_space<vmem_shared>>
      %dma_start3A_164 = arith.constant 0 : i32
      %dma_start3A_165 = tpu.memref_slice %arg14[%multiple_of3A_71, %dma_start3A_164] : memref<10240x128xf32, #tpu.memory_space<vmem_shared>> -> memref<128x128xf32, #tpu.memory_space<vmem_shared>>
      %dma_start3A_166 = arith.constant 0 : i32
      %dma_start3A_167 = arith.constant 0 : i32
      %dma_start3A_168 = tpu.memref_slice %arg11[%dma_start3A_166, %dma_start3A_167] : memref<256x128xf32, #tpu.memory_space<vmem>> -> memref<128x128xf32, #tpu.memory_space<vmem>>
      tpu.enqueue_dma source(%dma_start3A_168 : memref<128x128xf32, #tpu.memory_space<vmem>>) target(%dma_start3A_165 : memref<128x128xf32, #tpu.memory_space<vmem_shared>>) target_semaphore(%run_scoped3A : memref<!tpu.dma_semaphore, #tpu.memory_space<semaphore_mem>>)
      %dma_wait3A = arith.constant 0 : i32
      %dma_wait3A_169 = arith.constant 0 : i32
      %dma_wait3A_170 = tpu.memref_slice %arg11[%dma_wait3A, %dma_wait3A_169] : memref<256x128xf32, #tpu.memory_space<vmem>> -> memref<128x128xf32, #tpu.memory_space<vmem>>
      %dma_wait3A_171 = arith.constant 0 : i32
      %dma_wait3A_172 = tpu.memref_slice %arg14[%multiple_of3A_71, %dma_wait3A_171] : memref<10240x128xf32, #tpu.memory_space<vmem_shared>> -> memref<128x128xf32, #tpu.memory_space<vmem_shared>>
      %dma_wait3A_173 = arith.constant 0 : i32
      %dma_wait3A_174 = tpu.memref_slice %arg14[%multiple_of3A_71, %dma_wait3A_173] : memref<10240x128xf32, #tpu.memory_space<vmem_shared>> -> memref<128x128xf32, #tpu.memory_space<vmem_shared>>
      %dma_wait3A_175 = arith.constant 0 : i32
      %dma_wait3A_176 = arith.constant 0 : i32
      %dma_wait3A_177 = tpu.memref_slice %arg11[%dma_wait3A_175, %dma_wait3A_176] : memref<256x128xf32, #tpu.memory_space<vmem>> -> memref<128x128xf32, #tpu.memory_space<vmem>>
      tpu.wait_dma2 semaphore(%run_scoped3A : memref<!tpu.dma_semaphore, #tpu.memory_space<semaphore_mem>>) src(%dma_wait3A_177 : memref<128x128xf32, #tpu.memory_space<vmem>>) dst(%dma_wait3A_174 : memref<128x128xf32, #tpu.memory_space<vmem_shared>>)
      tpu.yield
    }) : () -> ()
    %add3A_72 = arith.constant 384 : i32
    %add3A_73 = arith.addi %mul3A_2, %add3A_72 : i32
    %multiple_of3A_74 = tpu.assume_multiple %add3A_73, 128 : i32
    "tpu.region"() ({
      %run_scoped3A = tpu.sem_alloc : memref<!tpu.dma_semaphore, #tpu.memory_space<semaphore_mem>>
      %dma_start3A = arith.constant 0 : i32
      %dma_start3A_160 = arith.constant 0 : i32
      %dma_start3A_161 = tpu.memref_slice %arg11[%dma_start3A, %dma_start3A_160] : memref<256x128xf32, #tpu.memory_space<vmem>> -> memref<128x128xf32, #tpu.memory_space<vmem>>
      %dma_start3A_162 = arith.constant 0 : i32
      %dma_start3A_163 = tpu.memref_slice %arg14[%multiple_of3A_74, %dma_start3A_162] : memref<10240x128xf32, #tpu.memory_space<vmem_shared>> -> memref<128x128xf32, #tpu.memory_space<vmem_shared>>
      %dma_start3A_164 = arith.constant 0 : i32
      %dma_start3A_165 = tpu.memref_slice %arg14[%multiple_of3A_74, %dma_start3A_164] : memref<10240x128xf32, #tpu.memory_space<vmem_shared>> -> memref<128x128xf32, #tpu.memory_space<vmem_shared>>
      %dma_start3A_166 = arith.constant 0 : i32
      %dma_start3A_167 = arith.constant 0 : i32
      %dma_start3A_168 = tpu.memref_slice %arg11[%dma_start3A_166, %dma_start3A_167] : memref<256x128xf32, #tpu.memory_space<vmem>> -> memref<128x128xf32, #tpu.memory_space<vmem>>
      tpu.enqueue_dma source(%dma_start3A_168 : memref<128x128xf32, #tpu.memory_space<vmem>>) target(%dma_start3A_165 : memref<128x128xf32, #tpu.memory_space<vmem_shared>>) target_semaphore(%run_scoped3A : memref<!tpu.dma_semaphore, #tpu.memory_space<semaphore_mem>>)
      %dma_wait3A = arith.constant 0 : i32
      %dma_wait3A_169 = arith.constant 0 : i32
      %dma_wait3A_170 = tpu.memref_slice %arg11[%dma_wait3A, %dma_wait3A_169] : memref<256x128xf32, #tpu.memory_space<vmem>> -> memref<128x128xf32, #tpu.memory_space<vmem>>
      %dma_wait3A_171 = arith.constant 0 : i32
      %dma_wait3A_172 = tpu.memref_slice %arg14[%multiple_of3A_74, %dma_wait3A_171] : memref<10240x128xf32, #tpu.memory_space<vmem_shared>> -> memref<128x128xf32, #tpu.memory_space<vmem_shared>>
      %dma_wait3A_173 = arith.constant 0 : i32
      %dma_wait3A_174 = tpu.memref_slice %arg14[%multiple_of3A_74, %dma_wait3A_173] : memref<10240x128xf32, #tpu.memory_space<vmem_shared>> -> memref<128x128xf32, #tpu.memory_space<vmem_shared>>
      %dma_wait3A_175 = arith.constant 0 : i32
      %dma_wait3A_176 = arith.constant 0 : i32
      %dma_wait3A_177 = tpu.memref_slice %arg11[%dma_wait3A_175, %dma_wait3A_176] : memref<256x128xf32, #tpu.memory_space<vmem>> -> memref<128x128xf32, #tpu.memory_space<vmem>>
      tpu.wait_dma2 semaphore(%run_scoped3A : memref<!tpu.dma_semaphore, #tpu.memory_space<semaphore_mem>>) src(%dma_wait3A_177 : memref<128x128xf32, #tpu.memory_space<vmem>>) dst(%dma_wait3A_174 : memref<128x128xf32, #tpu.memory_space<vmem_shared>>)
      tpu.yield
    }) : () -> ()
    %add3A_75 = arith.constant 512 : i32
    %add3A_76 = arith.addi %mul3A_2, %add3A_75 : i32
    %multiple_of3A_77 = tpu.assume_multiple %add3A_76, 128 : i32
    "tpu.region"() ({
      %run_scoped3A = tpu.sem_alloc : memref<!tpu.dma_semaphore, #tpu.memory_space<semaphore_mem>>
      %dma_start3A = arith.constant 0 : i32
      %dma_start3A_160 = arith.constant 0 : i32
      %dma_start3A_161 = tpu.memref_slice %arg11[%dma_start3A, %dma_start3A_160] : memref<256x128xf32, #tpu.memory_space<vmem>> -> memref<128x128xf32, #tpu.memory_space<vmem>>
      %dma_start3A_162 = arith.constant 0 : i32
      %dma_start3A_163 = tpu.memref_slice %arg14[%multiple_of3A_77, %dma_start3A_162] : memref<10240x128xf32, #tpu.memory_space<vmem_shared>> -> memref<128x128xf32, #tpu.memory_space<vmem_shared>>
      %dma_start3A_164 = arith.constant 0 : i32
      %dma_start3A_165 = tpu.memref_slice %arg14[%multiple_of3A_77, %dma_start3A_164] : memref<10240x128xf32, #tpu.memory_space<vmem_shared>> -> memref<128x128xf32, #tpu.memory_space<vmem_shared>>
      %dma_start3A_166 = arith.constant 0 : i32
      %dma_start3A_167 = arith.constant 0 : i32
      %dma_start3A_168 = tpu.memref_slice %arg11[%dma_start3A_166, %dma_start3A_167] : memref<256x128xf32, #tpu.memory_space<vmem>> -> memref<128x128xf32, #tpu.memory_space<vmem>>
      tpu.enqueue_dma source(%dma_start3A_168 : memref<128x128xf32, #tpu.memory_space<vmem>>) target(%dma_start3A_165 : memref<128x128xf32, #tpu.memory_space<vmem_shared>>) target_semaphore(%run_scoped3A : memref<!tpu.dma_semaphore, #tpu.memory_space<semaphore_mem>>)
      %dma_wait3A = arith.constant 0 : i32
      %dma_wait3A_169 = arith.constant 0 : i32
      %dma_wait3A_170 = tpu.memref_slice %arg11[%dma_wait3A, %dma_wait3A_169] : memref<256x128xf32, #tpu.memory_space<vmem>> -> memref<128x128xf32, #tpu.memory_space<vmem>>
      %dma_wait3A_171 = arith.constant 0 : i32
      %dma_wait3A_172 = tpu.memref_slice %arg14[%multiple_of3A_77, %dma_wait3A_171] : memref<10240x128xf32, #tpu.memory_space<vmem_shared>> -> memref<128x128xf32, #tpu.memory_space<vmem_shared>>
      %dma_wait3A_173 = arith.constant 0 : i32
      %dma_wait3A_174 = tpu.memref_slice %arg14[%multiple_of3A_77, %dma_wait3A_173] : memref<10240x128xf32, #tpu.memory_space<vmem_shared>> -> memref<128x128xf32, #tpu.memory_space<vmem_shared>>
      %dma_wait3A_175 = arith.constant 0 : i32
      %dma_wait3A_176 = arith.constant 0 : i32
      %dma_wait3A_177 = tpu.memref_slice %arg11[%dma_wait3A_175, %dma_wait3A_176] : memref<256x128xf32, #tpu.memory_space<vmem>> -> memref<128x128xf32, #tpu.memory_space<vmem>>
      tpu.wait_dma2 semaphore(%run_scoped3A : memref<!tpu.dma_semaphore, #tpu.memory_space<semaphore_mem>>) src(%dma_wait3A_177 : memref<128x128xf32, #tpu.memory_space<vmem>>) dst(%dma_wait3A_174 : memref<128x128xf32, #tpu.memory_space<vmem_shared>>)
      tpu.yield
    }) : () -> ()
    %multiple_of3A_78 = tpu.assume_multiple %mul3A_2, 640 : i32
    "tpu.region"() ({
      %run_scoped3A = tpu.sem_alloc : memref<!tpu.dma_semaphore, #tpu.memory_space<semaphore_mem>>
      %dma_start3A = tpu.memref_slice %arg15[%multiple_of3A_78] : memref<10240xf32, #tpu.memory_space<vmem_shared>> -> memref<640xf32, #tpu.memory_space<vmem_shared>>
      %dma_start3A_160 = tpu.memref_slice %arg15[%multiple_of3A_78] : memref<10240xf32, #tpu.memory_space<vmem_shared>> -> memref<640xf32, #tpu.memory_space<vmem_shared>>
      tpu.enqueue_dma source(%arg13 : memref<640xf32, #tpu.memory_space<vmem>>) target(%dma_start3A_160 : memref<640xf32, #tpu.memory_space<vmem_shared>>) target_semaphore(%run_scoped3A : memref<!tpu.dma_semaphore, #tpu.memory_space<semaphore_mem>>)
      %dma_wait3A = tpu.memref_slice %arg15[%multiple_of3A_78] : memref<10240xf32, #tpu.memory_space<vmem_shared>> -> memref<640xf32, #tpu.memory_space<vmem_shared>>
      %dma_wait3A_161 = tpu.memref_slice %arg15[%multiple_of3A_78] : memref<10240xf32, #tpu.memory_space<vmem_shared>> -> memref<640xf32, #tpu.memory_space<vmem_shared>>
      tpu.wait_dma2 semaphore(%run_scoped3A : memref<!tpu.dma_semaphore, #tpu.memory_space<semaphore_mem>>) src(%arg13 : memref<640xf32, #tpu.memory_space<vmem>>) dst(%dma_wait3A_161 : memref<640xf32, #tpu.memory_space<vmem_shared>>)
      tpu.yield
    }) : () -> ()
    %barrier3A = arith.constant 0 : index
    tpu.barrier barrier_id(%barrier3A)
    %scan3A_79 = arith.constant 0 : i32
    %scan3A_80 = arith.constant 0 : i32
    %scan3A_81 = arith.constant 40 : i32
    %scan3A_82 = arith.addi %scan3A_80, %scan3A_81 : i32
    %scan3A_83 = arith.constant 1 : i32
    %scan3A_84 = scf.for %scan3A_160 = %scan3A_80 to %scan3A_82 step %scan3A_83 iter_args(%scan3A_161 = %scan3A_79) -> (i32)  : i32 {
      %mul3A_162 = arith.constant 2 : i32
      %mul3A_163 = arith.muli %mul3A_162, %scan3A_160 : i32
      %jit3A = arith.constant 8 : i32
      %eq3A_164 = arith.constant 0 : i32
      %eq3A_165 = arith.cmpi eq, %jit3A, %eq3A_164 : i32
      %jit3A_166 = arith.constant 1 : i32
      %select_n3A = arith.select %eq3A_165, %jit3A_166, %jit3A : i32
      %rem3A = arith.remsi %mul3A_163, %select_n3A : i32
      %ne3A = arith.constant 0 : i32
      %ne3A_167 = arith.cmpi ne, %rem3A, %ne3A : i32
      %lt3A = arith.constant 0 : i32
      %lt3A_168 = arith.cmpi slt, %rem3A, %lt3A : i32
      %lt3A_169 = arith.constant 0 : i32
      %lt3A_170 = arith.cmpi slt, %select_n3A, %lt3A_169 : i32
      %ne3A_171 = arith.xori %lt3A_168, %lt3A_170 : i1
      %and3A = arith.andi %ne3A_171, %ne3A_167 : i1
      %add3A_172 = arith.addi %rem3A, %select_n3A : i32
      %select_n3A_173 = arith.select %and3A, %add3A_172, %rem3A : i32
      %eq3A_174 = arith.constant 0 : i32
      %eq3A_175 = arith.cmpi eq, %select_n3A_173, %eq3A_174 : i32
      %convert_element_type3A_176 = arith.extui %eq3A_175 : i1 to i32
      %cond3A_177 = arith.constant 0 : i32
      %cond3A_178 = arith.cmpi ne, %convert_element_type3A_176, %cond3A_177 : i32
      scf.if %cond3A_178 {
        %add3A_222 = arith.addi %mul3A_4, %mul3A_163 : i32
        %multiple_of3A_223 = tpu.assume_multiple %add3A_222, 8 : i32
        "tpu.region"() ({
          %run_scoped3A = tpu.sem_alloc : memref<!tpu.dma_semaphore, #tpu.memory_space<semaphore_mem>>
          %dma_start3A_224 = arith.constant 0 : i32
          %dma_start3A_225 = tpu.memref_slice %arg2[%multiple_of3A_223, %dma_start3A_224] : memref<2560x128xi32, #tpu.memory_space<hbm>> -> memref<8x128xi32, #tpu.memory_space<hbm>>
          %dma_start3A_226 = arith.constant 0 : i32
          %dma_start3A_227 = tpu.memref_slice %arg2[%multiple_of3A_223, %dma_start3A_226] : memref<2560x128xi32, #tpu.memory_space<hbm>> -> memref<8x128xi32, #tpu.memory_space<hbm>>
          tpu.enqueue_dma source(%dma_start3A_227 : memref<8x128xi32, #tpu.memory_space<hbm>>) target(%arg9 : memref<8x128xi32, #tpu.memory_space<vmem>>) target_semaphore(%run_scoped3A : memref<!tpu.dma_semaphore, #tpu.memory_space<semaphore_mem>>)
          %dma_wait3A_228 = arith.constant 0 : i32
          %dma_wait3A_229 = tpu.memref_slice %arg2[%multiple_of3A_223, %dma_wait3A_228] : memref<2560x128xi32, #tpu.memory_space<hbm>> -> memref<8x128xi32, #tpu.memory_space<hbm>>
          %dma_wait3A_230 = arith.constant 0 : i32
          %dma_wait3A_231 = tpu.memref_slice %arg2[%multiple_of3A_223, %dma_wait3A_230] : memref<2560x128xi32, #tpu.memory_space<hbm>> -> memref<8x128xi32, #tpu.memory_space<hbm>>
          tpu.wait_dma2 semaphore(%run_scoped3A : memref<!tpu.dma_semaphore, #tpu.memory_space<semaphore_mem>>) src(%dma_wait3A_231 : memref<8x128xi32, #tpu.memory_space<hbm>>) dst(%arg9 : memref<8x128xi32, #tpu.memory_space<vmem>>)
          tpu.yield
        }) : () -> ()
        "tpu.region"() ({
          %run_scoped3A = tpu.sem_alloc : memref<!tpu.dma_semaphore, #tpu.memory_space<semaphore_mem>>
          %dma_start3A_224 = arith.constant 0 : i32
          %dma_start3A_225 = tpu.memref_slice %arg3[%multiple_of3A_223, %dma_start3A_224] : memref<2560x128xi32, #tpu.memory_space<hbm>> -> memref<8x128xi32, #tpu.memory_space<hbm>>
          %dma_start3A_226 = arith.constant 0 : i32
          %dma_start3A_227 = tpu.memref_slice %arg3[%multiple_of3A_223, %dma_start3A_226] : memref<2560x128xi32, #tpu.memory_space<hbm>> -> memref<8x128xi32, #tpu.memory_space<hbm>>
          tpu.enqueue_dma source(%dma_start3A_227 : memref<8x128xi32, #tpu.memory_space<hbm>>) target(%arg10 : memref<8x128xi32, #tpu.memory_space<vmem>>) target_semaphore(%run_scoped3A : memref<!tpu.dma_semaphore, #tpu.memory_space<semaphore_mem>>)
          %dma_wait3A_228 = arith.constant 0 : i32
          %dma_wait3A_229 = tpu.memref_slice %arg3[%multiple_of3A_223, %dma_wait3A_228] : memref<2560x128xi32, #tpu.memory_space<hbm>> -> memref<8x128xi32, #tpu.memory_space<hbm>>
          %dma_wait3A_230 = arith.constant 0 : i32
          %dma_wait3A_231 = tpu.memref_slice %arg3[%multiple_of3A_223, %dma_wait3A_230] : memref<2560x128xi32, #tpu.memory_space<hbm>> -> memref<8x128xi32, #tpu.memory_space<hbm>>
          tpu.wait_dma2 semaphore(%run_scoped3A : memref<!tpu.dma_semaphore, #tpu.memory_space<semaphore_mem>>) src(%dma_wait3A_231 : memref<8x128xi32, #tpu.memory_space<hbm>>) dst(%arg10 : memref<8x128xi32, #tpu.memory_space<vmem>>)
          tpu.yield
        }) : () -> ()
      } else {
      }
      %dma_start3A = arith.constant 0 : i32
      %dma_start3A_179 = arith.constant 0 : i32
      %dma_start3A_180 = tpu.memref_slice %arg11[%dma_start3A, %dma_start3A_179] : memref<256x128xf32, #tpu.memory_space<vmem>> -> memref<128x128xf32, #tpu.memory_space<vmem>>
      %dma_start3A_181 = arith.constant 0 : i32
      %dma_start3A_182 = tpu.memref_slice %arg9[%select_n3A_173, %dma_start3A_181] : memref<8x128xi32, #tpu.memory_space<vmem>> -> memref<1x128xi32, #tpu.memory_space<vmem>>
      %dma_start3A_183 = tpu.memref_squeeze %dma_start3A_182 : memref<1x128xi32, #tpu.memory_space<vmem>> -> memref<128xi32, #tpu.memory_space<vmem>>
      %dma_start3A_184 = arith.constant 0 : i32
      %dma_start3A_185 = arith.constant 0 : i32
      %dma_start3A_186 = tpu.memref_slice %arg4[%dma_start3A_184, %dma_start3A_185] : memref<10240x128xf32, #tpu.memory_space<hbm>> -> memref<10240x128xf32, #tpu.memory_space<hbm>>
      tpu.enqueue_indirect_dma source(%dma_start3A_186 : memref<10240x128xf32, #tpu.memory_space<hbm>>) target(%dma_start3A_180 : memref<128x128xf32, #tpu.memory_space<vmem>>) offsets(%dma_start3A_183 : memref<128xi32, #tpu.memory_space<vmem>>) semaphore(%arg16 : memref<!tpu.dma_semaphore, #tpu.memory_space<semaphore_mem>>)
      %add3A_187 = arith.constant 1 : i32
      %add3A_188 = arith.addi %select_n3A_173, %add3A_187 : i32
      %dma_start3A_189 = arith.constant 128 : i32
      %dma_start3A_190 = arith.constant 0 : i32
      %dma_start3A_191 = tpu.memref_slice %arg11[%dma_start3A_189, %dma_start3A_190] : memref<256x128xf32, #tpu.memory_space<vmem>> -> memref<128x128xf32, #tpu.memory_space<vmem>>
      %dma_start3A_192 = arith.constant 0 : i32
      %dma_start3A_193 = tpu.memref_slice %arg9[%add3A_188, %dma_start3A_192] : memref<8x128xi32, #tpu.memory_space<vmem>> -> memref<1x128xi32, #tpu.memory_space<vmem>>
      %dma_start3A_194 = tpu.memref_squeeze %dma_start3A_193 : memref<1x128xi32, #tpu.memory_space<vmem>> -> memref<128xi32, #tpu.memory_space<vmem>>
      %dma_start3A_195 = arith.constant 0 : i32
      %dma_start3A_196 = arith.constant 0 : i32
      %dma_start3A_197 = tpu.memref_slice %arg4[%dma_start3A_195, %dma_start3A_196] : memref<10240x128xf32, #tpu.memory_space<hbm>> -> memref<10240x128xf32, #tpu.memory_space<hbm>>
      tpu.enqueue_indirect_dma source(%dma_start3A_197 : memref<10240x128xf32, #tpu.memory_space<hbm>>) target(%dma_start3A_191 : memref<128x128xf32, #tpu.memory_space<vmem>>) offsets(%dma_start3A_194 : memref<128xi32, #tpu.memory_space<vmem>>) semaphore(%arg16 : memref<!tpu.dma_semaphore, #tpu.memory_space<semaphore_mem>>)
      %dma_wait3A = arith.constant 0 : i32
      %dma_wait3A_198 = arith.constant 0 : i32
      %dma_wait3A_199 = tpu.memref_slice %arg11[%dma_wait3A, %dma_wait3A_198] : memref<256x128xf32, #tpu.memory_space<vmem>> -> memref<128x128xf32, #tpu.memory_space<vmem>>
      %dma_wait3A_200 = arith.constant 0 : i32
      %dma_wait3A_201 = tpu.memref_slice %arg9[%select_n3A_173, %dma_wait3A_200] : memref<8x128xi32, #tpu.memory_space<vmem>> -> memref<1x128xi32, #tpu.memory_space<vmem>>
      %dma_wait3A_202 = tpu.memref_squeeze %dma_wait3A_201 : memref<1x128xi32, #tpu.memory_space<vmem>> -> memref<128xi32, #tpu.memory_space<vmem>>
      %dma_wait3A_203 = arith.constant 0 : i32
      %dma_wait3A_204 = arith.constant 0 : i32
      %dma_wait3A_205 = tpu.memref_slice %arg4[%dma_wait3A_203, %dma_wait3A_204] : memref<10240x128xf32, #tpu.memory_space<hbm>> -> memref<10240x128xf32, #tpu.memory_space<hbm>>
      tpu.wait_indirect_dma semaphore(%arg16 : memref<!tpu.dma_semaphore, #tpu.memory_space<semaphore_mem>>) src(%dma_wait3A_205 : memref<10240x128xf32, #tpu.memory_space<hbm>>) dst(%dma_wait3A_199 : memref<128x128xf32, #tpu.memory_space<vmem>>)
      %add3A_206 = arith.constant 1 : i32
      %add3A_207 = arith.addi %select_n3A_173, %add3A_206 : i32
      %dma_wait3A_208 = arith.constant 128 : i32
      %dma_wait3A_209 = arith.constant 0 : i32
      %dma_wait3A_210 = tpu.memref_slice %arg11[%dma_wait3A_208, %dma_wait3A_209] : memref<256x128xf32, #tpu.memory_space<vmem>> -> memref<128x128xf32, #tpu.memory_space<vmem>>
      %dma_wait3A_211 = arith.constant 0 : i32
      %dma_wait3A_212 = tpu.memref_slice %arg9[%add3A_207, %dma_wait3A_211] : memref<8x128xi32, #tpu.memory_space<vmem>> -> memref<1x128xi32, #tpu.memory_space<vmem>>
      %dma_wait3A_213 = tpu.memref_squeeze %dma_wait3A_212 : memref<1x128xi32, #tpu.memory_space<vmem>> -> memref<128xi32, #tpu.memory_space<vmem>>
      %dma_wait3A_214 = arith.constant 0 : i32
      %dma_wait3A_215 = arith.constant 0 : i32
      %dma_wait3A_216 = tpu.memref_slice %arg4[%dma_wait3A_214, %dma_wait3A_215] : memref<10240x128xf32, #tpu.memory_space<hbm>> -> memref<10240x128xf32, #tpu.memory_space<hbm>>
      tpu.wait_indirect_dma semaphore(%arg16 : memref<!tpu.dma_semaphore, #tpu.memory_space<semaphore_mem>>) src(%dma_wait3A_216 : memref<10240x128xf32, #tpu.memory_space<hbm>>) dst(%dma_wait3A_210 : memref<128x128xf32, #tpu.memory_space<vmem>>)
      "tpu.region"() ({
        %run_scoped3A = tpu.sem_alloc : memref<!tpu.dma_semaphore, #tpu.memory_space<semaphore_mem>>
        %dma_start3A_222 = arith.constant 0 : i32
        %dma_start3A_223 = arith.constant 0 : i32
        %dma_start3A_224 = tpu.memref_slice %arg11[%dma_start3A_222, %dma_start3A_223] : memref<256x128xf32, #tpu.memory_space<vmem>> -> memref<128x128xf32, #tpu.memory_space<vmem>>
        %dma_start3A_225 = arith.constant 0 : i32
        %dma_start3A_226 = tpu.memref_slice %arg10[%select_n3A_173, %dma_start3A_225] : memref<8x128xi32, #tpu.memory_space<vmem>> -> memref<1x128xi32, #tpu.memory_space<vmem>>
        %dma_start3A_227 = tpu.memref_squeeze %dma_start3A_226 : memref<1x128xi32, #tpu.memory_space<vmem>> -> memref<128xi32, #tpu.memory_space<vmem>>
        %dma_start3A_228 = arith.constant 0 : i32
        %dma_start3A_229 = arith.constant 0 : i32
        %dma_start3A_230 = tpu.memref_slice %arg14[%dma_start3A_228, %dma_start3A_229] : memref<10240x128xf32, #tpu.memory_space<vmem_shared>> -> memref<10240x128xf32, #tpu.memory_space<vmem_shared>>
        tpu.enqueue_indirect_dma source(%dma_start3A_224 : memref<128x128xf32, #tpu.memory_space<vmem>>) target(%dma_start3A_230 : memref<10240x128xf32, #tpu.memory_space<vmem_shared>>) offsets(%dma_start3A_227 : memref<128xi32, #tpu.memory_space<vmem>>) semaphore(%run_scoped3A : memref<!tpu.dma_semaphore, #tpu.memory_space<semaphore_mem>>) {add = true}
        %dma_wait3A_231 = arith.constant 0 : i32
        %dma_wait3A_232 = arith.constant 0 : i32
        %dma_wait3A_233 = tpu.memref_slice %arg11[%dma_wait3A_231, %dma_wait3A_232] : memref<256x128xf32, #tpu.memory_space<vmem>> -> memref<128x128xf32, #tpu.memory_space<vmem>>
        %dma_wait3A_234 = arith.constant 0 : i32
        %dma_wait3A_235 = tpu.memref_slice %arg10[%select_n3A_173, %dma_wait3A_234] : memref<8x128xi32, #tpu.memory_space<vmem>> -> memref<1x128xi32, #tpu.memory_space<vmem>>
        %dma_wait3A_236 = tpu.memref_squeeze %dma_wait3A_235 : memref<1x128xi32, #tpu.memory_space<vmem>> -> memref<128xi32, #tpu.memory_space<vmem>>
        %dma_wait3A_237 = arith.constant 0 : i32
        %dma_wait3A_238 = arith.constant 0 : i32
        %dma_wait3A_239 = tpu.memref_slice %arg14[%dma_wait3A_237, %dma_wait3A_238] : memref<10240x128xf32, #tpu.memory_space<vmem_shared>> -> memref<10240x128xf32, #tpu.memory_space<vmem_shared>>
        tpu.wait_indirect_dma semaphore(%run_scoped3A : memref<!tpu.dma_semaphore, #tpu.memory_space<semaphore_mem>>) src(%dma_wait3A_233 : memref<128x128xf32, #tpu.memory_space<vmem>>) dst(%dma_wait3A_239 : memref<10240x128xf32, #tpu.memory_space<vmem_shared>>)
        tpu.yield
      }) : () -> ()
      "tpu.region"() ({
        %run_scoped3A = tpu.sem_alloc : memref<!tpu.dma_semaphore, #tpu.memory_space<semaphore_mem>>
        %dma_start3A_222 = arith.constant 0 : i32
        %dma_start3A_223 = tpu.memref_slice %arg10[%select_n3A_173, %dma_start3A_222] : memref<8x128xi32, #tpu.memory_space<vmem>> -> memref<1x128xi32, #tpu.memory_space<vmem>>
        %dma_start3A_224 = tpu.memref_squeeze %dma_start3A_223 : memref<1x128xi32, #tpu.memory_space<vmem>> -> memref<128xi32, #tpu.memory_space<vmem>>
        %dma_start3A_225 = arith.constant 0 : i32
        %dma_start3A_226 = tpu.memref_slice %arg15[%dma_start3A_225] : memref<10240xf32, #tpu.memory_space<vmem_shared>> -> memref<10240xf32, #tpu.memory_space<vmem_shared>>
        tpu.enqueue_indirect_dma source(%arg12 : memref<128xf32, #tpu.memory_space<vmem>>) target(%dma_start3A_226 : memref<10240xf32, #tpu.memory_space<vmem_shared>>) offsets(%dma_start3A_224 : memref<128xi32, #tpu.memory_space<vmem>>) semaphore(%run_scoped3A : memref<!tpu.dma_semaphore, #tpu.memory_space<semaphore_mem>>) {add = true}
        %dma_wait3A_227 = arith.constant 0 : i32
        %dma_wait3A_228 = tpu.memref_slice %arg10[%select_n3A_173, %dma_wait3A_227] : memref<8x128xi32, #tpu.memory_space<vmem>> -> memref<1x128xi32, #tpu.memory_space<vmem>>
        %dma_wait3A_229 = tpu.memref_squeeze %dma_wait3A_228 : memref<1x128xi32, #tpu.memory_space<vmem>> -> memref<128xi32, #tpu.memory_space<vmem>>
        %dma_wait3A_230 = arith.constant 0 : i32
        %dma_wait3A_231 = tpu.memref_slice %arg15[%dma_wait3A_230] : memref<10240xf32, #tpu.memory_space<vmem_shared>> -> memref<10240xf32, #tpu.memory_space<vmem_shared>>
        tpu.wait_indirect_dma semaphore(%run_scoped3A : memref<!tpu.dma_semaphore, #tpu.memory_space<semaphore_mem>>) src(%arg12 : memref<128xf32, #tpu.memory_space<vmem>>) dst(%dma_wait3A_231 : memref<10240xf32, #tpu.memory_space<vmem_shared>>)
        tpu.yield
      }) : () -> ()
      %add3A_217 = arith.constant 1 : i32
      %add3A_218 = arith.addi %select_n3A_173, %add3A_217 : i32
      "tpu.region"() ({
        %run_scoped3A = tpu.sem_alloc : memref<!tpu.dma_semaphore, #tpu.memory_space<semaphore_mem>>
        %dma_start3A_222 = arith.constant 128 : i32
        %dma_start3A_223 = arith.constant 0 : i32
        %dma_start3A_224 = tpu.memref_slice %arg11[%dma_start3A_222, %dma_start3A_223] : memref<256x128xf32, #tpu.memory_space<vmem>> -> memref<128x128xf32, #tpu.memory_space<vmem>>
        %dma_start3A_225 = arith.constant 0 : i32
        %dma_start3A_226 = tpu.memref_slice %arg10[%add3A_218, %dma_start3A_225] : memref<8x128xi32, #tpu.memory_space<vmem>> -> memref<1x128xi32, #tpu.memory_space<vmem>>
        %dma_start3A_227 = tpu.memref_squeeze %dma_start3A_226 : memref<1x128xi32, #tpu.memory_space<vmem>> -> memref<128xi32, #tpu.memory_space<vmem>>
        %dma_start3A_228 = arith.constant 0 : i32
        %dma_start3A_229 = arith.constant 0 : i32
        %dma_start3A_230 = tpu.memref_slice %arg14[%dma_start3A_228, %dma_start3A_229] : memref<10240x128xf32, #tpu.memory_space<vmem_shared>> -> memref<10240x128xf32, #tpu.memory_space<vmem_shared>>
        tpu.enqueue_indirect_dma source(%dma_start3A_224 : memref<128x128xf32, #tpu.memory_space<vmem>>) target(%dma_start3A_230 : memref<10240x128xf32, #tpu.memory_space<vmem_shared>>) offsets(%dma_start3A_227 : memref<128xi32, #tpu.memory_space<vmem>>) semaphore(%run_scoped3A : memref<!tpu.dma_semaphore, #tpu.memory_space<semaphore_mem>>) {add = true}
        %dma_wait3A_231 = arith.constant 128 : i32
        %dma_wait3A_232 = arith.constant 0 : i32
        %dma_wait3A_233 = tpu.memref_slice %arg11[%dma_wait3A_231, %dma_wait3A_232] : memref<256x128xf32, #tpu.memory_space<vmem>> -> memref<128x128xf32, #tpu.memory_space<vmem>>
        %dma_wait3A_234 = arith.constant 0 : i32
        %dma_wait3A_235 = tpu.memref_slice %arg10[%add3A_218, %dma_wait3A_234] : memref<8x128xi32, #tpu.memory_space<vmem>> -> memref<1x128xi32, #tpu.memory_space<vmem>>
        %dma_wait3A_236 = tpu.memref_squeeze %dma_wait3A_235 : memref<1x128xi32, #tpu.memory_space<vmem>> -> memref<128xi32, #tpu.memory_space<vmem>>
        %dma_wait3A_237 = arith.constant 0 : i32
        %dma_wait3A_238 = arith.constant 0 : i32
        %dma_wait3A_239 = tpu.memref_slice %arg14[%dma_wait3A_237, %dma_wait3A_238] : memref<10240x128xf32, #tpu.memory_space<vmem_shared>> -> memref<10240x128xf32, #tpu.memory_space<vmem_shared>>
        tpu.wait_indirect_dma semaphore(%run_scoped3A : memref<!tpu.dma_semaphore, #tpu.memory_space<semaphore_mem>>) src(%dma_wait3A_233 : memref<128x128xf32, #tpu.memory_space<vmem>>) dst(%dma_wait3A_239 : memref<10240x128xf32, #tpu.memory_space<vmem_shared>>)
        tpu.yield
      }) : () -> ()
      %add3A_219 = arith.constant 1 : i32
      %add3A_220 = arith.addi %select_n3A_173, %add3A_219 : i32
      "tpu.region"() ({
        %run_scoped3A = tpu.sem_alloc : memref<!tpu.dma_semaphore, #tpu.memory_space<semaphore_mem>>
        %dma_start3A_222 = arith.constant 0 : i32
        %dma_start3A_223 = tpu.memref_slice %arg10[%add3A_220, %dma_start3A_222] : memref<8x128xi32, #tpu.memory_space<vmem>> -> memref<1x128xi32, #tpu.memory_space<vmem>>
        %dma_start3A_224 = tpu.memref_squeeze %dma_start3A_223 : memref<1x128xi32, #tpu.memory_space<vmem>> -> memref<128xi32, #tpu.memory_space<vmem>>
        %dma_start3A_225 = arith.constant 0 : i32
        %dma_start3A_226 = tpu.memref_slice %arg15[%dma_start3A_225] : memref<10240xf32, #tpu.memory_space<vmem_shared>> -> memref<10240xf32, #tpu.memory_space<vmem_shared>>
        tpu.enqueue_indirect_dma source(%arg12 : memref<128xf32, #tpu.memory_space<vmem>>) target(%dma_start3A_226 : memref<10240xf32, #tpu.memory_space<vmem_shared>>) offsets(%dma_start3A_224 : memref<128xi32, #tpu.memory_space<vmem>>) semaphore(%run_scoped3A : memref<!tpu.dma_semaphore, #tpu.memory_space<semaphore_mem>>) {add = true}
        %dma_wait3A_227 = arith.constant 0 : i32
        %dma_wait3A_228 = tpu.memref_slice %arg10[%add3A_220, %dma_wait3A_227] : memref<8x128xi32, #tpu.memory_space<vmem>> -> memref<1x128xi32, #tpu.memory_space<vmem>>
        %dma_wait3A_229 = tpu.memref_squeeze %dma_wait3A_228 : memref<1x128xi32, #tpu.memory_space<vmem>> -> memref<128xi32, #tpu.memory_space<vmem>>
        %dma_wait3A_230 = arith.constant 0 : i32
        %dma_wait3A_231 = tpu.memref_slice %arg15[%dma_wait3A_230] : memref<10240xf32, #tpu.memory_space<vmem_shared>> -> memref<10240xf32, #tpu.memory_space<vmem_shared>>
        tpu.wait_indirect_dma semaphore(%run_scoped3A : memref<!tpu.dma_semaphore, #tpu.memory_space<semaphore_mem>>) src(%arg12 : memref<128xf32, #tpu.memory_space<vmem>>) dst(%dma_wait3A_231 : memref<10240xf32, #tpu.memory_space<vmem_shared>>)
        tpu.yield
      }) : () -> ()
      %scan3A_221 = arith.constant 0 : i32
      scf.yield %scan3A_221 : i32
    }
    %scan3A_85 = arith.constant 40 : i32
    %barrier3A_86 = arith.constant 0 : index
    tpu.barrier barrier_id(%barrier3A_86)
    %add3A_87 = arith.constant 0 : i32
    %add3A_88 = arith.addi %mul3A_2, %add3A_87 : i32
    %multiple_of3A_89 = tpu.assume_multiple %add3A_88, 128 : i32
    %eq3A = arith.constant 0 : i32
    %eq3A_90 = arith.cmpi eq, %arg0, %eq3A : i32
    %convert_element_type3A = arith.extui %eq3A_90 : i1 to i32
    %cond3A = arith.constant 0 : i32
    %cond3A_91 = arith.cmpi ne, %convert_element_type3A, %cond3A : i32
    scf.if %cond3A_91 {
      "tpu.region"() ({
        %run_scoped3A = tpu.sem_alloc : memref<!tpu.dma_semaphore, #tpu.memory_space<semaphore_mem>>
        %dma_start3A = arith.constant 0 : i32
        %dma_start3A_160 = tpu.memref_slice %arg5[%multiple_of3A_89, %dma_start3A] : memref<10240x128xf32, #tpu.memory_space<hbm>> -> memref<128x128xf32, #tpu.memory_space<hbm>>
        %dma_start3A_161 = arith.constant 0 : i32
        %dma_start3A_162 = tpu.memref_slice %arg14[%multiple_of3A_89, %dma_start3A_161] : memref<10240x128xf32, #tpu.memory_space<vmem_shared>> -> memref<128x128xf32, #tpu.memory_space<vmem_shared>>
        tpu.enqueue_dma source(%dma_start3A_162 : memref<128x128xf32, #tpu.memory_space<vmem_shared>>) target(%dma_start3A_160 : memref<128x128xf32, #tpu.memory_space<hbm>>) target_semaphore(%run_scoped3A : memref<!tpu.dma_semaphore, #tpu.memory_space<semaphore_mem>>)
        %dma_wait3A = arith.constant 0 : i32
        %dma_wait3A_163 = tpu.memref_slice %arg5[%multiple_of3A_89, %dma_wait3A] : memref<10240x128xf32, #tpu.memory_space<hbm>> -> memref<128x128xf32, #tpu.memory_space<hbm>>
        %dma_wait3A_164 = arith.constant 0 : i32
        %dma_wait3A_165 = tpu.memref_slice %arg14[%multiple_of3A_89, %dma_wait3A_164] : memref<10240x128xf32, #tpu.memory_space<vmem_shared>> -> memref<128x128xf32, #tpu.memory_space<vmem_shared>>
        tpu.wait_dma2 semaphore(%run_scoped3A : memref<!tpu.dma_semaphore, #tpu.memory_space<semaphore_mem>>) src(%dma_wait3A_165 : memref<128x128xf32, #tpu.memory_space<vmem_shared>>) dst(%dma_wait3A_163 : memref<128x128xf32, #tpu.memory_space<hbm>>)
        tpu.yield
      }) : () -> ()
    } else {
    }
    %eq3A_92 = arith.constant 1 : i32
    %eq3A_93 = arith.cmpi eq, %arg0, %eq3A_92 : i32
    %convert_element_type3A_94 = arith.extui %eq3A_93 : i1 to i32
    %cond3A_95 = arith.constant 0 : i32
    %cond3A_96 = arith.cmpi ne, %convert_element_type3A_94, %cond3A_95 : i32
    scf.if %cond3A_96 {
      "tpu.region"() ({
        %run_scoped3A = tpu.sem_alloc : memref<!tpu.dma_semaphore, #tpu.memory_space<semaphore_mem>>
        %dma_start3A = arith.constant 0 : i32
        %dma_start3A_160 = tpu.memref_slice %arg6[%multiple_of3A_89, %dma_start3A] : memref<10240x128xf32, #tpu.memory_space<hbm>> -> memref<128x128xf32, #tpu.memory_space<hbm>>
        %dma_start3A_161 = arith.constant 0 : i32
        %dma_start3A_162 = tpu.memref_slice %arg14[%multiple_of3A_89, %dma_start3A_161] : memref<10240x128xf32, #tpu.memory_space<vmem_shared>> -> memref<128x128xf32, #tpu.memory_space<vmem_shared>>
        tpu.enqueue_dma source(%dma_start3A_162 : memref<128x128xf32, #tpu.memory_space<vmem_shared>>) target(%dma_start3A_160 : memref<128x128xf32, #tpu.memory_space<hbm>>) target_semaphore(%run_scoped3A : memref<!tpu.dma_semaphore, #tpu.memory_space<semaphore_mem>>)
        %dma_wait3A = arith.constant 0 : i32
        %dma_wait3A_163 = tpu.memref_slice %arg6[%multiple_of3A_89, %dma_wait3A] : memref<10240x128xf32, #tpu.memory_space<hbm>> -> memref<128x128xf32, #tpu.memory_space<hbm>>
        %dma_wait3A_164 = arith.constant 0 : i32
        %dma_wait3A_165 = tpu.memref_slice %arg14[%multiple_of3A_89, %dma_wait3A_164] : memref<10240x128xf32, #tpu.memory_space<vmem_shared>> -> memref<128x128xf32, #tpu.memory_space<vmem_shared>>
        tpu.wait_dma2 semaphore(%run_scoped3A : memref<!tpu.dma_semaphore, #tpu.memory_space<semaphore_mem>>) src(%dma_wait3A_165 : memref<128x128xf32, #tpu.memory_space<vmem_shared>>) dst(%dma_wait3A_163 : memref<128x128xf32, #tpu.memory_space<hbm>>)
        tpu.yield
      }) : () -> ()
    } else {
    }
    %add3A_97 = arith.constant 128 : i32
    %add3A_98 = arith.addi %mul3A_2, %add3A_97 : i32
    %multiple_of3A_99 = tpu.assume_multiple %add3A_98, 128 : i32
    %eq3A_100 = arith.constant 0 : i32
    %eq3A_101 = arith.cmpi eq, %arg0, %eq3A_100 : i32
    %convert_element_type3A_102 = arith.extui %eq3A_101 : i1 to i32
    %cond3A_103 = arith.constant 0 : i32
    %cond3A_104 = arith.cmpi ne, %convert_element_type3A_102, %cond3A_103 : i32
    scf.if %cond3A_104 {
      "tpu.region"() ({
        %run_scoped3A = tpu.sem_alloc : memref<!tpu.dma_semaphore, #tpu.memory_space<semaphore_mem>>
        %dma_start3A = arith.constant 0 : i32
        %dma_start3A_160 = tpu.memref_slice %arg5[%multiple_of3A_99, %dma_start3A] : memref<10240x128xf32, #tpu.memory_space<hbm>> -> memref<128x128xf32, #tpu.memory_space<hbm>>
        %dma_start3A_161 = arith.constant 0 : i32
        %dma_start3A_162 = tpu.memref_slice %arg14[%multiple_of3A_99, %dma_start3A_161] : memref<10240x128xf32, #tpu.memory_space<vmem_shared>> -> memref<128x128xf32, #tpu.memory_space<vmem_shared>>
        tpu.enqueue_dma source(%dma_start3A_162 : memref<128x128xf32, #tpu.memory_space<vmem_shared>>) target(%dma_start3A_160 : memref<128x128xf32, #tpu.memory_space<hbm>>) target_semaphore(%run_scoped3A : memref<!tpu.dma_semaphore, #tpu.memory_space<semaphore_mem>>)
        %dma_wait3A = arith.constant 0 : i32
        %dma_wait3A_163 = tpu.memref_slice %arg5[%multiple_of3A_99, %dma_wait3A] : memref<10240x128xf32, #tpu.memory_space<hbm>> -> memref<128x128xf32, #tpu.memory_space<hbm>>
        %dma_wait3A_164 = arith.constant 0 : i32
        %dma_wait3A_165 = tpu.memref_slice %arg14[%multiple_of3A_99, %dma_wait3A_164] : memref<10240x128xf32, #tpu.memory_space<vmem_shared>> -> memref<128x128xf32, #tpu.memory_space<vmem_shared>>
        tpu.wait_dma2 semaphore(%run_scoped3A : memref<!tpu.dma_semaphore, #tpu.memory_space<semaphore_mem>>) src(%dma_wait3A_165 : memref<128x128xf32, #tpu.memory_space<vmem_shared>>) dst(%dma_wait3A_163 : memref<128x128xf32, #tpu.memory_space<hbm>>)
        tpu.yield
      }) : () -> ()
    } else {
    }
    %eq3A_105 = arith.constant 1 : i32
    %eq3A_106 = arith.cmpi eq, %arg0, %eq3A_105 : i32
    %convert_element_type3A_107 = arith.extui %eq3A_106 : i1 to i32
    %cond3A_108 = arith.constant 0 : i32
    %cond3A_109 = arith.cmpi ne, %convert_element_type3A_107, %cond3A_108 : i32
    scf.if %cond3A_109 {
      "tpu.region"() ({
        %run_scoped3A = tpu.sem_alloc : memref<!tpu.dma_semaphore, #tpu.memory_space<semaphore_mem>>
        %dma_start3A = arith.constant 0 : i32
        %dma_start3A_160 = tpu.memref_slice %arg6[%multiple_of3A_99, %dma_start3A] : memref<10240x128xf32, #tpu.memory_space<hbm>> -> memref<128x128xf32, #tpu.memory_space<hbm>>
        %dma_start3A_161 = arith.constant 0 : i32
        %dma_start3A_162 = tpu.memref_slice %arg14[%multiple_of3A_99, %dma_start3A_161] : memref<10240x128xf32, #tpu.memory_space<vmem_shared>> -> memref<128x128xf32, #tpu.memory_space<vmem_shared>>
        tpu.enqueue_dma source(%dma_start3A_162 : memref<128x128xf32, #tpu.memory_space<vmem_shared>>) target(%dma_start3A_160 : memref<128x128xf32, #tpu.memory_space<hbm>>) target_semaphore(%run_scoped3A : memref<!tpu.dma_semaphore, #tpu.memory_space<semaphore_mem>>)
        %dma_wait3A = arith.constant 0 : i32
        %dma_wait3A_163 = tpu.memref_slice %arg6[%multiple_of3A_99, %dma_wait3A] : memref<10240x128xf32, #tpu.memory_space<hbm>> -> memref<128x128xf32, #tpu.memory_space<hbm>>
        %dma_wait3A_164 = arith.constant 0 : i32
        %dma_wait3A_165 = tpu.memref_slice %arg14[%multiple_of3A_99, %dma_wait3A_164] : memref<10240x128xf32, #tpu.memory_space<vmem_shared>> -> memref<128x128xf32, #tpu.memory_space<vmem_shared>>
        tpu.wait_dma2 semaphore(%run_scoped3A : memref<!tpu.dma_semaphore, #tpu.memory_space<semaphore_mem>>) src(%dma_wait3A_165 : memref<128x128xf32, #tpu.memory_space<vmem_shared>>) dst(%dma_wait3A_163 : memref<128x128xf32, #tpu.memory_space<hbm>>)
        tpu.yield
      }) : () -> ()
    } else {
    }
    %add3A_110 = arith.constant 256 : i32
    %add3A_111 = arith.addi %mul3A_2, %add3A_110 : i32
    %multiple_of3A_112 = tpu.assume_multiple %add3A_111, 128 : i32
    %eq3A_113 = arith.constant 0 : i32
    %eq3A_114 = arith.cmpi eq, %arg0, %eq3A_113 : i32
    %convert_element_type3A_115 = arith.extui %eq3A_114 : i1 to i32
    %cond3A_116 = arith.constant 0 : i32
    %cond3A_117 = arith.cmpi ne, %convert_element_type3A_115, %cond3A_116 : i32
    scf.if %cond3A_117 {
      "tpu.region"() ({
        %run_scoped3A = tpu.sem_alloc : memref<!tpu.dma_semaphore, #tpu.memory_space<semaphore_mem>>
        %dma_start3A = arith.constant 0 : i32
        %dma_start3A_160 = tpu.memref_slice %arg5[%multiple_of3A_112, %dma_start3A] : memref<10240x128xf32, #tpu.memory_space<hbm>> -> memref<128x128xf32, #tpu.memory_space<hbm>>
        %dma_start3A_161 = arith.constant 0 : i32
        %dma_start3A_162 = tpu.memref_slice %arg14[%multiple_of3A_112, %dma_start3A_161] : memref<10240x128xf32, #tpu.memory_space<vmem_shared>> -> memref<128x128xf32, #tpu.memory_space<vmem_shared>>
        tpu.enqueue_dma source(%dma_start3A_162 : memref<128x128xf32, #tpu.memory_space<vmem_shared>>) target(%dma_start3A_160 : memref<128x128xf32, #tpu.memory_space<hbm>>) target_semaphore(%run_scoped3A : memref<!tpu.dma_semaphore, #tpu.memory_space<semaphore_mem>>)
        %dma_wait3A = arith.constant 0 : i32
        %dma_wait3A_163 = tpu.memref_slice %arg5[%multiple_of3A_112, %dma_wait3A] : memref<10240x128xf32, #tpu.memory_space<hbm>> -> memref<128x128xf32, #tpu.memory_space<hbm>>
        %dma_wait3A_164 = arith.constant 0 : i32
        %dma_wait3A_165 = tpu.memref_slice %arg14[%multiple_of3A_112, %dma_wait3A_164] : memref<10240x128xf32, #tpu.memory_space<vmem_shared>> -> memref<128x128xf32, #tpu.memory_space<vmem_shared>>
        tpu.wait_dma2 semaphore(%run_scoped3A : memref<!tpu.dma_semaphore, #tpu.memory_space<semaphore_mem>>) src(%dma_wait3A_165 : memref<128x128xf32, #tpu.memory_space<vmem_shared>>) dst(%dma_wait3A_163 : memref<128x128xf32, #tpu.memory_space<hbm>>)
        tpu.yield
      }) : () -> ()
    } else {
    }
    %eq3A_118 = arith.constant 1 : i32
    %eq3A_119 = arith.cmpi eq, %arg0, %eq3A_118 : i32
    %convert_element_type3A_120 = arith.extui %eq3A_119 : i1 to i32
    %cond3A_121 = arith.constant 0 : i32
    %cond3A_122 = arith.cmpi ne, %convert_element_type3A_120, %cond3A_121 : i32
    scf.if %cond3A_122 {
      "tpu.region"() ({
        %run_scoped3A = tpu.sem_alloc : memref<!tpu.dma_semaphore, #tpu.memory_space<semaphore_mem>>
        %dma_start3A = arith.constant 0 : i32
        %dma_start3A_160 = tpu.memref_slice %arg6[%multiple_of3A_112, %dma_start3A] : memref<10240x128xf32, #tpu.memory_space<hbm>> -> memref<128x128xf32, #tpu.memory_space<hbm>>
        %dma_start3A_161 = arith.constant 0 : i32
        %dma_start3A_162 = tpu.memref_slice %arg14[%multiple_of3A_112, %dma_start3A_161] : memref<10240x128xf32, #tpu.memory_space<vmem_shared>> -> memref<128x128xf32, #tpu.memory_space<vmem_shared>>
        tpu.enqueue_dma source(%dma_start3A_162 : memref<128x128xf32, #tpu.memory_space<vmem_shared>>) target(%dma_start3A_160 : memref<128x128xf32, #tpu.memory_space<hbm>>) target_semaphore(%run_scoped3A : memref<!tpu.dma_semaphore, #tpu.memory_space<semaphore_mem>>)
        %dma_wait3A = arith.constant 0 : i32
        %dma_wait3A_163 = tpu.memref_slice %arg6[%multiple_of3A_112, %dma_wait3A] : memref<10240x128xf32, #tpu.memory_space<hbm>> -> memref<128x128xf32, #tpu.memory_space<hbm>>
        %dma_wait3A_164 = arith.constant 0 : i32
        %dma_wait3A_165 = tpu.memref_slice %arg14[%multiple_of3A_112, %dma_wait3A_164] : memref<10240x128xf32, #tpu.memory_space<vmem_shared>> -> memref<128x128xf32, #tpu.memory_space<vmem_shared>>
        tpu.wait_dma2 semaphore(%run_scoped3A : memref<!tpu.dma_semaphore, #tpu.memory_space<semaphore_mem>>) src(%dma_wait3A_165 : memref<128x128xf32, #tpu.memory_space<vmem_shared>>) dst(%dma_wait3A_163 : memref<128x128xf32, #tpu.memory_space<hbm>>)
        tpu.yield
      }) : () -> ()
    } else {
    }
    %add3A_123 = arith.constant 384 : i32
    %add3A_124 = arith.addi %mul3A_2, %add3A_123 : i32
    %multiple_of3A_125 = tpu.assume_multiple %add3A_124, 128 : i32
    %eq3A_126 = arith.constant 0 : i32
    %eq3A_127 = arith.cmpi eq, %arg0, %eq3A_126 : i32
    %convert_element_type3A_128 = arith.extui %eq3A_127 : i1 to i32
    %cond3A_129 = arith.constant 0 : i32
    %cond3A_130 = arith.cmpi ne, %convert_element_type3A_128, %cond3A_129 : i32
    scf.if %cond3A_130 {
      "tpu.region"() ({
        %run_scoped3A = tpu.sem_alloc : memref<!tpu.dma_semaphore, #tpu.memory_space<semaphore_mem>>
        %dma_start3A = arith.constant 0 : i32
        %dma_start3A_160 = tpu.memref_slice %arg5[%multiple_of3A_125, %dma_start3A] : memref<10240x128xf32, #tpu.memory_space<hbm>> -> memref<128x128xf32, #tpu.memory_space<hbm>>
        %dma_start3A_161 = arith.constant 0 : i32
        %dma_start3A_162 = tpu.memref_slice %arg14[%multiple_of3A_125, %dma_start3A_161] : memref<10240x128xf32, #tpu.memory_space<vmem_shared>> -> memref<128x128xf32, #tpu.memory_space<vmem_shared>>
        tpu.enqueue_dma source(%dma_start3A_162 : memref<128x128xf32, #tpu.memory_space<vmem_shared>>) target(%dma_start3A_160 : memref<128x128xf32, #tpu.memory_space<hbm>>) target_semaphore(%run_scoped3A : memref<!tpu.dma_semaphore, #tpu.memory_space<semaphore_mem>>)
        %dma_wait3A = arith.constant 0 : i32
        %dma_wait3A_163 = tpu.memref_slice %arg5[%multiple_of3A_125, %dma_wait3A] : memref<10240x128xf32, #tpu.memory_space<hbm>> -> memref<128x128xf32, #tpu.memory_space<hbm>>
        %dma_wait3A_164 = arith.constant 0 : i32
        %dma_wait3A_165 = tpu.memref_slice %arg14[%multiple_of3A_125, %dma_wait3A_164] : memref<10240x128xf32, #tpu.memory_space<vmem_shared>> -> memref<128x128xf32, #tpu.memory_space<vmem_shared>>
        tpu.wait_dma2 semaphore(%run_scoped3A : memref<!tpu.dma_semaphore, #tpu.memory_space<semaphore_mem>>) src(%dma_wait3A_165 : memref<128x128xf32, #tpu.memory_space<vmem_shared>>) dst(%dma_wait3A_163 : memref<128x128xf32, #tpu.memory_space<hbm>>)
        tpu.yield
      }) : () -> ()
    } else {
    }
    %eq3A_131 = arith.constant 1 : i32
    %eq3A_132 = arith.cmpi eq, %arg0, %eq3A_131 : i32
    %convert_element_type3A_133 = arith.extui %eq3A_132 : i1 to i32
    %cond3A_134 = arith.constant 0 : i32
    %cond3A_135 = arith.cmpi ne, %convert_element_type3A_133, %cond3A_134 : i32
    scf.if %cond3A_135 {
      "tpu.region"() ({
        %run_scoped3A = tpu.sem_alloc : memref<!tpu.dma_semaphore, #tpu.memory_space<semaphore_mem>>
        %dma_start3A = arith.constant 0 : i32
        %dma_start3A_160 = tpu.memref_slice %arg6[%multiple_of3A_125, %dma_start3A] : memref<10240x128xf32, #tpu.memory_space<hbm>> -> memref<128x128xf32, #tpu.memory_space<hbm>>
        %dma_start3A_161 = arith.constant 0 : i32
        %dma_start3A_162 = tpu.memref_slice %arg14[%multiple_of3A_125, %dma_start3A_161] : memref<10240x128xf32, #tpu.memory_space<vmem_shared>> -> memref<128x128xf32, #tpu.memory_space<vmem_shared>>
        tpu.enqueue_dma source(%dma_start3A_162 : memref<128x128xf32, #tpu.memory_space<vmem_shared>>) target(%dma_start3A_160 : memref<128x128xf32, #tpu.memory_space<hbm>>) target_semaphore(%run_scoped3A : memref<!tpu.dma_semaphore, #tpu.memory_space<semaphore_mem>>)
        %dma_wait3A = arith.constant 0 : i32
        %dma_wait3A_163 = tpu.memref_slice %arg6[%multiple_of3A_125, %dma_wait3A] : memref<10240x128xf32, #tpu.memory_space<hbm>> -> memref<128x128xf32, #tpu.memory_space<hbm>>
        %dma_wait3A_164 = arith.constant 0 : i32
        %dma_wait3A_165 = tpu.memref_slice %arg14[%multiple_of3A_125, %dma_wait3A_164] : memref<10240x128xf32, #tpu.memory_space<vmem_shared>> -> memref<128x128xf32, #tpu.memory_space<vmem_shared>>
        tpu.wait_dma2 semaphore(%run_scoped3A : memref<!tpu.dma_semaphore, #tpu.memory_space<semaphore_mem>>) src(%dma_wait3A_165 : memref<128x128xf32, #tpu.memory_space<vmem_shared>>) dst(%dma_wait3A_163 : memref<128x128xf32, #tpu.memory_space<hbm>>)
        tpu.yield
      }) : () -> ()
    } else {
    }
    %add3A_136 = arith.constant 512 : i32
    %add3A_137 = arith.addi %mul3A_2, %add3A_136 : i32
    %multiple_of3A_138 = tpu.assume_multiple %add3A_137, 128 : i32
    %eq3A_139 = arith.constant 0 : i32
    %eq3A_140 = arith.cmpi eq, %arg0, %eq3A_139 : i32
    %convert_element_type3A_141 = arith.extui %eq3A_140 : i1 to i32
    %cond3A_142 = arith.constant 0 : i32
    %cond3A_143 = arith.cmpi ne, %convert_element_type3A_141, %cond3A_142 : i32
    scf.if %cond3A_143 {
      "tpu.region"() ({
        %run_scoped3A = tpu.sem_alloc : memref<!tpu.dma_semaphore, #tpu.memory_space<semaphore_mem>>
        %dma_start3A = arith.constant 0 : i32
        %dma_start3A_160 = tpu.memref_slice %arg5[%multiple_of3A_138, %dma_start3A] : memref<10240x128xf32, #tpu.memory_space<hbm>> -> memref<128x128xf32, #tpu.memory_space<hbm>>
        %dma_start3A_161 = arith.constant 0 : i32
        %dma_start3A_162 = tpu.memref_slice %arg14[%multiple_of3A_138, %dma_start3A_161] : memref<10240x128xf32, #tpu.memory_space<vmem_shared>> -> memref<128x128xf32, #tpu.memory_space<vmem_shared>>
        tpu.enqueue_dma source(%dma_start3A_162 : memref<128x128xf32, #tpu.memory_space<vmem_shared>>) target(%dma_start3A_160 : memref<128x128xf32, #tpu.memory_space<hbm>>) target_semaphore(%run_scoped3A : memref<!tpu.dma_semaphore, #tpu.memory_space<semaphore_mem>>)
        %dma_wait3A = arith.constant 0 : i32
        %dma_wait3A_163 = tpu.memref_slice %arg5[%multiple_of3A_138, %dma_wait3A] : memref<10240x128xf32, #tpu.memory_space<hbm>> -> memref<128x128xf32, #tpu.memory_space<hbm>>
        %dma_wait3A_164 = arith.constant 0 : i32
        %dma_wait3A_165 = tpu.memref_slice %arg14[%multiple_of3A_138, %dma_wait3A_164] : memref<10240x128xf32, #tpu.memory_space<vmem_shared>> -> memref<128x128xf32, #tpu.memory_space<vmem_shared>>
        tpu.wait_dma2 semaphore(%run_scoped3A : memref<!tpu.dma_semaphore, #tpu.memory_space<semaphore_mem>>) src(%dma_wait3A_165 : memref<128x128xf32, #tpu.memory_space<vmem_shared>>) dst(%dma_wait3A_163 : memref<128x128xf32, #tpu.memory_space<hbm>>)
        tpu.yield
      }) : () -> ()
    } else {
    }
    %eq3A_144 = arith.constant 1 : i32
    %eq3A_145 = arith.cmpi eq, %arg0, %eq3A_144 : i32
    %convert_element_type3A_146 = arith.extui %eq3A_145 : i1 to i32
    %cond3A_147 = arith.constant 0 : i32
    %cond3A_148 = arith.cmpi ne, %convert_element_type3A_146, %cond3A_147 : i32
    scf.if %cond3A_148 {
      "tpu.region"() ({
        %run_scoped3A = tpu.sem_alloc : memref<!tpu.dma_semaphore, #tpu.memory_space<semaphore_mem>>
        %dma_start3A = arith.constant 0 : i32
        %dma_start3A_160 = tpu.memref_slice %arg6[%multiple_of3A_138, %dma_start3A] : memref<10240x128xf32, #tpu.memory_space<hbm>> -> memref<128x128xf32, #tpu.memory_space<hbm>>
        %dma_start3A_161 = arith.constant 0 : i32
        %dma_start3A_162 = tpu.memref_slice %arg14[%multiple_of3A_138, %dma_start3A_161] : memref<10240x128xf32, #tpu.memory_space<vmem_shared>> -> memref<128x128xf32, #tpu.memory_space<vmem_shared>>
        tpu.enqueue_dma source(%dma_start3A_162 : memref<128x128xf32, #tpu.memory_space<vmem_shared>>) target(%dma_start3A_160 : memref<128x128xf32, #tpu.memory_space<hbm>>) target_semaphore(%run_scoped3A : memref<!tpu.dma_semaphore, #tpu.memory_space<semaphore_mem>>)
        %dma_wait3A = arith.constant 0 : i32
        %dma_wait3A_163 = tpu.memref_slice %arg6[%multiple_of3A_138, %dma_wait3A] : memref<10240x128xf32, #tpu.memory_space<hbm>> -> memref<128x128xf32, #tpu.memory_space<hbm>>
        %dma_wait3A_164 = arith.constant 0 : i32
        %dma_wait3A_165 = tpu.memref_slice %arg14[%multiple_of3A_138, %dma_wait3A_164] : memref<10240x128xf32, #tpu.memory_space<vmem_shared>> -> memref<128x128xf32, #tpu.memory_space<vmem_shared>>
        tpu.wait_dma2 semaphore(%run_scoped3A : memref<!tpu.dma_semaphore, #tpu.memory_space<semaphore_mem>>) src(%dma_wait3A_165 : memref<128x128xf32, #tpu.memory_space<vmem_shared>>) dst(%dma_wait3A_163 : memref<128x128xf32, #tpu.memory_space<hbm>>)
        tpu.yield
      }) : () -> ()
    } else {
    }
    %multiple_of3A_149 = tpu.assume_multiple %mul3A_2, 640 : i32
    %eq3A_150 = arith.constant 0 : i32
    %eq3A_151 = arith.cmpi eq, %arg0, %eq3A_150 : i32
    %convert_element_type3A_152 = arith.extui %eq3A_151 : i1 to i32
    %cond3A_153 = arith.constant 0 : i32
    %cond3A_154 = arith.cmpi ne, %convert_element_type3A_152, %cond3A_153 : i32
    scf.if %cond3A_154 {
      "tpu.region"() ({
        %run_scoped3A = tpu.sem_alloc : memref<!tpu.dma_semaphore, #tpu.memory_space<semaphore_mem>>
        %dma_start3A = tpu.memref_slice %arg7[%multiple_of3A_149] : memref<10240xf32, #tpu.memory_space<hbm>> -> memref<640xf32, #tpu.memory_space<hbm>>
        %dma_start3A_160 = tpu.memref_slice %arg15[%multiple_of3A_149] : memref<10240xf32, #tpu.memory_space<vmem_shared>> -> memref<640xf32, #tpu.memory_space<vmem_shared>>
        tpu.enqueue_dma source(%dma_start3A_160 : memref<640xf32, #tpu.memory_space<vmem_shared>>) target(%dma_start3A : memref<640xf32, #tpu.memory_space<hbm>>) target_semaphore(%run_scoped3A : memref<!tpu.dma_semaphore, #tpu.memory_space<semaphore_mem>>)
        %dma_wait3A = tpu.memref_slice %arg7[%multiple_of3A_149] : memref<10240xf32, #tpu.memory_space<hbm>> -> memref<640xf32, #tpu.memory_space<hbm>>
        %dma_wait3A_161 = tpu.memref_slice %arg15[%multiple_of3A_149] : memref<10240xf32, #tpu.memory_space<vmem_shared>> -> memref<640xf32, #tpu.memory_space<vmem_shared>>
        tpu.wait_dma2 semaphore(%run_scoped3A : memref<!tpu.dma_semaphore, #tpu.memory_space<semaphore_mem>>) src(%dma_wait3A_161 : memref<640xf32, #tpu.memory_space<vmem_shared>>) dst(%dma_wait3A : memref<640xf32, #tpu.memory_space<hbm>>)
        tpu.yield
      }) : () -> ()
    } else {
    }
    %eq3A_155 = arith.constant 1 : i32
    %eq3A_156 = arith.cmpi eq, %arg0, %eq3A_155 : i32
    %convert_element_type3A_157 = arith.extui %eq3A_156 : i1 to i32
    %cond3A_158 = arith.constant 0 : i32
    %cond3A_159 = arith.cmpi ne, %convert_element_type3A_157, %cond3A_158 : i32
    scf.if %cond3A_159 {
      "tpu.region"() ({
        %run_scoped3A = tpu.sem_alloc : memref<!tpu.dma_semaphore, #tpu.memory_space<semaphore_mem>>
        %dma_start3A = tpu.memref_slice %arg8[%multiple_of3A_149] : memref<10240xf32, #tpu.memory_space<hbm>> -> memref<640xf32, #tpu.memory_space<hbm>>
        %dma_start3A_160 = tpu.memref_slice %arg15[%multiple_of3A_149] : memref<10240xf32, #tpu.memory_space<vmem_shared>> -> memref<640xf32, #tpu.memory_space<vmem_shared>>
        tpu.enqueue_dma source(%dma_start3A_160 : memref<640xf32, #tpu.memory_space<vmem_shared>>) target(%dma_start3A : memref<640xf32, #tpu.memory_space<hbm>>) target_semaphore(%run_scoped3A : memref<!tpu.dma_semaphore, #tpu.memory_space<semaphore_mem>>)
        %dma_wait3A = tpu.memref_slice %arg8[%multiple_of3A_149] : memref<10240xf32, #tpu.memory_space<hbm>> -> memref<640xf32, #tpu.memory_space<hbm>>
        %dma_wait3A_161 = tpu.memref_slice %arg15[%multiple_of3A_149] : memref<10240xf32, #tpu.memory_space<vmem_shared>> -> memref<640xf32, #tpu.memory_space<vmem_shared>>
        tpu.wait_dma2 semaphore(%run_scoped3A : memref<!tpu.dma_semaphore, #tpu.memory_space<semaphore_mem>>) src(%dma_wait3A_161 : memref<640xf32, #tpu.memory_space<vmem_shared>>) dst(%dma_wait3A : memref<640xf32, #tpu.memory_space<hbm>>)
        tpu.yield
      }) : () -> ()
    } else {
    }
    return
  }
}

#map = affine_map<(d0, d1) -> (0, 0)>
module attributes {stable_mosaic.version = 14 : i64} {
  func.func @k_fn(%arg0: i32, %arg1: i32, %arg2: memref<2560x128xi32, #tpu.memory_space<hbm>>, %arg3: memref<327680x128xf32, #tpu.memory_space<hbm>>, %arg4: memref<10240x128xf32, #tpu.memory_space<hbm>>, %arg5: memref<10240x128xf32, #tpu.memory_space<hbm>>, %arg6: memref<8x128xi32, #tpu.memory_space<vmem>>, %arg7: memref<256x128xf32, #tpu.memory_space<vmem>>, %arg8: memref<10240x128xf32, #tpu.memory_space<vmem_shared>>) attributes {dimension_semantics = [#tpu.dimension_semantics<core_parallel>, #tpu.dimension_semantics<subcore_parallel>], iteration_bounds = array<i64: 2, 16>, scalar_prefetch = 0 : i64, scratch_operands = 3 : i64, tpu.core_type = #tpu.core_type<sc_vector_subcore>, window_params = [{transform_indices = #map}, {transform_indices = #map}, {transform_indices = #map}, {transform_indices = #map}]} {
    %mul3A = arith.constant 16 : i32
    %mul3A_0 = arith.muli %arg0, %mul3A : i32
    %add3A = arith.addi %mul3A_0, %arg1 : i32
    %mul3A_1 = arith.constant 640 : i32
    %mul3A_2 = arith.muli %arg1, %mul3A_1 : i32
    %mul3A_3 = arith.constant 80 : i32
    %mul3A_4 = arith.muli %add3A, %mul3A_3 : i32
    %scan3A = arith.constant 0 : i32
    %scan3A_5 = arith.constant 0 : i32
    %scan3A_6 = arith.constant 2048 : i32
    %scan3A_7 = arith.addi %scan3A_5, %scan3A_6 : i32
    %scan3A_8 = arith.constant 1 : i32
    %scan3A_9 = scf.for %scan3A_95 = %scan3A_5 to %scan3A_7 step %scan3A_8 iter_args(%scan3A_96 = %scan3A) -> (i32)  : i32 {
      %broadcast_in_dim3A = arith.constant 0.000000e+00 : f32
      %broadcast_in_dim3A_97 = vector.broadcast %broadcast_in_dim3A : f32 to vector<16xf32>
      %jit3A = arith.constant 8 : i32
      %div3A = arith.divsi %scan3A_95, %jit3A : i32
      %sign3A = arith.constant 0 : i32
      %sign3A_98 = arith.cmpi sgt, %scan3A_95, %sign3A : i32
      %sign3A_99 = arith.extui %sign3A_98 : i1 to i32
      %sign3A_100 = arith.constant 0 : i32
      %sign3A_101 = arith.cmpi slt, %scan3A_95, %sign3A_100 : i32
      %sign3A_102 = arith.extui %sign3A_101 : i1 to i32
      %sign3A_103 = arith.subi %sign3A_99, %sign3A_102 : i32
      %sign3A_104 = arith.constant 0 : i32
      %sign3A_105 = arith.cmpi sgt, %jit3A, %sign3A_104 : i32
      %sign3A_106 = arith.extui %sign3A_105 : i1 to i32
      %sign3A_107 = arith.constant 0 : i32
      %sign3A_108 = arith.cmpi slt, %jit3A, %sign3A_107 : i32
      %sign3A_109 = arith.extui %sign3A_108 : i1 to i32
      %sign3A_110 = arith.subi %sign3A_106, %sign3A_109 : i32
      %ne3A = arith.cmpi ne, %sign3A_103, %sign3A_110 : i32
      %rem3A = arith.remsi %scan3A_95, %jit3A : i32
      %ne3A_111 = arith.constant 0 : i32
      %ne3A_112 = arith.cmpi ne, %rem3A, %ne3A_111 : i32
      %and3A = arith.andi %ne3A, %ne3A_112 : i1
      %sub3A = arith.constant 1 : i32
      %sub3A_113 = arith.subi %div3A, %sub3A : i32
      %select_n3A = arith.select %and3A, %sub3A_113, %div3A : i32
      %jit3A_114 = arith.constant 8 : i32
      %eq3A_115 = arith.constant 0 : i32
      %eq3A_116 = arith.cmpi eq, %jit3A_114, %eq3A_115 : i32
      %jit3A_117 = arith.constant 1 : i32
      %select_n3A_118 = arith.select %eq3A_116, %jit3A_117, %jit3A_114 : i32
      %rem3A_119 = arith.remsi %scan3A_95, %select_n3A_118 : i32
      %ne3A_120 = arith.constant 0 : i32
      %ne3A_121 = arith.cmpi ne, %rem3A_119, %ne3A_120 : i32
      %lt3A = arith.constant 0 : i32
      %lt3A_122 = arith.cmpi slt, %rem3A_119, %lt3A : i32
      %lt3A_123 = arith.constant 0 : i32
      %lt3A_124 = arith.cmpi slt, %select_n3A_118, %lt3A_123 : i32
      %ne3A_125 = arith.xori %lt3A_122, %lt3A_124 : i1
      %and3A_126 = arith.andi %ne3A_125, %ne3A_121 : i1
      %add3A_127 = arith.addi %rem3A_119, %select_n3A_118 : i32
      %select_n3A_128 = arith.select %and3A_126, %add3A_127, %rem3A_119 : i32
      %mul3A_129 = arith.constant 16 : i32
      %mul3A_130 = arith.muli %select_n3A_128, %mul3A_129 : i32
      %swap3A = arith.index_cast %select_n3A : i32 to index
      %swap3A_131 = arith.index_cast %mul3A_130 : i32 to index
      %swap3A_132 = tpu.vector_load %arg7[%swap3A, %swap3A_131] {strides = array<i32>} : memref<256x128xf32, #tpu.memory_space<vmem>>, vector<1x16xf32>,
      %swap3A_133 = vector.shape_cast %swap3A_132 : vector<1x16xf32> to vector<16xf32>
      %swap3A_134 = vector.shape_cast %broadcast_in_dim3A_97 : vector<16xf32> to vector<1x16xf32>
      tpu.vector_store %arg7[%swap3A, %swap3A_131], %swap3A_134 {strides = array<i32>} : memref<256x128xf32, #tpu.memory_space<vmem>>, vector<1x16xf32>,
      %scan3A_135 = arith.constant 0 : i32
      scf.yield %scan3A_135 : i32
    }
    %scan3A_10 = arith.constant 2048 : i32
    %add3A_11 = arith.constant 0 : i32
    %add3A_12 = arith.addi %mul3A_2, %add3A_11 : i32
    %multiple_of3A = tpu.assume_multiple %add3A_12, 128 : i32
    "tpu.region"() ({
      %run_scoped3A = tpu.sem_alloc : memref<!tpu.dma_semaphore, #tpu.memory_space<semaphore_mem>>
      %dma_start3A = arith.constant 0 : i32
      %dma_start3A_95 = arith.constant 0 : i32
      %dma_start3A_96 = tpu.memref_slice %arg7[%dma_start3A, %dma_start3A_95] : memref<256x128xf32, #tpu.memory_space<vmem>> -> memref<128x128xf32, #tpu.memory_space<vmem>>
      %dma_start3A_97 = arith.constant 0 : i32
      %dma_start3A_98 = tpu.memref_slice %arg8[%multiple_of3A, %dma_start3A_97] : memref<10240x128xf32, #tpu.memory_space<vmem_shared>> -> memref<128x128xf32, #tpu.memory_space<vmem_shared>>
      %dma_start3A_99 = arith.constant 0 : i32
      %dma_start3A_100 = tpu.memref_slice %arg8[%multiple_of3A, %dma_start3A_99] : memref<10240x128xf32, #tpu.memory_space<vmem_shared>> -> memref<128x128xf32, #tpu.memory_space<vmem_shared>>
      %dma_start3A_101 = arith.constant 0 : i32
      %dma_start3A_102 = arith.constant 0 : i32
      %dma_start3A_103 = tpu.memref_slice %arg7[%dma_start3A_101, %dma_start3A_102] : memref<256x128xf32, #tpu.memory_space<vmem>> -> memref<128x128xf32, #tpu.memory_space<vmem>>
      tpu.enqueue_dma source(%dma_start3A_103 : memref<128x128xf32, #tpu.memory_space<vmem>>) target(%dma_start3A_100 : memref<128x128xf32, #tpu.memory_space<vmem_shared>>) target_semaphore(%run_scoped3A : memref<!tpu.dma_semaphore, #tpu.memory_space<semaphore_mem>>)
      %dma_wait3A = arith.constant 0 : i32
      %dma_wait3A_104 = arith.constant 0 : i32
      %dma_wait3A_105 = tpu.memref_slice %arg7[%dma_wait3A, %dma_wait3A_104] : memref<256x128xf32, #tpu.memory_space<vmem>> -> memref<128x128xf32, #tpu.memory_space<vmem>>
      %dma_wait3A_106 = arith.constant 0 : i32
      %dma_wait3A_107 = tpu.memref_slice %arg8[%multiple_of3A, %dma_wait3A_106] : memref<10240x128xf32, #tpu.memory_space<vmem_shared>> -> memref<128x128xf32, #tpu.memory_space<vmem_shared>>
      %dma_wait3A_108 = arith.constant 0 : i32
      %dma_wait3A_109 = tpu.memref_slice %arg8[%multiple_of3A, %dma_wait3A_108] : memref<10240x128xf32, #tpu.memory_space<vmem_shared>> -> memref<128x128xf32, #tpu.memory_space<vmem_shared>>
      %dma_wait3A_110 = arith.constant 0 : i32
      %dma_wait3A_111 = arith.constant 0 : i32
      %dma_wait3A_112 = tpu.memref_slice %arg7[%dma_wait3A_110, %dma_wait3A_111] : memref<256x128xf32, #tpu.memory_space<vmem>> -> memref<128x128xf32, #tpu.memory_space<vmem>>
      tpu.wait_dma2 semaphore(%run_scoped3A : memref<!tpu.dma_semaphore, #tpu.memory_space<semaphore_mem>>) src(%dma_wait3A_112 : memref<128x128xf32, #tpu.memory_space<vmem>>) dst(%dma_wait3A_109 : memref<128x128xf32, #tpu.memory_space<vmem_shared>>)
      tpu.yield
    }) : () -> ()
    %add3A_13 = arith.constant 128 : i32
    %add3A_14 = arith.addi %mul3A_2, %add3A_13 : i32
    %multiple_of3A_15 = tpu.assume_multiple %add3A_14, 128 : i32
    "tpu.region"() ({
      %run_scoped3A = tpu.sem_alloc : memref<!tpu.dma_semaphore, #tpu.memory_space<semaphore_mem>>
      %dma_start3A = arith.constant 0 : i32
      %dma_start3A_95 = arith.constant 0 : i32
      %dma_start3A_96 = tpu.memref_slice %arg7[%dma_start3A, %dma_start3A_95] : memref<256x128xf32, #tpu.memory_space<vmem>> -> memref<128x128xf32, #tpu.memory_space<vmem>>
      %dma_start3A_97 = arith.constant 0 : i32
      %dma_start3A_98 = tpu.memref_slice %arg8[%multiple_of3A_15, %dma_start3A_97] : memref<10240x128xf32, #tpu.memory_space<vmem_shared>> -> memref<128x128xf32, #tpu.memory_space<vmem_shared>>
      %dma_start3A_99 = arith.constant 0 : i32
      %dma_start3A_100 = tpu.memref_slice %arg8[%multiple_of3A_15, %dma_start3A_99] : memref<10240x128xf32, #tpu.memory_space<vmem_shared>> -> memref<128x128xf32, #tpu.memory_space<vmem_shared>>
      %dma_start3A_101 = arith.constant 0 : i32
      %dma_start3A_102 = arith.constant 0 : i32
      %dma_start3A_103 = tpu.memref_slice %arg7[%dma_start3A_101, %dma_start3A_102] : memref<256x128xf32, #tpu.memory_space<vmem>> -> memref<128x128xf32, #tpu.memory_space<vmem>>
      tpu.enqueue_dma source(%dma_start3A_103 : memref<128x128xf32, #tpu.memory_space<vmem>>) target(%dma_start3A_100 : memref<128x128xf32, #tpu.memory_space<vmem_shared>>) target_semaphore(%run_scoped3A : memref<!tpu.dma_semaphore, #tpu.memory_space<semaphore_mem>>)
      %dma_wait3A = arith.constant 0 : i32
      %dma_wait3A_104 = arith.constant 0 : i32
      %dma_wait3A_105 = tpu.memref_slice %arg7[%dma_wait3A, %dma_wait3A_104] : memref<256x128xf32, #tpu.memory_space<vmem>> -> memref<128x128xf32, #tpu.memory_space<vmem>>
      %dma_wait3A_106 = arith.constant 0 : i32
      %dma_wait3A_107 = tpu.memref_slice %arg8[%multiple_of3A_15, %dma_wait3A_106] : memref<10240x128xf32, #tpu.memory_space<vmem_shared>> -> memref<128x128xf32, #tpu.memory_space<vmem_shared>>
      %dma_wait3A_108 = arith.constant 0 : i32
      %dma_wait3A_109 = tpu.memref_slice %arg8[%multiple_of3A_15, %dma_wait3A_108] : memref<10240x128xf32, #tpu.memory_space<vmem_shared>> -> memref<128x128xf32, #tpu.memory_space<vmem_shared>>
      %dma_wait3A_110 = arith.constant 0 : i32
      %dma_wait3A_111 = arith.constant 0 : i32
      %dma_wait3A_112 = tpu.memref_slice %arg7[%dma_wait3A_110, %dma_wait3A_111] : memref<256x128xf32, #tpu.memory_space<vmem>> -> memref<128x128xf32, #tpu.memory_space<vmem>>
      tpu.wait_dma2 semaphore(%run_scoped3A : memref<!tpu.dma_semaphore, #tpu.memory_space<semaphore_mem>>) src(%dma_wait3A_112 : memref<128x128xf32, #tpu.memory_space<vmem>>) dst(%dma_wait3A_109 : memref<128x128xf32, #tpu.memory_space<vmem_shared>>)
      tpu.yield
    }) : () -> ()
    %add3A_16 = arith.constant 256 : i32
    %add3A_17 = arith.addi %mul3A_2, %add3A_16 : i32
    %multiple_of3A_18 = tpu.assume_multiple %add3A_17, 128 : i32
    "tpu.region"() ({
      %run_scoped3A = tpu.sem_alloc : memref<!tpu.dma_semaphore, #tpu.memory_space<semaphore_mem>>
      %dma_start3A = arith.constant 0 : i32
      %dma_start3A_95 = arith.constant 0 : i32
      %dma_start3A_96 = tpu.memref_slice %arg7[%dma_start3A, %dma_start3A_95] : memref<256x128xf32, #tpu.memory_space<vmem>> -> memref<128x128xf32, #tpu.memory_space<vmem>>
      %dma_start3A_97 = arith.constant 0 : i32
      %dma_start3A_98 = tpu.memref_slice %arg8[%multiple_of3A_18, %dma_start3A_97] : memref<10240x128xf32, #tpu.memory_space<vmem_shared>> -> memref<128x128xf32, #tpu.memory_space<vmem_shared>>
      %dma_start3A_99 = arith.constant 0 : i32
      %dma_start3A_100 = tpu.memref_slice %arg8[%multiple_of3A_18, %dma_start3A_99] : memref<10240x128xf32, #tpu.memory_space<vmem_shared>> -> memref<128x128xf32, #tpu.memory_space<vmem_shared>>
      %dma_start3A_101 = arith.constant 0 : i32
      %dma_start3A_102 = arith.constant 0 : i32
      %dma_start3A_103 = tpu.memref_slice %arg7[%dma_start3A_101, %dma_start3A_102] : memref<256x128xf32, #tpu.memory_space<vmem>> -> memref<128x128xf32, #tpu.memory_space<vmem>>
      tpu.enqueue_dma source(%dma_start3A_103 : memref<128x128xf32, #tpu.memory_space<vmem>>) target(%dma_start3A_100 : memref<128x128xf32, #tpu.memory_space<vmem_shared>>) target_semaphore(%run_scoped3A : memref<!tpu.dma_semaphore, #tpu.memory_space<semaphore_mem>>)
      %dma_wait3A = arith.constant 0 : i32
      %dma_wait3A_104 = arith.constant 0 : i32
      %dma_wait3A_105 = tpu.memref_slice %arg7[%dma_wait3A, %dma_wait3A_104] : memref<256x128xf32, #tpu.memory_space<vmem>> -> memref<128x128xf32, #tpu.memory_space<vmem>>
      %dma_wait3A_106 = arith.constant 0 : i32
      %dma_wait3A_107 = tpu.memref_slice %arg8[%multiple_of3A_18, %dma_wait3A_106] : memref<10240x128xf32, #tpu.memory_space<vmem_shared>> -> memref<128x128xf32, #tpu.memory_space<vmem_shared>>
      %dma_wait3A_108 = arith.constant 0 : i32
      %dma_wait3A_109 = tpu.memref_slice %arg8[%multiple_of3A_18, %dma_wait3A_108] : memref<10240x128xf32, #tpu.memory_space<vmem_shared>> -> memref<128x128xf32, #tpu.memory_space<vmem_shared>>
      %dma_wait3A_110 = arith.constant 0 : i32
      %dma_wait3A_111 = arith.constant 0 : i32
      %dma_wait3A_112 = tpu.memref_slice %arg7[%dma_wait3A_110, %dma_wait3A_111] : memref<256x128xf32, #tpu.memory_space<vmem>> -> memref<128x128xf32, #tpu.memory_space<vmem>>
      tpu.wait_dma2 semaphore(%run_scoped3A : memref<!tpu.dma_semaphore, #tpu.memory_space<semaphore_mem>>) src(%dma_wait3A_112 : memref<128x128xf32, #tpu.memory_space<vmem>>) dst(%dma_wait3A_109 : memref<128x128xf32, #tpu.memory_space<vmem_shared>>)
      tpu.yield
    }) : () -> ()
    %add3A_19 = arith.constant 384 : i32
    %add3A_20 = arith.addi %mul3A_2, %add3A_19 : i32
    %multiple_of3A_21 = tpu.assume_multiple %add3A_20, 128 : i32
    "tpu.region"() ({
      %run_scoped3A = tpu.sem_alloc : memref<!tpu.dma_semaphore, #tpu.memory_space<semaphore_mem>>
      %dma_start3A = arith.constant 0 : i32
      %dma_start3A_95 = arith.constant 0 : i32
      %dma_start3A_96 = tpu.memref_slice %arg7[%dma_start3A, %dma_start3A_95] : memref<256x128xf32, #tpu.memory_space<vmem>> -> memref<128x128xf32, #tpu.memory_space<vmem>>
      %dma_start3A_97 = arith.constant 0 : i32
      %dma_start3A_98 = tpu.memref_slice %arg8[%multiple_of3A_21, %dma_start3A_97] : memref<10240x128xf32, #tpu.memory_space<vmem_shared>> -> memref<128x128xf32, #tpu.memory_space<vmem_shared>>
      %dma_start3A_99 = arith.constant 0 : i32
      %dma_start3A_100 = tpu.memref_slice %arg8[%multiple_of3A_21, %dma_start3A_99] : memref<10240x128xf32, #tpu.memory_space<vmem_shared>> -> memref<128x128xf32, #tpu.memory_space<vmem_shared>>
      %dma_start3A_101 = arith.constant 0 : i32
      %dma_start3A_102 = arith.constant 0 : i32
      %dma_start3A_103 = tpu.memref_slice %arg7[%dma_start3A_101, %dma_start3A_102] : memref<256x128xf32, #tpu.memory_space<vmem>> -> memref<128x128xf32, #tpu.memory_space<vmem>>
      tpu.enqueue_dma source(%dma_start3A_103 : memref<128x128xf32, #tpu.memory_space<vmem>>) target(%dma_start3A_100 : memref<128x128xf32, #tpu.memory_space<vmem_shared>>) target_semaphore(%run_scoped3A : memref<!tpu.dma_semaphore, #tpu.memory_space<semaphore_mem>>)
      %dma_wait3A = arith.constant 0 : i32
      %dma_wait3A_104 = arith.constant 0 : i32
      %dma_wait3A_105 = tpu.memref_slice %arg7[%dma_wait3A, %dma_wait3A_104] : memref<256x128xf32, #tpu.memory_space<vmem>> -> memref<128x128xf32, #tpu.memory_space<vmem>>
      %dma_wait3A_106 = arith.constant 0 : i32
      %dma_wait3A_107 = tpu.memref_slice %arg8[%multiple_of3A_21, %dma_wait3A_106] : memref<10240x128xf32, #tpu.memory_space<vmem_shared>> -> memref<128x128xf32, #tpu.memory_space<vmem_shared>>
      %dma_wait3A_108 = arith.constant 0 : i32
      %dma_wait3A_109 = tpu.memref_slice %arg8[%multiple_of3A_21, %dma_wait3A_108] : memref<10240x128xf32, #tpu.memory_space<vmem_shared>> -> memref<128x128xf32, #tpu.memory_space<vmem_shared>>
      %dma_wait3A_110 = arith.constant 0 : i32
      %dma_wait3A_111 = arith.constant 0 : i32
      %dma_wait3A_112 = tpu.memref_slice %arg7[%dma_wait3A_110, %dma_wait3A_111] : memref<256x128xf32, #tpu.memory_space<vmem>> -> memref<128x128xf32, #tpu.memory_space<vmem>>
      tpu.wait_dma2 semaphore(%run_scoped3A : memref<!tpu.dma_semaphore, #tpu.memory_space<semaphore_mem>>) src(%dma_wait3A_112 : memref<128x128xf32, #tpu.memory_space<vmem>>) dst(%dma_wait3A_109 : memref<128x128xf32, #tpu.memory_space<vmem_shared>>)
      tpu.yield
    }) : () -> ()
    %add3A_22 = arith.constant 512 : i32
    %add3A_23 = arith.addi %mul3A_2, %add3A_22 : i32
    %multiple_of3A_24 = tpu.assume_multiple %add3A_23, 128 : i32
    "tpu.region"() ({
      %run_scoped3A = tpu.sem_alloc : memref<!tpu.dma_semaphore, #tpu.memory_space<semaphore_mem>>
      %dma_start3A = arith.constant 0 : i32
      %dma_start3A_95 = arith.constant 0 : i32
      %dma_start3A_96 = tpu.memref_slice %arg7[%dma_start3A, %dma_start3A_95] : memref<256x128xf32, #tpu.memory_space<vmem>> -> memref<128x128xf32, #tpu.memory_space<vmem>>
      %dma_start3A_97 = arith.constant 0 : i32
      %dma_start3A_98 = tpu.memref_slice %arg8[%multiple_of3A_24, %dma_start3A_97] : memref<10240x128xf32, #tpu.memory_space<vmem_shared>> -> memref<128x128xf32, #tpu.memory_space<vmem_shared>>
      %dma_start3A_99 = arith.constant 0 : i32
      %dma_start3A_100 = tpu.memref_slice %arg8[%multiple_of3A_24, %dma_start3A_99] : memref<10240x128xf32, #tpu.memory_space<vmem_shared>> -> memref<128x128xf32, #tpu.memory_space<vmem_shared>>
      %dma_start3A_101 = arith.constant 0 : i32
      %dma_start3A_102 = arith.constant 0 : i32
      %dma_start3A_103 = tpu.memref_slice %arg7[%dma_start3A_101, %dma_start3A_102] : memref<256x128xf32, #tpu.memory_space<vmem>> -> memref<128x128xf32, #tpu.memory_space<vmem>>
      tpu.enqueue_dma source(%dma_start3A_103 : memref<128x128xf32, #tpu.memory_space<vmem>>) target(%dma_start3A_100 : memref<128x128xf32, #tpu.memory_space<vmem_shared>>) target_semaphore(%run_scoped3A : memref<!tpu.dma_semaphore, #tpu.memory_space<semaphore_mem>>)
      %dma_wait3A = arith.constant 0 : i32
      %dma_wait3A_104 = arith.constant 0 : i32
      %dma_wait3A_105 = tpu.memref_slice %arg7[%dma_wait3A, %dma_wait3A_104] : memref<256x128xf32, #tpu.memory_space<vmem>> -> memref<128x128xf32, #tpu.memory_space<vmem>>
      %dma_wait3A_106 = arith.constant 0 : i32
      %dma_wait3A_107 = tpu.memref_slice %arg8[%multiple_of3A_24, %dma_wait3A_106] : memref<10240x128xf32, #tpu.memory_space<vmem_shared>> -> memref<128x128xf32, #tpu.memory_space<vmem_shared>>
      %dma_wait3A_108 = arith.constant 0 : i32
      %dma_wait3A_109 = tpu.memref_slice %arg8[%multiple_of3A_24, %dma_wait3A_108] : memref<10240x128xf32, #tpu.memory_space<vmem_shared>> -> memref<128x128xf32, #tpu.memory_space<vmem_shared>>
      %dma_wait3A_110 = arith.constant 0 : i32
      %dma_wait3A_111 = arith.constant 0 : i32
      %dma_wait3A_112 = tpu.memref_slice %arg7[%dma_wait3A_110, %dma_wait3A_111] : memref<256x128xf32, #tpu.memory_space<vmem>> -> memref<128x128xf32, #tpu.memory_space<vmem>>
      tpu.wait_dma2 semaphore(%run_scoped3A : memref<!tpu.dma_semaphore, #tpu.memory_space<semaphore_mem>>) src(%dma_wait3A_112 : memref<128x128xf32, #tpu.memory_space<vmem>>) dst(%dma_wait3A_109 : memref<128x128xf32, #tpu.memory_space<vmem_shared>>)
      tpu.yield
    }) : () -> ()
    %barrier3A = arith.constant 0 : index
    tpu.barrier barrier_id(%barrier3A)
    %scan3A_25 = arith.constant 0 : i32
    %scan3A_26 = arith.constant 0 : i32
    %scan3A_27 = arith.constant 40 : i32
    %scan3A_28 = arith.addi %scan3A_26, %scan3A_27 : i32
    %scan3A_29 = arith.constant 1 : i32
    %scan3A_30 = scf.for %scan3A_95 = %scan3A_26 to %scan3A_28 step %scan3A_29 iter_args(%scan3A_96 = %scan3A_25) -> (i32)  : i32 {
      %mul3A_97 = arith.constant 2 : i32
      %mul3A_98 = arith.muli %mul3A_97, %scan3A_95 : i32
      %jit3A = arith.constant 8 : i32
      %eq3A_99 = arith.constant 0 : i32
      %eq3A_100 = arith.cmpi eq, %jit3A, %eq3A_99 : i32
      %jit3A_101 = arith.constant 1 : i32
      %select_n3A = arith.select %eq3A_100, %jit3A_101, %jit3A : i32
      %rem3A = arith.remsi %mul3A_98, %select_n3A : i32
      %ne3A = arith.constant 0 : i32
      %ne3A_102 = arith.cmpi ne, %rem3A, %ne3A : i32
      %lt3A = arith.constant 0 : i32
      %lt3A_103 = arith.cmpi slt, %rem3A, %lt3A : i32
      %lt3A_104 = arith.constant 0 : i32
      %lt3A_105 = arith.cmpi slt, %select_n3A, %lt3A_104 : i32
      %ne3A_106 = arith.xori %lt3A_103, %lt3A_105 : i1
      %and3A = arith.andi %ne3A_106, %ne3A_102 : i1
      %add3A_107 = arith.addi %rem3A, %select_n3A : i32
      %select_n3A_108 = arith.select %and3A, %add3A_107, %rem3A : i32
      %eq3A_109 = arith.constant 0 : i32
      %eq3A_110 = arith.cmpi eq, %select_n3A_108, %eq3A_109 : i32
      %convert_element_type3A_111 = arith.extui %eq3A_110 : i1 to i32
      %cond3A_112 = arith.constant 0 : i32
      %cond3A_113 = arith.cmpi ne, %convert_element_type3A_111, %cond3A_112 : i32
      scf.if %cond3A_113 {
        %add3A_121 = arith.addi %mul3A_4, %mul3A_98 : i32
        %multiple_of3A_122 = tpu.assume_multiple %add3A_121, 8 : i32
        "tpu.region"() ({
          %run_scoped3A = tpu.sem_alloc : memref<!tpu.dma_semaphore, #tpu.memory_space<semaphore_mem>>
          %dma_start3A = arith.constant 0 : i32
          %dma_start3A_123 = tpu.memref_slice %arg2[%multiple_of3A_122, %dma_start3A] : memref<2560x128xi32, #tpu.memory_space<hbm>> -> memref<8x128xi32, #tpu.memory_space<hbm>>
          %dma_start3A_124 = arith.constant 0 : i32
          %dma_start3A_125 = tpu.memref_slice %arg2[%multiple_of3A_122, %dma_start3A_124] : memref<2560x128xi32, #tpu.memory_space<hbm>> -> memref<8x128xi32, #tpu.memory_space<hbm>>
          tpu.enqueue_dma source(%dma_start3A_125 : memref<8x128xi32, #tpu.memory_space<hbm>>) target(%arg6 : memref<8x128xi32, #tpu.memory_space<vmem>>) target_semaphore(%run_scoped3A : memref<!tpu.dma_semaphore, #tpu.memory_space<semaphore_mem>>)
          %dma_wait3A = arith.constant 0 : i32
          %dma_wait3A_126 = tpu.memref_slice %arg2[%multiple_of3A_122, %dma_wait3A] : memref<2560x128xi32, #tpu.memory_space<hbm>> -> memref<8x128xi32, #tpu.memory_space<hbm>>
          %dma_wait3A_127 = arith.constant 0 : i32
          %dma_wait3A_128 = tpu.memref_slice %arg2[%multiple_of3A_122, %dma_wait3A_127] : memref<2560x128xi32, #tpu.memory_space<hbm>> -> memref<8x128xi32, #tpu.memory_space<hbm>>
          tpu.wait_dma2 semaphore(%run_scoped3A : memref<!tpu.dma_semaphore, #tpu.memory_space<semaphore_mem>>) src(%dma_wait3A_128 : memref<8x128xi32, #tpu.memory_space<hbm>>) dst(%arg6 : memref<8x128xi32, #tpu.memory_space<vmem>>)
          tpu.yield
        }) : () -> ()
      } else {
      }
      %add3A_114 = arith.addi %mul3A_4, %mul3A_98 : i32
      %mul3A_115 = arith.constant 128 : i32
      %mul3A_116 = arith.muli %add3A_114, %mul3A_115 : i32
      %multiple_of3A_117 = tpu.assume_multiple %mul3A_116, 128 : i32
      "tpu.region"() ({
        %run_scoped3A = tpu.sem_alloc : memref<!tpu.dma_semaphore, #tpu.memory_space<semaphore_mem>>
        %dma_start3A = arith.constant 0 : i32
        %dma_start3A_121 = tpu.memref_slice %arg3[%multiple_of3A_117, %dma_start3A] : memref<327680x128xf32, #tpu.memory_space<hbm>> -> memref<256x128xf32, #tpu.memory_space<hbm>>
        %dma_start3A_122 = arith.constant 0 : i32
        %dma_start3A_123 = tpu.memref_slice %arg3[%multiple_of3A_117, %dma_start3A_122] : memref<327680x128xf32, #tpu.memory_space<hbm>> -> memref<256x128xf32, #tpu.memory_space<hbm>>
        tpu.enqueue_dma source(%dma_start3A_123 : memref<256x128xf32, #tpu.memory_space<hbm>>) target(%arg7 : memref<256x128xf32, #tpu.memory_space<vmem>>) target_semaphore(%run_scoped3A : memref<!tpu.dma_semaphore, #tpu.memory_space<semaphore_mem>>)
        %dma_wait3A = arith.constant 0 : i32
        %dma_wait3A_124 = tpu.memref_slice %arg3[%multiple_of3A_117, %dma_wait3A] : memref<327680x128xf32, #tpu.memory_space<hbm>> -> memref<256x128xf32, #tpu.memory_space<hbm>>
        %dma_wait3A_125 = arith.constant 0 : i32
        %dma_wait3A_126 = tpu.memref_slice %arg3[%multiple_of3A_117, %dma_wait3A_125] : memref<327680x128xf32, #tpu.memory_space<hbm>> -> memref<256x128xf32, #tpu.memory_space<hbm>>
        tpu.wait_dma2 semaphore(%run_scoped3A : memref<!tpu.dma_semaphore, #tpu.memory_space<semaphore_mem>>) src(%dma_wait3A_126 : memref<256x128xf32, #tpu.memory_space<hbm>>) dst(%arg7 : memref<256x128xf32, #tpu.memory_space<vmem>>)
        tpu.yield
      }) : () -> ()
      "tpu.region"() ({
        %run_scoped3A = tpu.sem_alloc : memref<!tpu.dma_semaphore, #tpu.memory_space<semaphore_mem>>
        %dma_start3A = arith.constant 0 : i32
        %dma_start3A_121 = arith.constant 0 : i32
        %dma_start3A_122 = tpu.memref_slice %arg7[%dma_start3A, %dma_start3A_121] : memref<256x128xf32, #tpu.memory_space<vmem>> -> memref<128x128xf32, #tpu.memory_space<vmem>>
        %dma_start3A_123 = arith.constant 0 : i32
        %dma_start3A_124 = tpu.memref_slice %arg6[%select_n3A_108, %dma_start3A_123] : memref<8x128xi32, #tpu.memory_space<vmem>> -> memref<1x128xi32, #tpu.memory_space<vmem>>
        %dma_start3A_125 = tpu.memref_squeeze %dma_start3A_124 : memref<1x128xi32, #tpu.memory_space<vmem>> -> memref<128xi32, #tpu.memory_space<vmem>>
        %dma_start3A_126 = arith.constant 0 : i32
        %dma_start3A_127 = arith.constant 0 : i32
        %dma_start3A_128 = tpu.memref_slice %arg8[%dma_start3A_126, %dma_start3A_127] : memref<10240x128xf32, #tpu.memory_space<vmem_shared>> -> memref<10240x128xf32, #tpu.memory_space<vmem_shared>>
        tpu.enqueue_indirect_dma source(%dma_start3A_122 : memref<128x128xf32, #tpu.memory_space<vmem>>) target(%dma_start3A_128 : memref<10240x128xf32, #tpu.memory_space<vmem_shared>>) offsets(%dma_start3A_125 : memref<128xi32, #tpu.memory_space<vmem>>) semaphore(%run_scoped3A : memref<!tpu.dma_semaphore, #tpu.memory_space<semaphore_mem>>) {add = true}
        %dma_wait3A = arith.constant 0 : i32
        %dma_wait3A_129 = arith.constant 0 : i32
        %dma_wait3A_130 = tpu.memref_slice %arg7[%dma_wait3A, %dma_wait3A_129] : memref<256x128xf32, #tpu.memory_space<vmem>> -> memref<128x128xf32, #tpu.memory_space<vmem>>
        %dma_wait3A_131 = arith.constant 0 : i32
        %dma_wait3A_132 = tpu.memref_slice %arg6[%select_n3A_108, %dma_wait3A_131] : memref<8x128xi32, #tpu.memory_space<vmem>> -> memref<1x128xi32, #tpu.memory_space<vmem>>
        %dma_wait3A_133 = tpu.memref_squeeze %dma_wait3A_132 : memref<1x128xi32, #tpu.memory_space<vmem>> -> memref<128xi32, #tpu.memory_space<vmem>>
        %dma_wait3A_134 = arith.constant 0 : i32
        %dma_wait3A_135 = arith.constant 0 : i32
        %dma_wait3A_136 = tpu.memref_slice %arg8[%dma_wait3A_134, %dma_wait3A_135] : memref<10240x128xf32, #tpu.memory_space<vmem_shared>> -> memref<10240x128xf32, #tpu.memory_space<vmem_shared>>
        tpu.wait_indirect_dma semaphore(%run_scoped3A : memref<!tpu.dma_semaphore, #tpu.memory_space<semaphore_mem>>) src(%dma_wait3A_130 : memref<128x128xf32, #tpu.memory_space<vmem>>) dst(%dma_wait3A_136 : memref<10240x128xf32, #tpu.memory_space<vmem_shared>>)
        tpu.yield
      }) : () -> ()
      %add3A_118 = arith.constant 1 : i32
      %add3A_119 = arith.addi %select_n3A_108, %add3A_118 : i32
      "tpu.region"() ({
        %run_scoped3A = tpu.sem_alloc : memref<!tpu.dma_semaphore, #tpu.memory_space<semaphore_mem>>
        %dma_start3A = arith.constant 128 : i32
        %dma_start3A_121 = arith.constant 0 : i32
        %dma_start3A_122 = tpu.memref_slice %arg7[%dma_start3A, %dma_start3A_121] : memref<256x128xf32, #tpu.memory_space<vmem>> -> memref<128x128xf32, #tpu.memory_space<vmem>>
        %dma_start3A_123 = arith.constant 0 : i32
        %dma_start3A_124 = tpu.memref_slice %arg6[%add3A_119, %dma_start3A_123] : memref<8x128xi32, #tpu.memory_space<vmem>> -> memref<1x128xi32, #tpu.memory_space<vmem>>
        %dma_start3A_125 = tpu.memref_squeeze %dma_start3A_124 : memref<1x128xi32, #tpu.memory_space<vmem>> -> memref<128xi32, #tpu.memory_space<vmem>>
        %dma_start3A_126 = arith.constant 0 : i32
        %dma_start3A_127 = arith.constant 0 : i32
        %dma_start3A_128 = tpu.memref_slice %arg8[%dma_start3A_126, %dma_start3A_127] : memref<10240x128xf32, #tpu.memory_space<vmem_shared>> -> memref<10240x128xf32, #tpu.memory_space<vmem_shared>>
        tpu.enqueue_indirect_dma source(%dma_start3A_122 : memref<128x128xf32, #tpu.memory_space<vmem>>) target(%dma_start3A_128 : memref<10240x128xf32, #tpu.memory_space<vmem_shared>>) offsets(%dma_start3A_125 : memref<128xi32, #tpu.memory_space<vmem>>) semaphore(%run_scoped3A : memref<!tpu.dma_semaphore, #tpu.memory_space<semaphore_mem>>) {add = true}
        %dma_wait3A = arith.constant 128 : i32
        %dma_wait3A_129 = arith.constant 0 : i32
        %dma_wait3A_130 = tpu.memref_slice %arg7[%dma_wait3A, %dma_wait3A_129] : memref<256x128xf32, #tpu.memory_space<vmem>> -> memref<128x128xf32, #tpu.memory_space<vmem>>
        %dma_wait3A_131 = arith.constant 0 : i32
        %dma_wait3A_132 = tpu.memref_slice %arg6[%add3A_119, %dma_wait3A_131] : memref<8x128xi32, #tpu.memory_space<vmem>> -> memref<1x128xi32, #tpu.memory_space<vmem>>
        %dma_wait3A_133 = tpu.memref_squeeze %dma_wait3A_132 : memref<1x128xi32, #tpu.memory_space<vmem>> -> memref<128xi32, #tpu.memory_space<vmem>>
        %dma_wait3A_134 = arith.constant 0 : i32
        %dma_wait3A_135 = arith.constant 0 : i32
        %dma_wait3A_136 = tpu.memref_slice %arg8[%dma_wait3A_134, %dma_wait3A_135] : memref<10240x128xf32, #tpu.memory_space<vmem_shared>> -> memref<10240x128xf32, #tpu.memory_space<vmem_shared>>
        tpu.wait_indirect_dma semaphore(%run_scoped3A : memref<!tpu.dma_semaphore, #tpu.memory_space<semaphore_mem>>) src(%dma_wait3A_130 : memref<128x128xf32, #tpu.memory_space<vmem>>) dst(%dma_wait3A_136 : memref<10240x128xf32, #tpu.memory_space<vmem_shared>>)
        tpu.yield
      }) : () -> ()
      %scan3A_120 = arith.constant 0 : i32
      scf.yield %scan3A_120 : i32
    }
    %scan3A_31 = arith.constant 40 : i32
    %barrier3A_32 = arith.constant 0 : index
    tpu.barrier barrier_id(%barrier3A_32)
    %add3A_33 = arith.constant 0 : i32
    %add3A_34 = arith.addi %mul3A_2, %add3A_33 : i32
    %multiple_of3A_35 = tpu.assume_multiple %add3A_34, 128 : i32
    %eq3A = arith.constant 0 : i32
    %eq3A_36 = arith.cmpi eq, %arg0, %eq3A : i32
    %convert_element_type3A = arith.extui %eq3A_36 : i1 to i32
    %cond3A = arith.constant 0 : i32
    %cond3A_37 = arith.cmpi ne, %convert_element_type3A, %cond3A : i32
    scf.if %cond3A_37 {
      "tpu.region"() ({
        %run_scoped3A = tpu.sem_alloc : memref<!tpu.dma_semaphore, #tpu.memory_space<semaphore_mem>>
        %dma_start3A = arith.constant 0 : i32
        %dma_start3A_95 = tpu.memref_slice %arg4[%multiple_of3A_35, %dma_start3A] : memref<10240x128xf32, #tpu.memory_space<hbm>> -> memref<128x128xf32, #tpu.memory_space<hbm>>
        %dma_start3A_96 = arith.constant 0 : i32
        %dma_start3A_97 = tpu.memref_slice %arg8[%multiple_of3A_35, %dma_start3A_96] : memref<10240x128xf32, #tpu.memory_space<vmem_shared>> -> memref<128x128xf32, #tpu.memory_space<vmem_shared>>
        tpu.enqueue_dma source(%dma_start3A_97 : memref<128x128xf32, #tpu.memory_space<vmem_shared>>) target(%dma_start3A_95 : memref<128x128xf32, #tpu.memory_space<hbm>>) target_semaphore(%run_scoped3A : memref<!tpu.dma_semaphore, #tpu.memory_space<semaphore_mem>>)
        %dma_wait3A = arith.constant 0 : i32
        %dma_wait3A_98 = tpu.memref_slice %arg4[%multiple_of3A_35, %dma_wait3A] : memref<10240x128xf32, #tpu.memory_space<hbm>> -> memref<128x128xf32, #tpu.memory_space<hbm>>
        %dma_wait3A_99 = arith.constant 0 : i32
        %dma_wait3A_100 = tpu.memref_slice %arg8[%multiple_of3A_35, %dma_wait3A_99] : memref<10240x128xf32, #tpu.memory_space<vmem_shared>> -> memref<128x128xf32, #tpu.memory_space<vmem_shared>>
        tpu.wait_dma2 semaphore(%run_scoped3A : memref<!tpu.dma_semaphore, #tpu.memory_space<semaphore_mem>>) src(%dma_wait3A_100 : memref<128x128xf32, #tpu.memory_space<vmem_shared>>) dst(%dma_wait3A_98 : memref<128x128xf32, #tpu.memory_space<hbm>>)
        tpu.yield
      }) : () -> ()
    } else {
    }
    %eq3A_38 = arith.constant 1 : i32
    %eq3A_39 = arith.cmpi eq, %arg0, %eq3A_38 : i32
    %convert_element_type3A_40 = arith.extui %eq3A_39 : i1 to i32
    %cond3A_41 = arith.constant 0 : i32
    %cond3A_42 = arith.cmpi ne, %convert_element_type3A_40, %cond3A_41 : i32
    scf.if %cond3A_42 {
      "tpu.region"() ({
        %run_scoped3A = tpu.sem_alloc : memref<!tpu.dma_semaphore, #tpu.memory_space<semaphore_mem>>
        %dma_start3A = arith.constant 0 : i32
        %dma_start3A_95 = tpu.memref_slice %arg5[%multiple_of3A_35, %dma_start3A] : memref<10240x128xf32, #tpu.memory_space<hbm>> -> memref<128x128xf32, #tpu.memory_space<hbm>>
        %dma_start3A_96 = arith.constant 0 : i32
        %dma_start3A_97 = tpu.memref_slice %arg8[%multiple_of3A_35, %dma_start3A_96] : memref<10240x128xf32, #tpu.memory_space<vmem_shared>> -> memref<128x128xf32, #tpu.memory_space<vmem_shared>>
        tpu.enqueue_dma source(%dma_start3A_97 : memref<128x128xf32, #tpu.memory_space<vmem_shared>>) target(%dma_start3A_95 : memref<128x128xf32, #tpu.memory_space<hbm>>) target_semaphore(%run_scoped3A : memref<!tpu.dma_semaphore, #tpu.memory_space<semaphore_mem>>)
        %dma_wait3A = arith.constant 0 : i32
        %dma_wait3A_98 = tpu.memref_slice %arg5[%multiple_of3A_35, %dma_wait3A] : memref<10240x128xf32, #tpu.memory_space<hbm>> -> memref<128x128xf32, #tpu.memory_space<hbm>>
        %dma_wait3A_99 = arith.constant 0 : i32
        %dma_wait3A_100 = tpu.memref_slice %arg8[%multiple_of3A_35, %dma_wait3A_99] : memref<10240x128xf32, #tpu.memory_space<vmem_shared>> -> memref<128x128xf32, #tpu.memory_space<vmem_shared>>
        tpu.wait_dma2 semaphore(%run_scoped3A : memref<!tpu.dma_semaphore, #tpu.memory_space<semaphore_mem>>) src(%dma_wait3A_100 : memref<128x128xf32, #tpu.memory_space<vmem_shared>>) dst(%dma_wait3A_98 : memref<128x128xf32, #tpu.memory_space<hbm>>)
        tpu.yield
      }) : () -> ()
    } else {
    }
    %add3A_43 = arith.constant 128 : i32
    %add3A_44 = arith.addi %mul3A_2, %add3A_43 : i32
    %multiple_of3A_45 = tpu.assume_multiple %add3A_44, 128 : i32
    %eq3A_46 = arith.constant 0 : i32
    %eq3A_47 = arith.cmpi eq, %arg0, %eq3A_46 : i32
    %convert_element_type3A_48 = arith.extui %eq3A_47 : i1 to i32
    %cond3A_49 = arith.constant 0 : i32
    %cond3A_50 = arith.cmpi ne, %convert_element_type3A_48, %cond3A_49 : i32
    scf.if %cond3A_50 {
      "tpu.region"() ({
        %run_scoped3A = tpu.sem_alloc : memref<!tpu.dma_semaphore, #tpu.memory_space<semaphore_mem>>
        %dma_start3A = arith.constant 0 : i32
        %dma_start3A_95 = tpu.memref_slice %arg4[%multiple_of3A_45, %dma_start3A] : memref<10240x128xf32, #tpu.memory_space<hbm>> -> memref<128x128xf32, #tpu.memory_space<hbm>>
        %dma_start3A_96 = arith.constant 0 : i32
        %dma_start3A_97 = tpu.memref_slice %arg8[%multiple_of3A_45, %dma_start3A_96] : memref<10240x128xf32, #tpu.memory_space<vmem_shared>> -> memref<128x128xf32, #tpu.memory_space<vmem_shared>>
        tpu.enqueue_dma source(%dma_start3A_97 : memref<128x128xf32, #tpu.memory_space<vmem_shared>>) target(%dma_start3A_95 : memref<128x128xf32, #tpu.memory_space<hbm>>) target_semaphore(%run_scoped3A : memref<!tpu.dma_semaphore, #tpu.memory_space<semaphore_mem>>)
        %dma_wait3A = arith.constant 0 : i32
        %dma_wait3A_98 = tpu.memref_slice %arg4[%multiple_of3A_45, %dma_wait3A] : memref<10240x128xf32, #tpu.memory_space<hbm>> -> memref<128x128xf32, #tpu.memory_space<hbm>>
        %dma_wait3A_99 = arith.constant 0 : i32
        %dma_wait3A_100 = tpu.memref_slice %arg8[%multiple_of3A_45, %dma_wait3A_99] : memref<10240x128xf32, #tpu.memory_space<vmem_shared>> -> memref<128x128xf32, #tpu.memory_space<vmem_shared>>
        tpu.wait_dma2 semaphore(%run_scoped3A : memref<!tpu.dma_semaphore, #tpu.memory_space<semaphore_mem>>) src(%dma_wait3A_100 : memref<128x128xf32, #tpu.memory_space<vmem_shared>>) dst(%dma_wait3A_98 : memref<128x128xf32, #tpu.memory_space<hbm>>)
        tpu.yield
      }) : () -> ()
    } else {
    }
    %eq3A_51 = arith.constant 1 : i32
    %eq3A_52 = arith.cmpi eq, %arg0, %eq3A_51 : i32
    %convert_element_type3A_53 = arith.extui %eq3A_52 : i1 to i32
    %cond3A_54 = arith.constant 0 : i32
    %cond3A_55 = arith.cmpi ne, %convert_element_type3A_53, %cond3A_54 : i32
    scf.if %cond3A_55 {
      "tpu.region"() ({
        %run_scoped3A = tpu.sem_alloc : memref<!tpu.dma_semaphore, #tpu.memory_space<semaphore_mem>>
        %dma_start3A = arith.constant 0 : i32
        %dma_start3A_95 = tpu.memref_slice %arg5[%multiple_of3A_45, %dma_start3A] : memref<10240x128xf32, #tpu.memory_space<hbm>> -> memref<128x128xf32, #tpu.memory_space<hbm>>
        %dma_start3A_96 = arith.constant 0 : i32
        %dma_start3A_97 = tpu.memref_slice %arg8[%multiple_of3A_45, %dma_start3A_96] : memref<10240x128xf32, #tpu.memory_space<vmem_shared>> -> memref<128x128xf32, #tpu.memory_space<vmem_shared>>
        tpu.enqueue_dma source(%dma_start3A_97 : memref<128x128xf32, #tpu.memory_space<vmem_shared>>) target(%dma_start3A_95 : memref<128x128xf32, #tpu.memory_space<hbm>>) target_semaphore(%run_scoped3A : memref<!tpu.dma_semaphore, #tpu.memory_space<semaphore_mem>>)
        %dma_wait3A = arith.constant 0 : i32
        %dma_wait3A_98 = tpu.memref_slice %arg5[%multiple_of3A_45, %dma_wait3A] : memref<10240x128xf32, #tpu.memory_space<hbm>> -> memref<128x128xf32, #tpu.memory_space<hbm>>
        %dma_wait3A_99 = arith.constant 0 : i32
        %dma_wait3A_100 = tpu.memref_slice %arg8[%multiple_of3A_45, %dma_wait3A_99] : memref<10240x128xf32, #tpu.memory_space<vmem_shared>> -> memref<128x128xf32, #tpu.memory_space<vmem_shared>>
        tpu.wait_dma2 semaphore(%run_scoped3A : memref<!tpu.dma_semaphore, #tpu.memory_space<semaphore_mem>>) src(%dma_wait3A_100 : memref<128x128xf32, #tpu.memory_space<vmem_shared>>) dst(%dma_wait3A_98 : memref<128x128xf32, #tpu.memory_space<hbm>>)
        tpu.yield
      }) : () -> ()
    } else {
    }
    %add3A_56 = arith.constant 256 : i32
    %add3A_57 = arith.addi %mul3A_2, %add3A_56 : i32
    %multiple_of3A_58 = tpu.assume_multiple %add3A_57, 128 : i32
    %eq3A_59 = arith.constant 0 : i32
    %eq3A_60 = arith.cmpi eq, %arg0, %eq3A_59 : i32
    %convert_element_type3A_61 = arith.extui %eq3A_60 : i1 to i32
    %cond3A_62 = arith.constant 0 : i32
    %cond3A_63 = arith.cmpi ne, %convert_element_type3A_61, %cond3A_62 : i32
    scf.if %cond3A_63 {
      "tpu.region"() ({
        %run_scoped3A = tpu.sem_alloc : memref<!tpu.dma_semaphore, #tpu.memory_space<semaphore_mem>>
        %dma_start3A = arith.constant 0 : i32
        %dma_start3A_95 = tpu.memref_slice %arg4[%multiple_of3A_58, %dma_start3A] : memref<10240x128xf32, #tpu.memory_space<hbm>> -> memref<128x128xf32, #tpu.memory_space<hbm>>
        %dma_start3A_96 = arith.constant 0 : i32
        %dma_start3A_97 = tpu.memref_slice %arg8[%multiple_of3A_58, %dma_start3A_96] : memref<10240x128xf32, #tpu.memory_space<vmem_shared>> -> memref<128x128xf32, #tpu.memory_space<vmem_shared>>
        tpu.enqueue_dma source(%dma_start3A_97 : memref<128x128xf32, #tpu.memory_space<vmem_shared>>) target(%dma_start3A_95 : memref<128x128xf32, #tpu.memory_space<hbm>>) target_semaphore(%run_scoped3A : memref<!tpu.dma_semaphore, #tpu.memory_space<semaphore_mem>>)
        %dma_wait3A = arith.constant 0 : i32
        %dma_wait3A_98 = tpu.memref_slice %arg4[%multiple_of3A_58, %dma_wait3A] : memref<10240x128xf32, #tpu.memory_space<hbm>> -> memref<128x128xf32, #tpu.memory_space<hbm>>
        %dma_wait3A_99 = arith.constant 0 : i32
        %dma_wait3A_100 = tpu.memref_slice %arg8[%multiple_of3A_58, %dma_wait3A_99] : memref<10240x128xf32, #tpu.memory_space<vmem_shared>> -> memref<128x128xf32, #tpu.memory_space<vmem_shared>>
        tpu.wait_dma2 semaphore(%run_scoped3A : memref<!tpu.dma_semaphore, #tpu.memory_space<semaphore_mem>>) src(%dma_wait3A_100 : memref<128x128xf32, #tpu.memory_space<vmem_shared>>) dst(%dma_wait3A_98 : memref<128x128xf32, #tpu.memory_space<hbm>>)
        tpu.yield
      }) : () -> ()
    } else {
    }
    %eq3A_64 = arith.constant 1 : i32
    %eq3A_65 = arith.cmpi eq, %arg0, %eq3A_64 : i32
    %convert_element_type3A_66 = arith.extui %eq3A_65 : i1 to i32
    %cond3A_67 = arith.constant 0 : i32
    %cond3A_68 = arith.cmpi ne, %convert_element_type3A_66, %cond3A_67 : i32
    scf.if %cond3A_68 {
      "tpu.region"() ({
        %run_scoped3A = tpu.sem_alloc : memref<!tpu.dma_semaphore, #tpu.memory_space<semaphore_mem>>
        %dma_start3A = arith.constant 0 : i32
        %dma_start3A_95 = tpu.memref_slice %arg5[%multiple_of3A_58, %dma_start3A] : memref<10240x128xf32, #tpu.memory_space<hbm>> -> memref<128x128xf32, #tpu.memory_space<hbm>>
        %dma_start3A_96 = arith.constant 0 : i32
        %dma_start3A_97 = tpu.memref_slice %arg8[%multiple_of3A_58, %dma_start3A_96] : memref<10240x128xf32, #tpu.memory_space<vmem_shared>> -> memref<128x128xf32, #tpu.memory_space<vmem_shared>>
        tpu.enqueue_dma source(%dma_start3A_97 : memref<128x128xf32, #tpu.memory_space<vmem_shared>>) target(%dma_start3A_95 : memref<128x128xf32, #tpu.memory_space<hbm>>) target_semaphore(%run_scoped3A : memref<!tpu.dma_semaphore, #tpu.memory_space<semaphore_mem>>)
        %dma_wait3A = arith.constant 0 : i32
        %dma_wait3A_98 = tpu.memref_slice %arg5[%multiple_of3A_58, %dma_wait3A] : memref<10240x128xf32, #tpu.memory_space<hbm>> -> memref<128x128xf32, #tpu.memory_space<hbm>>
        %dma_wait3A_99 = arith.constant 0 : i32
        %dma_wait3A_100 = tpu.memref_slice %arg8[%multiple_of3A_58, %dma_wait3A_99] : memref<10240x128xf32, #tpu.memory_space<vmem_shared>> -> memref<128x128xf32, #tpu.memory_space<vmem_shared>>
        tpu.wait_dma2 semaphore(%run_scoped3A : memref<!tpu.dma_semaphore, #tpu.memory_space<semaphore_mem>>) src(%dma_wait3A_100 : memref<128x128xf32, #tpu.memory_space<vmem_shared>>) dst(%dma_wait3A_98 : memref<128x128xf32, #tpu.memory_space<hbm>>)
        tpu.yield
      }) : () -> ()
    } else {
    }
    %add3A_69 = arith.constant 384 : i32
    %add3A_70 = arith.addi %mul3A_2, %add3A_69 : i32
    %multiple_of3A_71 = tpu.assume_multiple %add3A_70, 128 : i32
    %eq3A_72 = arith.constant 0 : i32
    %eq3A_73 = arith.cmpi eq, %arg0, %eq3A_72 : i32
    %convert_element_type3A_74 = arith.extui %eq3A_73 : i1 to i32
    %cond3A_75 = arith.constant 0 : i32
    %cond3A_76 = arith.cmpi ne, %convert_element_type3A_74, %cond3A_75 : i32
    scf.if %cond3A_76 {
      "tpu.region"() ({
        %run_scoped3A = tpu.sem_alloc : memref<!tpu.dma_semaphore, #tpu.memory_space<semaphore_mem>>
        %dma_start3A = arith.constant 0 : i32
        %dma_start3A_95 = tpu.memref_slice %arg4[%multiple_of3A_71, %dma_start3A] : memref<10240x128xf32, #tpu.memory_space<hbm>> -> memref<128x128xf32, #tpu.memory_space<hbm>>
        %dma_start3A_96 = arith.constant 0 : i32
        %dma_start3A_97 = tpu.memref_slice %arg8[%multiple_of3A_71, %dma_start3A_96] : memref<10240x128xf32, #tpu.memory_space<vmem_shared>> -> memref<128x128xf32, #tpu.memory_space<vmem_shared>>
        tpu.enqueue_dma source(%dma_start3A_97 : memref<128x128xf32, #tpu.memory_space<vmem_shared>>) target(%dma_start3A_95 : memref<128x128xf32, #tpu.memory_space<hbm>>) target_semaphore(%run_scoped3A : memref<!tpu.dma_semaphore, #tpu.memory_space<semaphore_mem>>)
        %dma_wait3A = arith.constant 0 : i32
        %dma_wait3A_98 = tpu.memref_slice %arg4[%multiple_of3A_71, %dma_wait3A] : memref<10240x128xf32, #tpu.memory_space<hbm>> -> memref<128x128xf32, #tpu.memory_space<hbm>>
        %dma_wait3A_99 = arith.constant 0 : i32
        %dma_wait3A_100 = tpu.memref_slice %arg8[%multiple_of3A_71, %dma_wait3A_99] : memref<10240x128xf32, #tpu.memory_space<vmem_shared>> -> memref<128x128xf32, #tpu.memory_space<vmem_shared>>
        tpu.wait_dma2 semaphore(%run_scoped3A : memref<!tpu.dma_semaphore, #tpu.memory_space<semaphore_mem>>) src(%dma_wait3A_100 : memref<128x128xf32, #tpu.memory_space<vmem_shared>>) dst(%dma_wait3A_98 : memref<128x128xf32, #tpu.memory_space<hbm>>)
        tpu.yield
      }) : () -> ()
    } else {
    }
    %eq3A_77 = arith.constant 1 : i32
    %eq3A_78 = arith.cmpi eq, %arg0, %eq3A_77 : i32
    %convert_element_type3A_79 = arith.extui %eq3A_78 : i1 to i32
    %cond3A_80 = arith.constant 0 : i32
    %cond3A_81 = arith.cmpi ne, %convert_element_type3A_79, %cond3A_80 : i32
    scf.if %cond3A_81 {
      "tpu.region"() ({
        %run_scoped3A = tpu.sem_alloc : memref<!tpu.dma_semaphore, #tpu.memory_space<semaphore_mem>>
        %dma_start3A = arith.constant 0 : i32
        %dma_start3A_95 = tpu.memref_slice %arg5[%multiple_of3A_71, %dma_start3A] : memref<10240x128xf32, #tpu.memory_space<hbm>> -> memref<128x128xf32, #tpu.memory_space<hbm>>
        %dma_start3A_96 = arith.constant 0 : i32
        %dma_start3A_97 = tpu.memref_slice %arg8[%multiple_of3A_71, %dma_start3A_96] : memref<10240x128xf32, #tpu.memory_space<vmem_shared>> -> memref<128x128xf32, #tpu.memory_space<vmem_shared>>
        tpu.enqueue_dma source(%dma_start3A_97 : memref<128x128xf32, #tpu.memory_space<vmem_shared>>) target(%dma_start3A_95 : memref<128x128xf32, #tpu.memory_space<hbm>>) target_semaphore(%run_scoped3A : memref<!tpu.dma_semaphore, #tpu.memory_space<semaphore_mem>>)
        %dma_wait3A = arith.constant 0 : i32
        %dma_wait3A_98 = tpu.memref_slice %arg5[%multiple_of3A_71, %dma_wait3A] : memref<10240x128xf32, #tpu.memory_space<hbm>> -> memref<128x128xf32, #tpu.memory_space<hbm>>
        %dma_wait3A_99 = arith.constant 0 : i32
        %dma_wait3A_100 = tpu.memref_slice %arg8[%multiple_of3A_71, %dma_wait3A_99] : memref<10240x128xf32, #tpu.memory_space<vmem_shared>> -> memref<128x128xf32, #tpu.memory_space<vmem_shared>>
        tpu.wait_dma2 semaphore(%run_scoped3A : memref<!tpu.dma_semaphore, #tpu.memory_space<semaphore_mem>>) src(%dma_wait3A_100 : memref<128x128xf32, #tpu.memory_space<vmem_shared>>) dst(%dma_wait3A_98 : memref<128x128xf32, #tpu.memory_space<hbm>>)
        tpu.yield
      }) : () -> ()
    } else {
    }
    %add3A_82 = arith.constant 512 : i32
    %add3A_83 = arith.addi %mul3A_2, %add3A_82 : i32
    %multiple_of3A_84 = tpu.assume_multiple %add3A_83, 128 : i32
    %eq3A_85 = arith.constant 0 : i32
    %eq3A_86 = arith.cmpi eq, %arg0, %eq3A_85 : i32
    %convert_element_type3A_87 = arith.extui %eq3A_86 : i1 to i32
    %cond3A_88 = arith.constant 0 : i32
    %cond3A_89 = arith.cmpi ne, %convert_element_type3A_87, %cond3A_88 : i32
    scf.if %cond3A_89 {
      "tpu.region"() ({
        %run_scoped3A = tpu.sem_alloc : memref<!tpu.dma_semaphore, #tpu.memory_space<semaphore_mem>>
        %dma_start3A = arith.constant 0 : i32
        %dma_start3A_95 = tpu.memref_slice %arg4[%multiple_of3A_84, %dma_start3A] : memref<10240x128xf32, #tpu.memory_space<hbm>> -> memref<128x128xf32, #tpu.memory_space<hbm>>
        %dma_start3A_96 = arith.constant 0 : i32
        %dma_start3A_97 = tpu.memref_slice %arg8[%multiple_of3A_84, %dma_start3A_96] : memref<10240x128xf32, #tpu.memory_space<vmem_shared>> -> memref<128x128xf32, #tpu.memory_space<vmem_shared>>
        tpu.enqueue_dma source(%dma_start3A_97 : memref<128x128xf32, #tpu.memory_space<vmem_shared>>) target(%dma_start3A_95 : memref<128x128xf32, #tpu.memory_space<hbm>>) target_semaphore(%run_scoped3A : memref<!tpu.dma_semaphore, #tpu.memory_space<semaphore_mem>>)
        %dma_wait3A = arith.constant 0 : i32
        %dma_wait3A_98 = tpu.memref_slice %arg4[%multiple_of3A_84, %dma_wait3A] : memref<10240x128xf32, #tpu.memory_space<hbm>> -> memref<128x128xf32, #tpu.memory_space<hbm>>
        %dma_wait3A_99 = arith.constant 0 : i32
        %dma_wait3A_100 = tpu.memref_slice %arg8[%multiple_of3A_84, %dma_wait3A_99] : memref<10240x128xf32, #tpu.memory_space<vmem_shared>> -> memref<128x128xf32, #tpu.memory_space<vmem_shared>>
        tpu.wait_dma2 semaphore(%run_scoped3A : memref<!tpu.dma_semaphore, #tpu.memory_space<semaphore_mem>>) src(%dma_wait3A_100 : memref<128x128xf32, #tpu.memory_space<vmem_shared>>) dst(%dma_wait3A_98 : memref<128x128xf32, #tpu.memory_space<hbm>>)
        tpu.yield
      }) : () -> ()
    } else {
    }
    %eq3A_90 = arith.constant 1 : i32
    %eq3A_91 = arith.cmpi eq, %arg0, %eq3A_90 : i32
    %convert_element_type3A_92 = arith.extui %eq3A_91 : i1 to i32
    %cond3A_93 = arith.constant 0 : i32
    %cond3A_94 = arith.cmpi ne, %convert_element_type3A_92, %cond3A_93 : i32
    scf.if %cond3A_94 {
      "tpu.region"() ({
        %run_scoped3A = tpu.sem_alloc : memref<!tpu.dma_semaphore, #tpu.memory_space<semaphore_mem>>
        %dma_start3A = arith.constant 0 : i32
        %dma_start3A_95 = tpu.memref_slice %arg5[%multiple_of3A_84, %dma_start3A] : memref<10240x128xf32, #tpu.memory_space<hbm>> -> memref<128x128xf32, #tpu.memory_space<hbm>>
        %dma_start3A_96 = arith.constant 0 : i32
        %dma_start3A_97 = tpu.memref_slice %arg8[%multiple_of3A_84, %dma_start3A_96] : memref<10240x128xf32, #tpu.memory_space<vmem_shared>> -> memref<128x128xf32, #tpu.memory_space<vmem_shared>>
        tpu.enqueue_dma source(%dma_start3A_97 : memref<128x128xf32, #tpu.memory_space<vmem_shared>>) target(%dma_start3A_95 : memref<128x128xf32, #tpu.memory_space<hbm>>) target_semaphore(%run_scoped3A : memref<!tpu.dma_semaphore, #tpu.memory_space<semaphore_mem>>)
        %dma_wait3A = arith.constant 0 : i32
        %dma_wait3A_98 = tpu.memref_slice %arg5[%multiple_of3A_84, %dma_wait3A] : memref<10240x128xf32, #tpu.memory_space<hbm>> -> memref<128x128xf32, #tpu.memory_space<hbm>>
        %dma_wait3A_99 = arith.constant 0 : i32
        %dma_wait3A_100 = tpu.memref_slice %arg8[%multiple_of3A_84, %dma_wait3A_99] : memref<10240x128xf32, #tpu.memory_space<vmem_shared>> -> memref<128x128xf32, #tpu.memory_space<vmem_shared>>
        tpu.wait_dma2 semaphore(%run_scoped3A : memref<!tpu.dma_semaphore, #tpu.memory_space<semaphore_mem>>) src(%dma_wait3A_100 : memref<128x128xf32, #tpu.memory_space<vmem_shared>>) dst(%dma_wait3A_98 : memref<128x128xf32, #tpu.memory_space<hbm>>)
        tpu.yield
      }) : () -> ()
    } else {
    }
    return
  }
}

module attributes {stable_mosaic.version = 14 : i64} {
  func.func @body(%arg0: i32, %arg1: memref<1024x128xf32, #tpu.memory_space<vmem>>, %arg2: memref<128x128xf32, #tpu.memory_space<vmem>>, %arg3: memref<1x128xf32, #tpu.memory_space<vmem>>, %arg4: memref<128x128xf32, #tpu.memory_space<vmem>>, %arg5: memref<1x128xf32, #tpu.memory_space<vmem>>, %arg6: memref<128x128xf32, #tpu.memory_space<vmem>>, %arg7: memref<1x128xf32, #tpu.memory_space<vmem>>, %arg8: memref<128x128xf32, #tpu.memory_space<vmem>>, %arg9: memref<128x128xf32, #tpu.memory_space<vmem>>, %arg10: memref<1x128xf32, #tpu.memory_space<vmem>>, %arg11: memref<1024x128xf32, #tpu.memory_space<vmem>>, %arg12: memref<128x128xf32, #tpu.memory_space<vmem>>, %arg13: memref<1x128xf32, #tpu.memory_space<vmem>>) attributes {dimension_semantics = [#tpu.dimension_semantics<arbitrary>], iteration_bounds = array<i64: 10>, scalar_prefetch = 0 : i64, scratch_operands = 0 : i64, tpu.core_type = #tpu.core_type<tc>, window_params = [{transform_indices = @transform_0, window_bounds = array<i64: 1024, 128>}, {pipeline_mode = #tpu.pipeline_mode<synchronous>, transform_indices = @transform_1, window_bounds = array<i64: 128, 128>}, {pipeline_mode = #tpu.pipeline_mode<synchronous>, transform_indices = @transform_2, window_bounds = array<i64: 1, 128>}, {pipeline_mode = #tpu.pipeline_mode<synchronous>, transform_indices = @transform_3, window_bounds = array<i64: 128, 128>}, {pipeline_mode = #tpu.pipeline_mode<synchronous>, transform_indices = @transform_4, window_bounds = array<i64: 1, 128>}, {pipeline_mode = #tpu.pipeline_mode<synchronous>, transform_indices = @transform_5, window_bounds = array<i64: 128, 128>}, {pipeline_mode = #tpu.pipeline_mode<synchronous>, transform_indices = @transform_6, window_bounds = array<i64: 1, 128>}, {pipeline_mode = #tpu.pipeline_mode<synchronous>, transform_indices = @transform_7, window_bounds = array<i64: 128, 128>}, {pipeline_mode = #tpu.pipeline_mode<synchronous>, transform_indices = @transform_8, window_bounds = array<i64: 128, 128>}, {pipeline_mode = #tpu.pipeline_mode<synchronous>, transform_indices = @transform_9, window_bounds = array<i64: 1, 128>}, {transform_indices = @transform_10, window_bounds = array<i64: 1024, 128>}, {pipeline_mode = #tpu.pipeline_mode<synchronous>, transform_indices = @transform_11, window_bounds = array<i64: 128, 128>}, {pipeline_mode = #tpu.pipeline_mode<synchronous>, transform_indices = @transform_12, window_bounds = array<i64: 1, 128>}]} {
    %get3A = arith.constant 0 : index
    %get3A_0 = arith.constant 0 : index
    %get3A_1 = vector.load %arg1[%get3A, %get3A_0] : memref<1024x128xf32, #tpu.memory_space<vmem>>, vector<1024x128xf32>
    %get3A_2 = arith.constant 0 : index
    %get3A_3 = arith.constant 0 : index
    %get3A_4 = vector.load %arg2[%get3A_2, %get3A_3] : memref<128x128xf32, #tpu.memory_space<vmem>>, vector<128x128xf32>
    %dot_general3A = arith.constant dense<0.000000e+00> : vector<1024x128xf32>
    %dot_general3A_5 = tpu.matmul %get3A_1, %get3A_4, %dot_general3A {dimension_numbers = #tpu.dot_dimension_numbers<[1], [0], [0], [1], [0, 0, 1, 1], [], []>, precision = #tpu.contract_precision<fp32>, transpose_lhs_hint = false} : vector<1024x128xf32>, vector<128x128xf32>, vector<1024x128xf32> -> vector<1024x128xf32>
    %get3A_6 = arith.constant 0 : index
    %get3A_7 = arith.constant 0 : index
    %get3A_8 = vector.load %arg3[%get3A_6, %get3A_7] : memref<1x128xf32, #tpu.memory_space<vmem>>, vector<1x128xf32>
    %add3A = vector.broadcast %get3A_8 : vector<1x128xf32> to vector<1024x128xf32>
    %add3A_9 = arith.addf %dot_general3A_5, %add3A : vector<1024x128xf32>
    %max3A = arith.constant 0.000000e+00 : f32
    %max3A_10 = vector.broadcast %max3A : f32 to vector<1024x128xf32>
    %max3A_11 = arith.maximumf %add3A_9, %max3A_10 : vector<1024x128xf32>
    %get3A_12 = arith.constant 0 : index
    %get3A_13 = arith.constant 0 : index
    %get3A_14 = vector.load %arg4[%get3A_12, %get3A_13] : memref<128x128xf32, #tpu.memory_space<vmem>>, vector<128x128xf32>
    %dot_general3A_15 = arith.constant dense<0.000000e+00> : vector<1024x128xf32>
    %dot_general3A_16 = tpu.matmul %max3A_11, %get3A_14, %dot_general3A_15 {dimension_numbers = #tpu.dot_dimension_numbers<[1], [0], [0], [1], [0, 0, 1, 1], [], []>, precision = #tpu.contract_precision<fp32>, transpose_lhs_hint = false} : vector<1024x128xf32>, vector<128x128xf32>, vector<1024x128xf32> -> vector<1024x128xf32>
    %get3A_17 = arith.constant 0 : index
    %get3A_18 = arith.constant 0 : index
    %get3A_19 = vector.load %arg5[%get3A_17, %get3A_18] : memref<1x128xf32, #tpu.memory_space<vmem>>, vector<1x128xf32>
    %add3A_20 = vector.broadcast %get3A_19 : vector<1x128xf32> to vector<1024x128xf32>
    %add3A_21 = arith.addf %dot_general3A_16, %add3A_20 : vector<1024x128xf32>
    %max3A_22 = arith.constant 0.000000e+00 : f32
    %max3A_23 = vector.broadcast %max3A_22 : f32 to vector<1024x128xf32>
    %max3A_24 = arith.maximumf %add3A_21, %max3A_23 : vector<1024x128xf32>
    %get3A_25 = arith.constant 0 : index
    %get3A_26 = arith.constant 0 : index
    %get3A_27 = vector.load %arg6[%get3A_25, %get3A_26] : memref<128x128xf32, #tpu.memory_space<vmem>>, vector<128x128xf32>
    %dot_general3A_28 = arith.constant dense<0.000000e+00> : vector<1024x128xf32>
    %dot_general3A_29 = tpu.matmul %max3A_24, %get3A_27, %dot_general3A_28 {dimension_numbers = #tpu.dot_dimension_numbers<[1], [0], [0], [1], [0, 0, 1, 1], [], []>, precision = #tpu.contract_precision<fp32>, transpose_lhs_hint = false} : vector<1024x128xf32>, vector<128x128xf32>, vector<1024x128xf32> -> vector<1024x128xf32>
    %get3A_30 = arith.constant 0 : index
    %get3A_31 = arith.constant 0 : index
    %get3A_32 = vector.load %arg7[%get3A_30, %get3A_31] : memref<1x128xf32, #tpu.memory_space<vmem>>, vector<1x128xf32>
    %add3A_33 = vector.broadcast %get3A_32 : vector<1x128xf32> to vector<1024x128xf32>
    %add3A_34 = arith.addf %dot_general3A_29, %add3A_33 : vector<1024x128xf32>
    %get3A_35 = arith.constant 0 : index
    %get3A_36 = arith.constant 0 : index
    %get3A_37 = vector.load %arg8[%get3A_35, %get3A_36] : memref<128x128xf32, #tpu.memory_space<vmem>>, vector<128x128xf32>
    %dot_general3A_38 = arith.constant dense<0.000000e+00> : vector<1024x128xf32>
    %dot_general3A_39 = tpu.matmul %add3A_34, %get3A_37, %dot_general3A_38 {dimension_numbers = #tpu.dot_dimension_numbers<[1], [0], [0], [1], [0, 0, 1, 1], [], []>, precision = #tpu.contract_precision<fp32>, transpose_lhs_hint = false} : vector<1024x128xf32>, vector<128x128xf32>, vector<1024x128xf32> -> vector<1024x128xf32>
    %mul3A = arith.constant 1024 : i32
    %mul3A_40 = arith.muli %arg0, %mul3A : i32
    %iota3A = tpu.iota {dimensions = array<i32: 0>} : vector<1024x1xi32>
    %add3A_41 = vector.broadcast %mul3A_40 : i32 to vector<1024x1xi32>
    %add3A_42 = arith.addi %add3A_41, %iota3A : vector<1024x1xi32>
    %lt3A = arith.constant 10000 : i32
    %lt3A_43 = vector.broadcast %lt3A : i32 to vector<1024x1xi32>
    %lt3A_44 = arith.cmpi slt, %add3A_42, %lt3A_43 : vector<1024x1xi32>
    %jit3A = arith.constant 0.000000e+00 : f32
    %broadcast_in_dim3A = vector.shape_cast %lt3A_44 : vector<1024x1xi1> to vector<1024x1xi1>
    %broadcast_in_dim3A_45 = vector.broadcast %broadcast_in_dim3A : vector<1024x1xi1> to vector<1024x128xi1>
    %broadcast_in_dim3A_46 = vector.broadcast %jit3A : f32 to vector<1024x128xf32>
    %select_n3A = arith.select %broadcast_in_dim3A_45, %dot_general3A_39, %broadcast_in_dim3A_46 : vector<1024x128xi1>, vector<1024x128xf32>
    %swap3A = arith.constant 0 : index
    %swap3A_47 = arith.constant 0 : index
    %swap3A_48 = vector.load %arg11[%swap3A, %swap3A_47] : memref<1024x128xf32, #tpu.memory_space<vmem>>, vector<1024x128xf32>
    tpu.vector_store %arg11[%swap3A, %swap3A_47], %select_n3A {strides = array<i32>} : memref<1024x128xf32, #tpu.memory_space<vmem>>, vector<1024x128xf32>,
    %eq3A = arith.constant 0 : i32
    %eq3A_49 = arith.cmpi eq, %arg0, %eq3A : i32
    %convert_element_type3A = arith.extui %eq3A_49 : i1 to i32
    %cond3A = arith.constant 0 : i32
    %cond3A_50 = arith.cmpi ne, %convert_element_type3A, %cond3A : i32
    scf.if %cond3A_50 {
      %get3A_51 = arith.constant 0 : index
      %get3A_52 = arith.constant 0 : index
      %get3A_53 = vector.load %arg9[%get3A_51, %get3A_52] : memref<128x128xf32, #tpu.memory_space<vmem>>, vector<128x128xf32>
      %get3A_54 = arith.constant 0 : index
      %get3A_55 = arith.constant 0 : index
      %get3A_56 = vector.load %arg8[%get3A_54, %get3A_55] : memref<128x128xf32, #tpu.memory_space<vmem>>, vector<128x128xf32>
      %dot_general3A_57 = arith.constant dense<0.000000e+00> : vector<128x128xf32>
      %dot_general3A_58 = tpu.matmul %get3A_53, %get3A_56, %dot_general3A_57 {dimension_numbers = #tpu.dot_dimension_numbers<[1], [0], [0], [1], [0, 0, 1, 1], [], []>, precision = #tpu.contract_precision<fp32>, transpose_lhs_hint = false} : vector<128x128xf32>, vector<128x128xf32>, vector<128x128xf32> -> vector<128x128xf32>
      %swap3A_59 = arith.constant 0 : index
      %swap3A_60 = arith.constant 0 : index
      %swap3A_61 = vector.load %arg12[%swap3A_59, %swap3A_60] : memref<128x128xf32, #tpu.memory_space<vmem>>, vector<128x128xf32>
      tpu.vector_store %arg12[%swap3A_59, %swap3A_60], %dot_general3A_58 {strides = array<i32>} : memref<128x128xf32, #tpu.memory_space<vmem>>, vector<128x128xf32>,
      %get3A_62 = arith.constant 0 : index
      %get3A_63 = arith.constant 0 : index
      %get3A_64 = vector.load %arg10[%get3A_62, %get3A_63] : memref<1x128xf32, #tpu.memory_space<vmem>>, vector<1x128xf32>
      %get3A_65 = arith.constant 0 : index
      %get3A_66 = arith.constant 0 : index
      %get3A_67 = vector.load %arg8[%get3A_65, %get3A_66] : memref<128x128xf32, #tpu.memory_space<vmem>>, vector<128x128xf32>
      %dot_general3A_68 = arith.constant dense<0.000000e+00> : vector<1x128xf32>
      %dot_general3A_69 = tpu.matmul %get3A_64, %get3A_67, %dot_general3A_68 {dimension_numbers = #tpu.dot_dimension_numbers<[1], [0], [0], [1], [0, 0, 1, 1], [], []>, precision = #tpu.contract_precision<fp32>, transpose_lhs_hint = false} : vector<1x128xf32>, vector<128x128xf32>, vector<1x128xf32> -> vector<1x128xf32>
      %swap3A_70 = arith.constant 0 : index
      %swap3A_71 = arith.constant 0 : index
      %swap3A_72 = vector.load %arg13[%swap3A_70, %swap3A_71] : memref<1x128xf32, #tpu.memory_space<vmem>>, vector<1x128xf32>
      tpu.vector_store %arg13[%swap3A_70, %swap3A_71], %dot_general3A_69 {strides = array<i32>} : memref<1x128xf32, #tpu.memory_space<vmem>>, vector<1x128xf32>,
    } else {
    }
    return
  }
  func.func @transform_0(%arg0: i32) -> (i32, i32) {
    %c0_i32 = arith.constant 0 : i32
    %c0_i32_0 = arith.constant 0 : i32
    return %arg0, %c0_i32 : i32, i32
  }
  func.func @transform_1(%arg0: i32) -> (i32, i32) {
    %c0_i32 = arith.constant 0 : i32
    %c0_i32_0 = arith.constant 0 : i32
    %c0_i32_1 = arith.constant 0 : i32
    return %c0_i32, %c0_i32_0 : i32, i32
  }
  func.func @transform_2(%arg0: i32) -> (i32, i32) {
    %c0_i32 = arith.constant 0 : i32
    %c0_i32_0 = arith.constant 0 : i32
    %c0_i32_1 = arith.constant 0 : i32
    return %c0_i32, %c0_i32_0 : i32, i32
  }
  func.func @transform_3(%arg0: i32) -> (i32, i32) {
    %c0_i32 = arith.constant 0 : i32
    %c0_i32_0 = arith.constant 0 : i32
    %c0_i32_1 = arith.constant 0 : i32
    return %c0_i32, %c0_i32_0 : i32, i32
  }
  func.func @transform_4(%arg0: i32) -> (i32, i32) {
    %c0_i32 = arith.constant 0 : i32
    %c0_i32_0 = arith.constant 0 : i32
    %c0_i32_1 = arith.constant 0 : i32
    return %c0_i32, %c0_i32_0 : i32, i32
  }
  func.func @transform_5(%arg0: i32) -> (i32, i32) {
    %c0_i32 = arith.constant 0 : i32
    %c0_i32_0 = arith.constant 0 : i32
    %c0_i32_1 = arith.constant 0 : i32
    return %c0_i32, %c0_i32_0 : i32, i32
  }
  func.func @transform_6(%arg0: i32) -> (i32, i32) {
    %c0_i32 = arith.constant 0 : i32
    %c0_i32_0 = arith.constant 0 : i32
    %c0_i32_1 = arith.constant 0 : i32
    return %c0_i32, %c0_i32_0 : i32, i32
  }
  func.func @transform_7(%arg0: i32) -> (i32, i32) {
    %c0_i32 = arith.constant 0 : i32
    %c0_i32_0 = arith.constant 0 : i32
    %c0_i32_1 = arith.constant 0 : i32
    return %c0_i32, %c0_i32_0 : i32, i32
  }
  func.func @transform_8(%arg0: i32) -> (i32, i32) {
    %c0_i32 = arith.constant 0 : i32
    %c0_i32_0 = arith.constant 0 : i32
    %c0_i32_1 = arith.constant 0 : i32
    return %c0_i32, %c0_i32_0 : i32, i32
  }
  func.func @transform_9(%arg0: i32) -> (i32, i32) {
    %c0_i32 = arith.constant 0 : i32
    %c0_i32_0 = arith.constant 0 : i32
    %c0_i32_1 = arith.constant 0 : i32
    return %c0_i32, %c0_i32_0 : i32, i32
  }
  func.func @transform_10(%arg0: i32) -> (i32, i32) {
    %c0_i32 = arith.constant 0 : i32
    %c0_i32_0 = arith.constant 0 : i32
    return %arg0, %c0_i32 : i32, i32
  }
  func.func @transform_11(%arg0: i32) -> (i32, i32) {
    %c0_i32 = arith.constant 0 : i32
    %c0_i32_0 = arith.constant 0 : i32
    %c0_i32_1 = arith.constant 0 : i32
    return %c0_i32, %c0_i32_0 : i32, i32
  }
  func.func @transform_12(%arg0: i32) -> (i32, i32) {
    %c0_i32 = arith.constant 0 : i32
    %c0_i32_0 = arith.constant 0 : i32
    %c0_i32_1 = arith.constant 0 : i32
    return %c0_i32, %c0_i32_0 : i32, i32
  }
}

module attributes {stable_mosaic.version = 14 : i64} {
  func.func @body(%arg0: i32, %arg1: memref<2048x16xf32, #tpu.memory_space<vmem>>, %arg2: memref<16x128xf32, #tpu.memory_space<vmem>>, %arg3: memref<1x128xf32, #tpu.memory_space<vmem>>, %arg4: memref<128x128xf32, #tpu.memory_space<vmem>>, %arg5: memref<1x128xf32, #tpu.memory_space<vmem>>, %arg6: memref<2048x128xf32, #tpu.memory_space<vmem>>) attributes {dimension_semantics = [#tpu.dimension_semantics<arbitrary>], iteration_bounds = array<i64: 160>, scalar_prefetch = 0 : i64, scratch_operands = 0 : i64, tpu.core_type = #tpu.core_type<tc>, window_params = [{transform_indices = @transform_0, window_bounds = array<i64: 2048, 16>}, {pipeline_mode = #tpu.pipeline_mode<synchronous>, transform_indices = @transform_1, window_bounds = array<i64: 16, 128>}, {pipeline_mode = #tpu.pipeline_mode<synchronous>, transform_indices = @transform_2, window_bounds = array<i64: 1, 128>}, {pipeline_mode = #tpu.pipeline_mode<synchronous>, transform_indices = @transform_3, window_bounds = array<i64: 128, 128>}, {pipeline_mode = #tpu.pipeline_mode<synchronous>, transform_indices = @transform_4, window_bounds = array<i64: 1, 128>}, {transform_indices = @transform_5, window_bounds = array<i64: 2048, 128>}]} {
    %get3A = arith.constant 0 : index
    %get3A_0 = arith.constant 0 : index
    %get3A_1 = vector.load %arg1[%get3A, %get3A_0] : memref<2048x16xf32, #tpu.memory_space<vmem>>, vector<2048x16xf32>
    %get3A_2 = arith.constant 0 : index
    %get3A_3 = arith.constant 0 : index
    %get3A_4 = vector.load %arg2[%get3A_2, %get3A_3] : memref<16x128xf32, #tpu.memory_space<vmem>>, vector<16x128xf32>
    %dot_general3A = arith.constant dense<0.000000e+00> : vector<2048x128xf32>
    %dot_general3A_5 = tpu.matmul %get3A_1, %get3A_4, %dot_general3A {dimension_numbers = #tpu.dot_dimension_numbers<[1], [0], [0], [1], [0, 0, 1, 1], [], []>, precision = #tpu.contract_precision<fp32>, transpose_lhs_hint = false} : vector<2048x16xf32>, vector<16x128xf32>, vector<2048x128xf32> -> vector<2048x128xf32>
    %get3A_6 = arith.constant 0 : index
    %get3A_7 = arith.constant 0 : index
    %get3A_8 = vector.load %arg3[%get3A_6, %get3A_7] : memref<1x128xf32, #tpu.memory_space<vmem>>, vector<1x128xf32>
    %add3A = vector.broadcast %get3A_8 : vector<1x128xf32> to vector<2048x128xf32>
    %add3A_9 = arith.addf %dot_general3A_5, %add3A : vector<2048x128xf32>
    %max3A = arith.constant 0.000000e+00 : f32
    %max3A_10 = vector.broadcast %max3A : f32 to vector<2048x128xf32>
    %max3A_11 = arith.maximumf %add3A_9, %max3A_10 : vector<2048x128xf32>
    %get3A_12 = arith.constant 0 : index
    %get3A_13 = arith.constant 0 : index
    %get3A_14 = vector.load %arg4[%get3A_12, %get3A_13] : memref<128x128xf32, #tpu.memory_space<vmem>>, vector<128x128xf32>
    %dot_general3A_15 = arith.constant dense<0.000000e+00> : vector<2048x128xf32>
    %dot_general3A_16 = tpu.matmul %max3A_11, %get3A_14, %dot_general3A_15 {dimension_numbers = #tpu.dot_dimension_numbers<[1], [0], [0], [1], [0, 0, 1, 1], [], []>, precision = #tpu.contract_precision<fp32>, transpose_lhs_hint = false} : vector<2048x128xf32>, vector<128x128xf32>, vector<2048x128xf32> -> vector<2048x128xf32>
    %get3A_17 = arith.constant 0 : index
    %get3A_18 = arith.constant 0 : index
    %get3A_19 = vector.load %arg5[%get3A_17, %get3A_18] : memref<1x128xf32, #tpu.memory_space<vmem>>, vector<1x128xf32>
    %add3A_20 = vector.broadcast %get3A_19 : vector<1x128xf32> to vector<2048x128xf32>
    %add3A_21 = arith.addf %dot_general3A_16, %add3A_20 : vector<2048x128xf32>
    %max3A_22 = arith.constant 0.000000e+00 : f32
    %max3A_23 = vector.broadcast %max3A_22 : f32 to vector<2048x128xf32>
    %max3A_24 = arith.maximumf %add3A_21, %max3A_23 : vector<2048x128xf32>
    %swap3A = arith.constant 0 : index
    %swap3A_25 = arith.constant 0 : index
    %swap3A_26 = vector.load %arg6[%swap3A, %swap3A_25] : memref<2048x128xf32, #tpu.memory_space<vmem>>, vector<2048x128xf32>
    tpu.vector_store %arg6[%swap3A, %swap3A_25], %max3A_24 {strides = array<i32>} : memref<2048x128xf32, #tpu.memory_space<vmem>>, vector<2048x128xf32>,
    return
  }
  func.func @transform_0(%arg0: i32) -> (i32, i32) {
    %c0_i32 = arith.constant 0 : i32
    %c0_i32_0 = arith.constant 0 : i32
    return %arg0, %c0_i32 : i32, i32
  }
  func.func @transform_1(%arg0: i32) -> (i32, i32) {
    %c0_i32 = arith.constant 0 : i32
    %c0_i32_0 = arith.constant 0 : i32
    %c0_i32_1 = arith.constant 0 : i32
    return %c0_i32, %c0_i32_0 : i32, i32
  }
  func.func @transform_2(%arg0: i32) -> (i32, i32) {
    %c0_i32 = arith.constant 0 : i32
    %c0_i32_0 = arith.constant 0 : i32
    %c0_i32_1 = arith.constant 0 : i32
    return %c0_i32, %c0_i32_0 : i32, i32
  }
  func.func @transform_3(%arg0: i32) -> (i32, i32) {
    %c0_i32 = arith.constant 0 : i32
    %c0_i32_0 = arith.constant 0 : i32
    %c0_i32_1 = arith.constant 0 : i32
    return %c0_i32, %c0_i32_0 : i32, i32
  }
  func.func @transform_4(%arg0: i32) -> (i32, i32) {
    %c0_i32 = arith.constant 0 : i32
    %c0_i32_0 = arith.constant 0 : i32
    %c0_i32_1 = arith.constant 0 : i32
    return %c0_i32, %c0_i32_0 : i32, i32
  }
  func.func @transform_5(%arg0: i32) -> (i32, i32) {
    %c0_i32 = arith.constant 0 : i32
    %c0_i32_0 = arith.constant 0 : i32
    return %arg0, %c0_i32 : i32, i32
  }
}

module attributes {stable_mosaic.version = 14 : i64} {
  func.func @body(%arg0: i32, %arg1: memref<1024x128xf32, #tpu.memory_space<vmem>>, %arg2: memref<1024x128xf32, #tpu.memory_space<vmem>>, %arg3: memref<1024x128xf32, #tpu.memory_space<vmem>>, %arg4: memref<1024x128xf32, #tpu.memory_space<vmem>>, %arg5: memref<1024x1xf32, #tpu.memory_space<vmem>>, %arg6: memref<1024x1xf32, #tpu.memory_space<vmem>>, %arg7: memref<128x128xf32, #tpu.memory_space<vmem>>, %arg8: memref<1x128xf32, #tpu.memory_space<vmem>>, %arg9: memref<1x128xf32, #tpu.memory_space<vmem>>, %arg10: memref<128x1xf32, #tpu.memory_space<vmem>>, %arg11: memref<1024x1xf32, #tpu.memory_space<vmem>>, %arg12: memref<1024x1xf32, #tpu.memory_space<vmem>>) attributes {dimension_semantics = [#tpu.dimension_semantics<arbitrary>], iteration_bounds = array<i64: 10>, scalar_prefetch = 0 : i64, scratch_operands = 0 : i64, tpu.core_type = #tpu.core_type<tc>, window_params = [{transform_indices = @transform_0, window_bounds = array<i64: 1024, 128>}, {transform_indices = @transform_1, window_bounds = array<i64: 1024, 128>}, {transform_indices = @transform_2, window_bounds = array<i64: 1024, 128>}, {transform_indices = @transform_3, window_bounds = array<i64: 1024, 128>}, {transform_indices = @transform_4, window_bounds = array<i64: 1024, 1>}, {transform_indices = @transform_5, window_bounds = array<i64: 1024, 1>}, {pipeline_mode = #tpu.pipeline_mode<synchronous>, transform_indices = @transform_6, window_bounds = array<i64: 128, 128>}, {pipeline_mode = #tpu.pipeline_mode<synchronous>, transform_indices = @transform_7, window_bounds = array<i64: 1, 128>}, {pipeline_mode = #tpu.pipeline_mode<synchronous>, transform_indices = @transform_8, window_bounds = array<i64: 1, 128>}, {pipeline_mode = #tpu.pipeline_mode<synchronous>, transform_indices = @transform_9, window_bounds = array<i64: 128, 1>}, {transform_indices = @transform_10, window_bounds = array<i64: 1024, 1>}, {transform_indices = @transform_11, window_bounds = array<i64: 1024, 1>}]} {
    %get3A = arith.constant 0 : index
    %get3A_0 = arith.constant 0 : index
    %get3A_1 = vector.load %arg5[%get3A, %get3A_0] : memref<1024x1xf32, #tpu.memory_space<vmem>>, vector<1024x1xf32>
    %get3A_2 = arith.constant 0 : index
    %get3A_3 = arith.constant 0 : index
    %get3A_4 = vector.load %arg6[%get3A_2, %get3A_3] : memref<1024x1xf32, #tpu.memory_space<vmem>>, vector<1024x1xf32>
    %add3A = arith.addf %get3A_1, %get3A_4 : vector<1024x1xf32>
    %max3A = arith.constant 1.000000e+00 : f32
    %max3A_5 = vector.broadcast %max3A : f32 to vector<1024x1xf32>
    %max3A_6 = arith.maximumf %add3A, %max3A_5 : vector<1024x1xf32>
    %get3A_7 = arith.constant 0 : index
    %get3A_8 = arith.constant 0 : index
    %get3A_9 = vector.load %arg3[%get3A_7, %get3A_8] : memref<1024x128xf32, #tpu.memory_space<vmem>>, vector<1024x128xf32>
    %get3A_10 = arith.constant 0 : index
    %get3A_11 = arith.constant 0 : index
    %get3A_12 = vector.load %arg4[%get3A_10, %get3A_11] : memref<1024x128xf32, #tpu.memory_space<vmem>>, vector<1024x128xf32>
    %add3A_13 = arith.addf %get3A_9, %get3A_12 : vector<1024x128xf32>
    %get3A_14 = arith.constant 0 : index
    %get3A_15 = arith.constant 0 : index
    %get3A_16 = vector.load %arg7[%get3A_14, %get3A_15] : memref<128x128xf32, #tpu.memory_space<vmem>>, vector<128x128xf32>
    %dot_general3A = arith.constant dense<0.000000e+00> : vector<1024x128xf32>
    %dot_general3A_17 = tpu.matmul %add3A_13, %get3A_16, %dot_general3A {dimension_numbers = #tpu.dot_dimension_numbers<[1], [0], [0], [1], [0, 0, 1, 1], [], []>, precision = #tpu.contract_precision<fp32>, transpose_lhs_hint = false} : vector<1024x128xf32>, vector<128x128xf32>, vector<1024x128xf32> -> vector<1024x128xf32>
    %get3A_18 = arith.constant 0 : index
    %get3A_19 = arith.constant 0 : index
    %get3A_20 = vector.load %arg1[%get3A_18, %get3A_19] : memref<1024x128xf32, #tpu.memory_space<vmem>>, vector<1024x128xf32>
    %get3A_21 = arith.constant 0 : index
    %get3A_22 = arith.constant 0 : index
    %get3A_23 = vector.load %arg2[%get3A_21, %get3A_22] : memref<1024x128xf32, #tpu.memory_space<vmem>>, vector<1024x128xf32>
    %add3A_24 = arith.addf %get3A_20, %get3A_23 : vector<1024x128xf32>
    %add3A_25 = arith.addf %add3A_24, %dot_general3A_17 : vector<1024x128xf32>
    %get3A_26 = arith.constant 0 : index
    %get3A_27 = arith.constant 0 : index
    %get3A_28 = vector.load %arg8[%get3A_26, %get3A_27] : memref<1x128xf32, #tpu.memory_space<vmem>>, vector<1x128xf32>
    %mul3A = vector.broadcast %add3A : vector<1024x1xf32> to vector<1024x128xf32>
    %mul3A_29 = vector.broadcast %get3A_28 : vector<1x128xf32> to vector<1024x128xf32>
    %mul3A_30 = arith.mulf %mul3A, %mul3A_29 : vector<1024x128xf32>
    %add3A_31 = arith.addf %add3A_25, %mul3A_30 : vector<1024x128xf32>
    %div3A = vector.broadcast %max3A_6 : vector<1024x1xf32> to vector<1024x128xf32>
    %div3A_32 = arith.divf %add3A_31, %div3A : vector<1024x128xf32>
    %get3A_33 = arith.constant 0 : index
    %get3A_34 = arith.constant 0 : index
    %get3A_35 = vector.load %arg9[%get3A_33, %get3A_34] : memref<1x128xf32, #tpu.memory_space<vmem>>, vector<1x128xf32>
    %add3A_36 = vector.broadcast %get3A_35 : vector<1x128xf32> to vector<1024x128xf32>
    %add3A_37 = arith.addf %div3A_32, %add3A_36 : vector<1024x128xf32>
    %max3A_38 = arith.constant 0.000000e+00 : f32
    %max3A_39 = vector.broadcast %max3A_38 : f32 to vector<1024x128xf32>
    %max3A_40 = arith.maximumf %add3A_37, %max3A_39 : vector<1024x128xf32>
    %get3A_41 = arith.constant 0 : index
    %get3A_42 = arith.constant 0 : index
    %get3A_43 = vector.load %arg10[%get3A_41, %get3A_42] : memref<128x1xf32, #tpu.memory_space<vmem>>, vector<128x1xf32>
    %dot_general3A_44 = arith.constant dense<0.000000e+00> : vector<1024x1xf32>
    %dot_general3A_45 = tpu.matmul %max3A_40, %get3A_43, %dot_general3A_44 {dimension_numbers = #tpu.dot_dimension_numbers<[1], [0], [0], [1], [0, 0, 1, 1], [], []>, precision = #tpu.contract_precision<fp32>, transpose_lhs_hint = false} : vector<1024x128xf32>, vector<128x1xf32>, vector<1024x1xf32> -> vector<1024x1xf32>
    %swap3A = arith.constant 0 : index
    %swap3A_46 = arith.constant 0 : index
    %swap3A_47 = vector.load %arg11[%swap3A, %swap3A_46] : memref<1024x1xf32, #tpu.memory_space<vmem>>, vector<1024x1xf32>
    tpu.vector_store %arg11[%swap3A, %swap3A_46], %dot_general3A_45 {strides = array<i32>} : memref<1024x1xf32, #tpu.memory_space<vmem>>, vector<1024x1xf32>,
    %swap3A_48 = arith.constant 0 : index
    %swap3A_49 = arith.constant 0 : index
    %swap3A_50 = vector.load %arg12[%swap3A_48, %swap3A_49] : memref<1024x1xf32, #tpu.memory_space<vmem>>, vector<1024x1xf32>
    tpu.vector_store %arg12[%swap3A_48, %swap3A_49], %max3A_6 {strides = array<i32>} : memref<1024x1xf32, #tpu.memory_space<vmem>>, vector<1024x1xf32>,
    return
  }
  func.func @transform_0(%arg0: i32) -> (i32, i32) {
    %c0_i32 = arith.constant 0 : i32
    %c0_i32_0 = arith.constant 0 : i32
    return %arg0, %c0_i32 : i32, i32
  }
  func.func @transform_1(%arg0: i32) -> (i32, i32) {
    %c0_i32 = arith.constant 0 : i32
    %c0_i32_0 = arith.constant 0 : i32
    return %arg0, %c0_i32 : i32, i32
  }
  func.func @transform_2(%arg0: i32) -> (i32, i32) {
    %c0_i32 = arith.constant 0 : i32
    %c0_i32_0 = arith.constant 0 : i32
    return %arg0, %c0_i32 : i32, i32
  }
  func.func @transform_3(%arg0: i32) -> (i32, i32) {
    %c0_i32 = arith.constant 0 : i32
    %c0_i32_0 = arith.constant 0 : i32
    return %arg0, %c0_i32 : i32, i32
  }
  func.func @transform_4(%arg0: i32) -> (i32, i32) {
    %c0_i32 = arith.constant 0 : i32
    %c0_i32_0 = arith.constant 0 : i32
    return %arg0, %c0_i32 : i32, i32
  }
  func.func @transform_5(%arg0: i32) -> (i32, i32) {
    %c0_i32 = arith.constant 0 : i32
    %c0_i32_0 = arith.constant 0 : i32
    return %arg0, %c0_i32 : i32, i32
  }
  func.func @transform_6(%arg0: i32) -> (i32, i32) {
    %c0_i32 = arith.constant 0 : i32
    %c0_i32_0 = arith.constant 0 : i32
    %c0_i32_1 = arith.constant 0 : i32
    return %c0_i32, %c0_i32_0 : i32, i32
  }
  func.func @transform_7(%arg0: i32) -> (i32, i32) {
    %c0_i32 = arith.constant 0 : i32
    %c0_i32_0 = arith.constant 0 : i32
    %c0_i32_1 = arith.constant 0 : i32
    return %c0_i32, %c0_i32_0 : i32, i32
  }
  func.func @transform_8(%arg0: i32) -> (i32, i32) {
    %c0_i32 = arith.constant 0 : i32
    %c0_i32_0 = arith.constant 0 : i32
    %c0_i32_1 = arith.constant 0 : i32
    return %c0_i32, %c0_i32_0 : i32, i32
  }
  func.func @transform_9(%arg0: i32) -> (i32, i32) {
    %c0_i32 = arith.constant 0 : i32
    %c0_i32_0 = arith.constant 0 : i32
    %c0_i32_1 = arith.constant 0 : i32
    return %c0_i32, %c0_i32_0 : i32, i32
  }
  func.func @transform_10(%arg0: i32) -> (i32, i32) {
    %c0_i32 = arith.constant 0 : i32
    %c0_i32_0 = arith.constant 0 : i32
    return %arg0, %c0_i32 : i32, i32
  }
  func.func @transform_11(%arg0: i32) -> (i32, i32) {
    %c0_i32 = arith.constant 0 : i32
    %c0_i32_0 = arith.constant 0 : i32
    return %arg0, %c0_i32 : i32, i32
  }
}

module attributes {stable_mosaic.version = 14 : i64} {
  func.func @body(%arg0: i32, %arg1: memref<1024x1xf32, #tpu.memory_space<vmem>>, %arg2: memref<1024x1xf32, #tpu.memory_space<vmem>>, %arg3: memref<1024x1xf32, #tpu.memory_space<vmem>>, %arg4: memref<1x1xf32, #tpu.memory_space<vmem>>, %arg5: memref<1024x1xf32, #tpu.memory_space<vmem>>) attributes {dimension_semantics = [#tpu.dimension_semantics<arbitrary>], iteration_bounds = array<i64: 10>, scalar_prefetch = 0 : i64, scratch_operands = 0 : i64, tpu.core_type = #tpu.core_type<tc>, window_params = [{transform_indices = @transform_0, window_bounds = array<i64: 1024, 1>}, {transform_indices = @transform_1, window_bounds = array<i64: 1024, 1>}, {transform_indices = @transform_2, window_bounds = array<i64: 1024, 1>}, {pipeline_mode = #tpu.pipeline_mode<synchronous>, transform_indices = @transform_3, window_bounds = array<i64: 1, 1>}, {transform_indices = @transform_4, window_bounds = array<i64: 1024, 1>}]} {
    %get3A = arith.constant 0 : index
    %get3A_0 = arith.constant 0 : index
    %get3A_1 = vector.load %arg1[%get3A, %get3A_0] : memref<1024x1xf32, #tpu.memory_space<vmem>>, vector<1024x1xf32>
    %get3A_2 = arith.constant 0 : index
    %get3A_3 = arith.constant 0 : index
    %get3A_4 = vector.load %arg2[%get3A_2, %get3A_3] : memref<1024x1xf32, #tpu.memory_space<vmem>>, vector<1024x1xf32>
    %add3A = arith.addf %get3A_1, %get3A_4 : vector<1024x1xf32>
    %get3A_5 = arith.constant 0 : index
    %get3A_6 = arith.constant 0 : index
    %get3A_7 = vector.load %arg3[%get3A_5, %get3A_6] : memref<1024x1xf32, #tpu.memory_space<vmem>>, vector<1024x1xf32>
    %div3A = arith.divf %add3A, %get3A_7 : vector<1024x1xf32>
    %get3A_8 = arith.constant 0 : index
    %get3A_9 = arith.constant 0 : index
    %get3A_10 = vector.load %arg4[%get3A_8, %get3A_9] : memref<1x1xf32, #tpu.memory_space<vmem>>, vector<1x1xf32>
    %add3A_11 = vector.broadcast %get3A_10 : vector<1x1xf32> to vector<1024x1xf32>
    %add3A_12 = arith.addf %div3A, %add3A_11 : vector<1024x1xf32>
    %swap3A = arith.constant 0 : index
    %swap3A_13 = arith.constant 0 : index
    %swap3A_14 = vector.load %arg5[%swap3A, %swap3A_13] : memref<1024x1xf32, #tpu.memory_space<vmem>>, vector<1024x1xf32>
    tpu.vector_store %arg5[%swap3A, %swap3A_13], %add3A_12 {strides = array<i32>} : memref<1024x1xf32, #tpu.memory_space<vmem>>, vector<1024x1xf32>,
    return
  }
  func.func @transform_0(%arg0: i32) -> (i32, i32) {
    %c0_i32 = arith.constant 0 : i32
    %c0_i32_0 = arith.constant 0 : i32
    return %arg0, %c0_i32 : i32, i32
  }
  func.func @transform_1(%arg0: i32) -> (i32, i32) {
    %c0_i32 = arith.constant 0 : i32
    %c0_i32_0 = arith.constant 0 : i32
    return %arg0, %c0_i32 : i32, i32
  }
  func.func @transform_2(%arg0: i32) -> (i32, i32) {
    %c0_i32 = arith.constant 0 : i32
    %c0_i32_0 = arith.constant 0 : i32
    return %arg0, %c0_i32 : i32, i32
  }
  func.func @transform_3(%arg0: i32) -> (i32, i32) {
    %c0_i32 = arith.constant 0 : i32
    %c0_i32_0 = arith.constant 0 : i32
    %c0_i32_1 = arith.constant 0 : i32
    return %c0_i32, %c0_i32_0 : i32, i32
  }
  func.func @transform_4(%arg0: i32) -> (i32, i32) {
    %c0_i32 = arith.constant 0 : i32
    %c0_i32_0 = arith.constant 0 : i32
    return %arg0, %c0_i32 : i32, i32
  }
}

</mosaic_0001>

<sc_bundles>
// kernel: kernel.12.cloned.1.call-start
scs
__scs_entry_jumppad:
0x0: {  	(pc) =	sbr.rel $0x88, $3  }
0x1: {  	(tag) =	ssettag $0x0;
	lr =	simm.s32 $0x1  }
0x2: {  	[smem:$0x3F8E] =	sst lr;
	_ =	strace $0xD0000000  }
0x3: {  	_ = 	snop  }
0x4: {  	_ = 	snop  }
0x5: {  	_ = 	snop  }
0x6: {  	_ = 	snop  }
0x7: {  	_ = 	snop  }
__scs_overlays_trampoline_lowered:
0x8: {  	[smem:$0x3F9D] =	sst s0  }
0x9: {  	[smem:$0x3F9E] =	sst s1  }
0xa: {  	[smem:$0x3F9F] =	sst s2  }
0xb: {  	[smem:$0x3FA0] =	sst s3  }
0xc: {  	[smem:$0x3FA1] =	sst s4  }
0xd: {  	[smem:$0x3FA2] =	sst s5  }
0xe: {  	[smem:$0x3FA3] =	sst s6  }
0xf: {  	[smem:$0x3FA4] =	sst s7  }
0x10: {  	[smem:$0x3FA5] =	sst s8  }
0x11: {  	[smem:$0x3FA6] =	sst s9;
	s0 =	simm.s32 @!p0 $0x0  }
0x12: {  	s1 =	sld [smem:$0x3F8C];
	s0 =	simm.s32 @p0 $0x1  }
0x13: {  	[smem:$0x3FA7] =	sst s0;
	s0 =	simm.s32 @!p1 $0x0  }
0x14: {  	s2 =	sld [smem:$0x3F8B];
	s0 =	simm.s32 @p1 $0x1  }
0x15: {  	[smem:$0x3FA8] =	sst s0;
	s0 =	simm.s32 @!p2 $0x0  }
0x16: {  	s3 =	sld [smem:$0x3FDB];
	s0 =	simm.s32 @p2 $0x1  }
0x17: {  	s4 =	simm.s32 $0x1BF5;
	[smem:$0x3FAA] =	sst s0  }
0x18: {  	s0 =	sld [smem:$0x3F8D];
	_ =	swait.ge [sflag:s4], $0x0  }
0x19: {  	s7 =	sld [smem:$0x3F8E]  }
0x1a: {  	s8 =	sadd.s32 $0xFFFFE003, lr  }
0x1b: {  	s9 =	sadd.s32 $0xFFFFFEF7, lr;
	s5 =	simm.s32 $0xFFFFFFFF;
	p2 =	slt.u32 s8, $0xFFFFF086  }
0x1c: {  	p1 =	slt.u32 s9, $0xF7A;
	s5 =	simm.s32 @!p2 $0x0  }
0x1d: {  	s5 =	simm.s32 @p1 $0x1;
	p0 =	seq.s32 s7, s2  }
0x1e: {  	s7 =	smul.u32 @!p0 $0xF7A, s2;
	p2 =	seq.s32 @!p0 s5, $0x0  }
0x1f: {  	s9 =	smul.u32 $0xF7A, s1;
	s8 =	simm.s32 @!p0 $0x1BF5;
	p2 =	por !p2, p0  }
0x20: {  	[sflag:s8] =	ssyncset.s32 @!p0 $0xFFFFF086;
	s6 =	sadd.s32 @!p0 s3, s7;
	s7 =	simm.s32 @!p0 $0x108  }
0x21: {  	s3 =	sadd.s32 s3, s9;
	s6 =	sadd.s32 @!p0 $0x88, s6;
	s7 =	simm.s32 @p2 $0x1082  }
0x22: {  	[simem:s7], [sflag:s8] =	dma.local @!p0 [hbm:s6], $0xF7A  }
0x23: {  	s9 =	sor.u32 $0xD0000000, s2;
	s6 =	simm.s32 $0x108;
	_ =	swait.ge @!p0 [sflag:s8], $0x0  }
0x24: {  	s3 =	sadd.s32 $0x88, s3;
	s6 =	simm.s32 @!p1 $0x1082;
	[sflag:s4] =	ssyncset.s32 $0xFFFFF086  }
0x25: {  	[simem:s6], [sflag:s4] =	dma.local [hbm:s3], $0xF7A  }
0x26: {  	[smem:$0x3F8E] =	sst s1;
	(tag) =	ssettag s2;
	_ =	strace s9  }
0x27: {  	s1 =	sld [smem:$0x3F9E]  }
0x28: {  	s2 =	sld [smem:$0x3F9F]  }
0x29: {  	s4 =	sld [smem:$0x3FA1]  }
0x2a: {  	p0 =	seq.s32 s5, $0x0;
	s5 =	sld [smem:$0x3FA2]  }
0x2b: {  	s6 =	sld [smem:$0x3FA3]  }
0x2c: {  	s7 =	sld [smem:$0x3FA4]  }
0x2d: {  	s3 =	simm.s32 $0x108;
	s8 =	sld [smem:$0x3FA5]  }
0x2e: {  	s3 =	simm.s32 @!p0 $0x1082;
	s9 =	sld [smem:$0x3FA6]  }
0x2f: {  	lr =	sadd.s32 s0, s3;
	s0 =	sld [smem:$0x3F9D]  }
0x30: {  	s3 =	sld [smem:$0x3FA0]  }
0x31: {  	[smem:$0x3FA9] =	sst s10  }
0x32: {  	s10 =	sld [smem:$0x3FA7];
	_ =	sdelay $0x3  }
0x33: {  	p0 =	seq.s32 s10, $0x1;
	s10 =	sld [smem:$0x3FA9];
	_ =	sdelay $0x3  }
0x34: {  	[smem:$0x3FA9] =	sst s10  }
0x35: {  	s10 =	sld [smem:$0x3FA8];
	_ =	sdelay $0x3  }
0x36: {  	p1 =	seq.s32 s10, $0x1;
	s10 =	sld [smem:$0x3FA9];
	_ =	sdelay $0x3  }
0x37: {  	[smem:$0x3FA9] =	sst s10  }
0x38: {  	s10 =	sld [smem:$0x3FAA]  }
0x39: {  	_ = 	snop;
	(pc) =	sbr.ind lr, $3  }
0x3a: {  	_ = 	snop  }
0x3b: {  	_ = 	snop  }
0x3c: {  	p2 =	seq.s32 s10, $0x1;
	s10 =	sld [smem:$0x3FA9]  }
0x3d: {  	_ =	shalt  }
0x3e: {  	_ =	shalt  }
0x3f: {  	_ =	shalt  }
0x40: {  	_ =	shalt  }
0x41: {  	_ =	shalt  }
0x42: {  	_ =	shalt  }
0x43: {  	_ =	shalt  }
0x44: {  	_ =	shalt  }
0x45: {  	_ =	shalt  }
0x46: {  	_ =	shalt  }
0x47: {  	_ =	shalt  }
0x48: {  	_ =	shalt  }
0x49: {  	_ =	shalt  }
0x4a: {  	_ =	shalt  }
0x4b: {  	_ =	shalt  }
0x4c: {  	_ =	shalt  }
0x4d: {  	_ =	shalt  }
0x4e: {  	_ =	shalt  }
0x4f: {  	_ =	shalt  }
0x50: {  	_ =	shalt  }
0x51: {  	_ =	shalt  }
0x52: {  	_ =	shalt  }
0x53: {  	_ =	shalt  }
0x54: {  	_ =	shalt  }
0x55: {  	_ =	shalt  }
0x56: {  	_ =	shalt  }
0x57: {  	_ =	shalt  }
0x58: {  	_ =	shalt  }
0x59: {  	_ =	shalt  }
0x5a: {  	_ =	shalt  }
0x5b: {  	_ =	shalt  }
0x5c: {  	_ =	shalt  }
0x5d: {  	_ =	shalt  }
0x5e: {  	_ =	shalt  }
0x5f: {  	_ =	shalt  }
0x60: {  	_ =	shalt  }
0x61: {  	_ =	shalt  }
0x62: {  	_ =	shalt  }
0x63: {  	_ =	shalt  }
0x64: {  	_ =	shalt  }
0x65: {  	_ =	shalt  }
0x66: {  	_ =	shalt  }
0x67: {  	_ =	shalt  }
0x68: {  	_ =	shalt  }
0x69: {  	_ =	shalt  }
0x6a: {  	_ =	shalt  }
0x6b: {  	_ =	shalt  }
0x6c: {  	_ =	shalt  }
0x6d: {  	_ =	shalt  }
0x6e: {  	_ =	shalt  }
0x6f: {  	_ =	shalt  }
0x70: {  	_ =	shalt  }
0x71: {  	_ =	shalt  }
0x72: {  	_ =	shalt  }
0x73: {  	_ =	shalt  }
0x74: {  	_ =	shalt  }
0x75: {  	_ =	shalt  }
0x76: {  	_ =	shalt  }
0x77: {  	_ =	shalt  }
0x78: {  	_ =	shalt  }
0x79: {  	_ =	shalt  }
0x7a: {  	_ =	shalt  }
0x7b: {  	_ =	shalt  }
0x7c: {  	_ =	shalt  }
0x7d: {  	_ =	shalt  }
0x7e: {  	_ =	shalt  }
0x7f: {  	_ =	shalt  }
0x80: {  	_ =	shalt  }
0x81: {  	_ =	shalt  }
0x82: {  	_ =	shalt  }
0x83: {  	_ =	shalt  }
0x84: {  	_ =	shalt  }
0x85: {  	_ =	shalt  }
0x86: {  	_ =	shalt  }
0x87: {  	_ =	shalt  }
.Lfunc_end0:
.L_simem_size_0:
called_computation.1_lowered:
.L_overlay_start_0:
0x88: {  	s2 =	sld [smem:$0x3FD9]  }
0x89: {  	s3 =	sld [smem:$0x3FFE];
	_ =	sdelay $0x1  }
0x8a: {  	s1 =	srdreg.scid  }
0x8b: {  	s0 =	sand.u32 $0x1, s1  }
0x8c: {  	s17 =	sshll.u32 s0, $0xA;
	s2 =	sadd.s32 s3, s2  }
0x8d: {  	s2 =	sadd.s32 s2, s17  }
0x8e: {  	[smem:$0x3FB5] =	sst s2  }
0x8f: {  	_ = 	snop  }
0x90: {  	(tm) =	ssettm $0x1  }
0x91: {  	s18 =	sld [smem:$0x3FFB];
	_ =	sdelay $0x3  }
0x92: {  	_ =	strace s18  }
0x93: {  	s2 =	sld [smem:$0x3FFC];
	_ =	sdelay $0x3  }
0x94: {  	_ =	strace s2  }
0x95: {  	s2 =	sld [smem:$0x3FFD];
	_ =	sdelay $0x3  }
0x96: {  	_ =	strace s2  }
0x97: {  	_ =	strace $0x8FFFFFFF  }
0x98: {  	s19 =	sld [smem:$0x3FDB];
	_ =	sdelay $0x1  }
0x99: {  	s20 =	simm.s32 $_scs_section_size  }
0x9a: {  	s4 =	simm.s32 $_size__tile_overlayer_lowered;
	s5 =	simm.s32 $_tile_overlayer_lowered  }
0x9b: {  	s6 =	simm.s32 $0x1BFF;
	s21 =	sshll.u32 s5, $0x1;
	s3 =	sadd.s32 s20, s19  }
0x9c: {  	s22 =	simm.s32 $0x0;
	s4 =	sshll.u32 s4, $0x1;
	s5 =	sadd.s32 s21, s3  }
0x9d: {  	[timem:s22], [sflag:s6] =	dma.local [hbm:s5], s4  }
0x9e: {  	_ =	swait.ge [sflag:s6], s4  }
0x9f: {  	s4 =	ssub.s32 $0x0, s4;
	[sflag:s6] =	ssyncset.done $0x0  }
0xa0: {  	[sflag:s6] =	ssyncadd.s32 s4;
	_ =	sdelay $0x1  }
0xa1: {  	s23 =	simm.s32 $0x1B8B  }
0xa2: {  	_ =	swait.ge [sflag:s23], $0x1  }
0xa3: {  	[sflag:s23] =	ssyncset.done $0x0  }
0xa4: {  	[sflag:s23] =	ssyncadd.s32 $0xFFFFFFFF  }
0xa5: {  	s4 =	sld [smem:$0x0]  }
0xa6: {  	s5 =	sand.u32 $0xFFFFFFFE, s1  }
0xa7: {  	p0 =	sne.s32 s1, s5  }
0xa8: {  	s5 =	sshll.u32 @p0 s5, $0xE  }
0xa9: {  	s5 =	sadd.s32 @p0 $0x11B8D, s5;
	s6 =	sshll.u32 @p0 s4, $0x11  }
0xaa: {  	s5 =	sor.u32 @p0 s6, s5  }
0xab: {  	[sflag:s5] =	ssyncadd.remote.s32 @p0 $0x1;
	_ =	sdelay $0x1  }
0xac: {  	s5 =	simm.s32 @p0 $0x1B8D  }
0xad: {  	_ =	swait.eq @p0 [sflag:s5], $0x1  }
0xae: {  	[sflag:s5] =	ssyncadd.s32 @p0 $0xFFFFFFFF  }
0xaf: {  	s6 =	sshll.u32 @!p0 s1, $0xE  }
0xb0: {  	s6 =	sor.u32 @!p0 $0x4000, s6;
	s5 =	simm.s32 @!p0 $0x1B8D  }
0xb1: {  	s4 =	sshll.u32 @!p0 s4, $0x11;
	s6 =	sadd.s32 @!p0 $0x11B8D, s6;
	_ =	swait.eq @!p0 [sflag:s5], $0x1  }
0xb2: {  	s4 =	sor.u32 @!p0 s4, s6;
	[sflag:s5] =	ssyncadd.s32 @!p0 $0xFFFFFFFF  }
0xb3: {  	s25 =	simm.s32 $0x1B8E;
	s24 =	sld [smem:$0x3FFE];
	[sflag:s4] =	ssyncadd.remote.s32 @!p0 $0x1  }
0xb4: {  	s26 =	simm.s32 $execute0_lowered;
	[smem:$0x3FD2] =	sst s25  }
0xb5: {  	s5 =	sshll.u32 s26, $0x1;
	_ =	strace $0x80000049;
	[dreg:$0x1] =	wrdreg $0xFFFFFFFF  }
0xb6: {  	s28 =	simm.s32 $_size_execute0_lowered;
	s3 =	sadd.s32 s3, s5;
	[dreg:$0x0] =	wrdreg $0x0  }
0xb7: {  	s5 =	sshll.u32 s28, $0x1;
	[dreg:$0x2] =	wrdreg s3  }
0xb8: {  	[dreg:$0x3] =	wrdreg s5  }
0xb9: {  	[dreg:$0x4] =	wrdreg $0xC0  }
0xba: {  	_ =	task [dreg:s22], $0x5FFFF  }
0xbb: {  	[dreg:$0x1] =	wrdreg $0xFFFFFFFF  }
0xbc: {  	[dreg:$0x0] =	wrdreg $0x60  }
0xbd: {  	[dreg:$0x2] =	wrdreg s24  }
0xbe: {  	[dreg:$0x3] =	wrdreg $0x84000  }
0xbf: {  	[dreg:$0x4] =	wrdreg $0xA  }
0xc0: {  	_ =	task.clear_ibuf [dreg:s22], $0x5FFFF;
	_ =	strace $0x90000049  }
0xc1: {  	s29 =	simm.s32 $0xA;
	_ =	strace $0x8000004B  }
0xc2: {  	_ =	swait.ge [sflag:s29], $0x1  }
0xc3: {  	[sflag:s29] =	ssyncadd.s32 $0xFFFFFFFF  }
0xc4: {  	_ =	strace $0x9000004B  }
0xc5: {  	_ =	sfence  }
0xc6: {  	s30 =	sld [smem:$0x0];
	_ =	sdelay $0x2  }
0xc7: {  	s31 =	sshll.u32 s1, $0xD;
	s1 =	sshrl.u32 s1, $0x2  }
0xc8: {  	s4 =	sand.u32 $0x4000, s31;
	s1 =	sadd.s32 s1, s30  }
0xc9: {  	s0 =	sor.u32 s4, s0;
	s1 =	sshll.u32 s1, $0x11  }
0xca: {  	s0 =	sor.u32 s1, s0  }
0xcb: {  	s0 =	sadd.s32 $0x8F2B, s0  }
0xcc: {  	[sflag:s0] =	ssyncadd.remote.s32 $0x1  }
0xcd: {  	_ =	sfence.sel $0xFFFF  }
0xce: {  	[dreg:$0x0] =	wrdreg $0xFFFFFFFF;
	(pc) =	sbr.abs _section_cstart, $3  }
0xcf: {  	[dreg:$0x1] =	wrdreg $0xFFFFFFFF  }
0xd0: {  	_ =	task.clear_ibuf [dreg:s22], $0x2FFFF;
	_ =	strace $0x9FFFFFFF  }
0xd1: {  	(tm) =	ssettm $0x7FFFFFFF  }
tec
execute0_lowered:
.L_overlay_start_1:
0x0: {  	(tag) =	ssettag $0x1  }
0x1: {  	s2 =	stileid.u32  }
0x2: {  	s10 =	rddreg [dreg:$0x0];
	s6 =	smul.u32 $0x280, s2  }
0x3: {  	s0 =	srdreg.scid;
	s7 =	smul.u32 $0x50000, s2  }
0x4: {  	s1 =	rddreg [dreg:$0x1];
	s18 =	smul.u32 $0x2800, s2  }
0x5: {  	s3 =	simm.s32 $0x0;
	s19 =	simm.s32 $0x92800;
	s20 =	smul.u32 $0x28000, s2  }
0x6: {  	s9 =	sand.u32 $0x1, s0;
	s0 =	rddreg [dreg:$0x2];
	s30 =	smul.u32 $0x500, s2  }
0x7: {  	s21 =	simm.s32 $0x0;
	[smem:$0x7FF] =	sst s3;
	s4 =	smul.u32 $0x5000, s9  }
0x8: {  	s5 =	smul.u32 $0x280000, s9;
	_ =	strace $0x8000004A;
	s24 =	ssub.s32 $0x2, s9  }
0x9: {  	p0 =	seq.s32 s9, $0x0;
	s25 =	sshrl.u32 s24, $0x1;
	s7 =	sshrl.u32 s7, $0x2  }
0xa: {  	s11 =	sadd.s32 $0x80, s6;
	s13 =	sadd.s32 $0x100, s6;
	s15 =	sadd.s32 $0x180, s6  }
0xb: {  	s17 =	sadd.s32 $0x200, s6;
	s19 =	simm.s32 @!p0 $0xBA800;
	s16 =	sadd.s32 s4, s10  }
0xc: {  	s14 =	sadd.s32 s5, s10;
	s12 =	ssub.s32 s24, s25;
	s4 =	sadd.s32 s7, s1  }
0xd: {  	s26 =	sshll.u32 s11, $0x7;
	s28 =	sshll.u32 s13, $0x7;
	s8 =	sshll.u32 s15, $0x7  }
0xe: {  	s29 =	sshll.u32 s17, $0x7;
	s11 =	sshll.u32 s11, $0x4;
	s13 =	sshll.u32 s13, $0x4  }
0xf: {  	s15 =	sshll.u32 s15, $0x4;
	s17 =	sshll.u32 s17, $0x4;
	s19 =	sadd.s32 s19, s10  }
0x10: {  	s5 =	sadd.s32 s26, s1;
	s6 =	sadd.s32 s28, s1;
	s7 =	sadd.s32 s8, s1  }
0x11: {  	s8 =	sadd.s32 s29, s1;
	s9 =	smax.u32 s12, $0x1;
	s10 =	sadd.s32 s19, s18  }
0x12: {  	s11 =	sadd.s32 s19, s11;
	s12 =	sadd.s32 s19, s13;
	s13 =	sadd.s32 s19, s15  }
0x13: {  	s31 =	sadd.s32 s20, s14;
	s14 =	sadd.s32 s19, s17;
	s16 =	sadd.s32 s30, s16  }
0x14: {  	s17 =	simm.s32 $0x400;
	s18 =	simm.s32 $0x1;
	s19 =	simm.s32 $0x80  }
0x15: {  	v0 =	vimm.f32 $0.0e+00;
	s20 =	simm.s32 $0x4400;
	s15 =	sadd.s32 $0xA74800, s31;
	s16 =	sadd.s32 $0x5400, s16  }
.LBB2_1:
0x16: {  	s22 =	sand.u32 $0x1FE00, s3  }
0x17: {  	s23 =	sand.u32 $0x70, s3;
	s24 =	sshrl.u32 s22, $0x2  }
0x18: {  	s22 =	simm.s32 $0x40;
	s24 =	sor.u32 s23, s24;
	s23 =	simm.s32 $0x0  }
.LBB2_2:
0x19: {  	p0 =	sne.s32 s22, $0x1FFC0  }
0x1a: {  	[tilespmem:s24+$0x400] =	vst v0;
	s23 =	sadd.s32 $0x10, s23;
	s24 =	smov.u32 s22;
	s22 =	sadd.s32 $0x40, s22  }
.Ltmp0:
0x1b: {  	(pc) =	sbr.rel @p0 .LBB2_2-.Ltmp0, $4  }
0x1c: {  	_ = 	snop  }
0x1d: {  	s24 =	sand.u32 $0x1FE00, s24  }
0x1e: {  	s25 =	sand.u32 $0x70, s23;
	s24 =	sshrl.u32 s24, $0x2  }
0x1f: {  	s24 =	sor.u32 s25, s24  }
0x20: {  	[tilespmem:s24+$0x400] =	vst v0  }
0x21: {  	[spmem:s4] =	stream.linear.scatter [tilespmem:s17], [sflag:$0x1], $0x4000, $0x38;
	[tilespmem:$0x1C400] =	vst v63  }
0x22: {  	_ =	swait.ge [sflag:s18], $0x4000  }
0x23: {  	[sflag:s18] =	ssyncset.done $0x0  }
0x24: {  	[sflag:s18] =	ssyncadd.s32 $0xFFFFC000  }
0x25: {  	[spmem:s5] =	stream.linear.scatter [tilespmem:s17], [sflag:$0x1], $0x4000, $0x38;
	[tilespmem:$0x1C400] =	vst v63  }
0x26: {  	_ =	swait.ge [sflag:s18], $0x4000  }
0x27: {  	[sflag:s18] =	ssyncset.done $0x0  }
0x28: {  	[sflag:s18] =	ssyncadd.s32 $0xFFFFC000  }
0x29: {  	[spmem:s6] =	stream.linear.scatter [tilespmem:s17], [sflag:$0x1], $0x4000, $0x38;
	[tilespmem:$0x1C400] =	vst v63  }
0x2a: {  	_ =	swait.ge [sflag:s18], $0x4000  }
0x2b: {  	[sflag:s18] =	ssyncset.done $0x0  }
0x2c: {  	[sflag:s18] =	ssyncadd.s32 $0xFFFFC000  }
0x2d: {  	[spmem:s7] =	stream.linear.scatter [tilespmem:s17], [sflag:$0x1], $0x4000, $0x38;
	[tilespmem:$0x1C400] =	vst v63  }
0x2e: {  	_ =	swait.ge [sflag:s18], $0x4000  }
0x2f: {  	[sflag:s18] =	ssyncset.done $0x0  }
0x30: {  	[sflag:s18] =	ssyncadd.s32 $0xFFFFC000  }
0x31: {  	[spmem:s8] =	stream.linear.scatter [tilespmem:s17], [sflag:$0x1], $0x4000, $0x38;
	[tilespmem:$0x1C400] =	vst v63  }
0x32: {  	s22 =	simm.s32 $0x0;
	_ =	swait.ge [sflag:s18], $0x4000  }
0x33: {  	s22 =	sand.u32 $0x6, s22;
	[sflag:s18] =	ssyncset.done $0x0  }
0x34: {  	p0 =	sne.s32 s22, $0x0;
	[sflag:s18] =	ssyncadd.s32 $0xFFFFC000  }
0x35: {  	s23 =	simm.s32 @!p0 $0x0;
	s24 =	simm.s32 @!p0 $0x1;
	[bflag:$0x0] =	sbarrier.arrive $0xFFFF  }
0x36: {  	[tilespmem:s23], [sflag:$0x1] =	stream.linear.gather @!p0 [hbm4b:s16+s23], $0x400, $0x38;
	[tilespmem:$0x1C400] =	vst v63  }
0x37: {  	_ =	swait.ge @!p0 [sflag:s24], $0x400  }
0x38: {  	[sflag:s24] =	ssyncset.done @!p0 $0x0  }
0x39: {  	[sflag:s24] =	ssyncadd.s32 @!p0 $0xFFFFFC00  }
0x3a: {  	[tilespmem:s17], [sflag:$0x1] =	stream.linear.gather [hbm4b:s15+s3], $0x8000, $0x38;
	[tilespmem:$0x1C400] =	vst v63  }
0x3b: {  	_ =	swait.ge [sflag:s18], $0x8000  }
0x3c: {  	[sflag:s18] =	ssyncset.done $0x0  }
0x3d: {  	s30 =	sshll.u32 s22, $0x7;
	[sflag:s18] =	ssyncadd.s32 $0xFFFF8000  }
0x3e: {  	[spmem:s1] =	stream.indirect.scatter.add.f32 [tilespmem:s17], [sflag:$0x1], $0x80, s30, s19, $0xb8;
	[tilespmem:$0x1C400] =	vst v63  }
0x3f: {  	_ =	swait.ge [sflag:s18], $0x4000  }
0x40: {  	s31 =	simm.s32 $0x2;
	[sflag:s18] =	ssyncset.done $0x0  }
0x41: {  	s25 =	sand.u32 $0x6, s31;
	s23 =	sadd.s32 $0x80, s30;
	[sflag:s18] =	ssyncadd.s32 $0xFFFFC000  }
0x42: {  	[spmem:s1] =	stream.indirect.scatter.add.f32 [tilespmem:s20], [sflag:$0x1], $0x80, s23, s19, $0xb8;
	[tilespmem:$0x1C400] =	vst v63  }
0x43: {  	s22 =	simm.s32 $0x4;
	p1 =	sne.s32 s25, $0x0;
	_ =	swait.ge [sflag:s18], $0x4000  }
0x44: {  	s24 =	sadd.s32 $0x20, s16;
	s23 =	sadd.s32 $0x1000, s15;
	[sflag:s18] =	ssyncset.done $0x0  }
.LBB2_4:
0x45: {  	s26 =	simm.s32 @!p1 $0x0;
	s28 =	simm.s32 @!p1 $0x1;
	[sflag:s18] =	ssyncadd.s32 $0xFFFFC000  }
0x46: {  	[tilespmem:s26], [sflag:$0x1] =	stream.linear.gather @!p1 [hbm4b:s24+s26], $0x400, $0x38;
	[tilespmem:$0x1C400] =	vst v63  }
0x47: {  	s26 =	smov.u32 s22;
	s22 =	sadd.s32 $0x2, s22;
	_ =	swait.ge @!p1 [sflag:s28], $0x400  }
0x48: {  	p0 =	sne.s32 s22, $0x50;
	[sflag:s28] =	ssyncset.done @!p1 $0x0  }
0x49: {  	[sflag:s28] =	ssyncadd.s32 @!p1 $0xFFFFFC00  }
0x4a: {  	[tilespmem:s17], [sflag:$0x1] =	stream.linear.gather [hbm4b:s23+s3], $0x8000, $0x38;
	[tilespmem:$0x1C400] =	vst v63  }
0x4b: {  	_ =	swait.ge [sflag:s18], $0x8000  }
0x4c: {  	[sflag:s18] =	ssyncset.done $0x0  }
0x4d: {  	s25 =	sshll.u32 s25, $0x7;
	[sflag:s18] =	ssyncadd.s32 $0xFFFF8000  }
0x4e: {  	[spmem:s1] =	stream.indirect.scatter.add.f32 [tilespmem:s17], [sflag:$0x1], $0x80, s25, s19, $0xb8;
	[tilespmem:$0x1C400] =	vst v63  }
0x4f: {  	_ =	swait.ge [sflag:s18], $0x4000  }
.Ltmp1:
0x50: {  	[sflag:s18] =	ssyncset.done $0x0;
	(pc) =	sbr.rel @p0 .LBB2_4-.Ltmp1, $4  }
0x51: {  	s25 =	sadd.s32 $0x80, s25;
	[sflag:s18] =	ssyncadd.s32 $0xFFFFC000  }
0x52: {  	[spmem:s1] =	stream.indirect.scatter.add.f32 [tilespmem:s20], [sflag:$0x1], $0x80, s25, s19, $0xb8;
	[tilespmem:$0x1C400] =	vst v63  }
0x53: {  	s24 =	sadd.s32 $0x20, s24;
	s25 =	sand.u32 $0x6, s26;
	_ =	swait.ge [sflag:s18], $0x4000  }
0x54: {  	s23 =	sadd.s32 $0x1000, s23;
	p1 =	sne.s32 s25, $0x0;
	[sflag:s18] =	ssyncset.done $0x0  }
0x55: {  	s22 =	simm.s32 @!p1 $0x0;
	s26 =	simm.s32 @!p1 $0x1;
	[sflag:s18] =	ssyncadd.s32 $0xFFFFC000  }
0x56: {  	[tilespmem:s22], [sflag:$0x1] =	stream.linear.gather @!p1 [hbm4b:s24+s22], $0x400, $0x38;
	[tilespmem:$0x1C400] =	vst v63  }
0x57: {  	_ =	swait.ge @!p1 [sflag:s26], $0x400  }
0x58: {  	[sflag:s26] =	ssyncset.done @!p1 $0x0  }
0x59: {  	[sflag:s26] =	ssyncadd.s32 @!p1 $0xFFFFFC00  }
0x5a: {  	[tilespmem:s17], [sflag:$0x1] =	stream.linear.gather [hbm4b:s23+s3], $0x8000, $0x38;
	[tilespmem:$0x1C400] =	vst v63  }
0x5b: {  	_ =	swait.ge [sflag:s18], $0x8000  }
0x5c: {  	[sflag:s18] =	ssyncset.done $0x0  }
0x5d: {  	s24 =	sshll.u32 s25, $0x7;
	[sflag:s18] =	ssyncadd.s32 $0xFFFF8000  }
0x5e: {  	[spmem:s1] =	stream.indirect.scatter.add.f32 [tilespmem:s17], [sflag:$0x1], $0x80, s24, s19, $0xb8;
	[tilespmem:$0x1C400] =	vst v63  }
0x5f: {  	_ =	swait.ge [sflag:s18], $0x4000  }
0x60: {  	[sflag:s18] =	ssyncset.done $0x0  }
0x61: {  	s22 =	sadd.s32 $0x80, s24;
	[sflag:s18] =	ssyncadd.s32 $0xFFFFC000  }
0x62: {  	[spmem:s1] =	stream.indirect.scatter.add.f32 [tilespmem:s20], [sflag:$0x1], $0x80, s22, s19, $0xb8;
	[tilespmem:$0x1C400] =	vst v63  }
0x63: {  	_ =	swait.ge [sflag:s18], $0x4000  }
0x64: {  	[sflag:s18] =	ssyncset.done $0x0  }
0x65: {  	s25 =	sshll.u32 s2, $0x6;
	[sflag:s18] =	ssyncadd.s32 $0xFFFFC000  }
0x66: {  	s26 =	sshrl.u32 s4, $0x3;
	s22 =	sor.u32 $0x1C01, s25;
	[bflag:$0x0] =	sbarrier.arrive $0xFFFF  }
0x67: {  	[hbm:s10], [sflag:s22] =	dma.local [spmem:s26], $0x800  }
0x68: {  	_ =	swait.ge [sflag:s18], $0x800  }
0x69: {  	[sflag:s18] =	ssyncset.done $0x0  }
0x6a: {  	s28 =	sshrl.u32 s5, $0x3;
	[sflag:s18] =	ssyncadd.s32 $0xFFFFF800  }
0x6b: {  	[hbm:s11], [sflag:s22] =	dma.local [spmem:s28], $0x800  }
0x6c: {  	_ =	swait.ge [sflag:s18], $0x800  }
0x6d: {  	[sflag:s18] =	ssyncset.done $0x0  }
0x6e: {  	s29 =	sshrl.u32 s6, $0x3;
	[sflag:s18] =	ssyncadd.s32 $0xFFFFF800  }
0x6f: {  	[hbm:s12], [sflag:s22] =	dma.local [spmem:s29], $0x800  }
0x70: {  	_ =	swait.ge [sflag:s18], $0x800  }
0x71: {  	[sflag:s18] =	ssyncset.done $0x0  }
0x72: {  	s30 =	sshrl.u32 s7, $0x3;
	[sflag:s18] =	ssyncadd.s32 $0xFFFFF800  }
0x73: {  	[hbm:s13], [sflag:s22] =	dma.local [spmem:s30], $0x800  }
0x74: {  	s21 =	sadd.s32 $0x1, s21;
	_ =	swait.ge [sflag:s18], $0x800  }
0x75: {  	p0 =	sne.s32 s21, s9;
	[sflag:s18] =	ssyncset.done $0x0  }
.Ltmp2:
0x76: {  	s31 =	sshrl.u32 s8, $0x3;
	[sflag:s18] =	ssyncadd.s32 $0xFFFFF800;
	(pc) =	sbr.rel @p0 .LBB2_1-.Ltmp2, $4  }
0x77: {  	[hbm:s14], [sflag:s22] =	dma.local [spmem:s31], $0x800  }
0x78: {  	_ =	swait.ge [sflag:s18], $0x800  }
0x79: {  	[sflag:s18] =	ssyncset.done $0x0  }
0x7a: {  	[sflag:s18] =	ssyncadd.s32 $0xFFFFF800  }
0x7b: {  	_ =	sfence.sel $0x180000  }
0x7c: {  	[bflag:$0x0] =	sbarrier.arrive $0xFFFF  }
0x7d: {  	p0 =	sne.s32 s2, $0x0;
	_ =	strace $0x9000004A  }
0x7e: {  	s0 =	sadd.s32 @!p0 $0x100000, s0;
	[bflag:$0x2] =	sbarrier.arrive $0xFFFF  }
0x7f: {  	[sflag:s0] =	ssyncadd.tile.s32 @!p0 $0x1;
	_ =	shalt  }
.Lfunc_end2:
_tile_overlayer_lowered:
.L_overlay_start_2:
0x80: {  	(tag) =	ssettag $0x2  }
0x81: {  	s0 =	rddreg [dreg:$0x0];
	s2 =	stileid.u32  }
0x82: {  	s1 =	rddreg [dreg:$0x1];
	p0 =	sne.s32 s2, $0x0  }
0x83: {  	s3 =	rddreg [dreg:$0x2];
	[bflag:$0x3] =	sbarrier.arrive $0xFFFF;
	s2 =	simm.s32 @!p0 $0x1C01  }
0x84: {  	[timem:s3], [sflag:s2] =	dma.local @!p0 [hbm:s0], s1  }
0x85: {  	s0 =	simm.s32 @!p0 $0x1  }
0x86: {  	_ =	swait.ge @!p0 [sflag:s0], s1  }
0x87: {  	s1 =	ssub.s32 @!p0 $0x0, s1;
	[sflag:s0] =	ssyncset.done @!p0 $0x0  }
0x88: {  	[sflag:s0] =	ssyncadd.s32 @!p0 s1  }
0x89: {  	[bflag:$0x3] =	sbarrier.arrive $0xFFFF  }
0x8a: {  	_ =	shalt  }

// kernel: kernel.15.cloned.1.call-start
scs
__scs_entry_jumppad:
0x0: {  	(pc) =	sbr.rel $0x88, $3  }
0x1: {  	(tag) =	ssettag $0x0;
	lr =	simm.s32 $0x1  }
0x2: {  	[smem:$0x3F8E] =	sst lr;
	_ =	strace $0xD0000000  }
0x3: {  	_ = 	snop  }
0x4: {  	_ = 	snop  }
0x5: {  	_ = 	snop  }
0x6: {  	_ = 	snop  }
0x7: {  	_ = 	snop  }
__scs_overlays_trampoline_lowered:
0x8: {  	[smem:$0x3F9D] =	sst s0  }
0x9: {  	[smem:$0x3F9E] =	sst s1  }
0xa: {  	[smem:$0x3F9F] =	sst s2  }
0xb: {  	[smem:$0x3FA0] =	sst s3  }
0xc: {  	[smem:$0x3FA1] =	sst s4  }
0xd: {  	[smem:$0x3FA2] =	sst s5  }
0xe: {  	[smem:$0x3FA3] =	sst s6  }
0xf: {  	[smem:$0x3FA4] =	sst s7  }
0x10: {  	[smem:$0x3FA5] =	sst s8  }
0x11: {  	[smem:$0x3FA6] =	sst s9;
	s0 =	simm.s32 @!p0 $0x0  }
0x12: {  	s1 =	sld [smem:$0x3F8C];
	s0 =	simm.s32 @p0 $0x1  }
0x13: {  	[smem:$0x3FA7] =	sst s0;
	s0 =	simm.s32 @!p1 $0x0  }
0x14: {  	s2 =	sld [smem:$0x3F8B];
	s0 =	simm.s32 @p1 $0x1  }
0x15: {  	[smem:$0x3FA8] =	sst s0;
	s0 =	simm.s32 @!p2 $0x0  }
0x16: {  	s3 =	sld [smem:$0x3FDB];
	s0 =	simm.s32 @p2 $0x1  }
0x17: {  	s4 =	simm.s32 $0x1BF5;
	[smem:$0x3FAA] =	sst s0  }
0x18: {  	s0 =	sld [smem:$0x3F8D];
	_ =	swait.ge [sflag:s4], $0x0  }
0x19: {  	s7 =	sld [smem:$0x3F8E]  }
0x1a: {  	s8 =	sadd.s32 $0xFFFFE003, lr  }
0x1b: {  	s9 =	sadd.s32 $0xFFFFFEF7, lr;
	s5 =	simm.s32 $0xFFFFFFFF;
	p2 =	slt.u32 s8, $0xFFFFF086  }
0x1c: {  	p1 =	slt.u32 s9, $0xF7A;
	s5 =	simm.s32 @!p2 $0x0  }
0x1d: {  	s5 =	simm.s32 @p1 $0x1;
	p0 =	seq.s32 s7, s2  }
0x1e: {  	s7 =	smul.u32 @!p0 $0xF7A, s2;
	p2 =	seq.s32 @!p0 s5, $0x0  }
0x1f: {  	s9 =	smul.u32 $0xF7A, s1;
	s8 =	simm.s32 @!p0 $0x1BF5;
	p2 =	por !p2, p0  }
0x20: {  	[sflag:s8] =	ssyncset.s32 @!p0 $0xFFFFF086;
	s6 =	sadd.s32 @!p0 s3, s7;
	s7 =	simm.s32 @!p0 $0x108  }
0x21: {  	s3 =	sadd.s32 s3, s9;
	s6 =	sadd.s32 @!p0 $0x88, s6;
	s7 =	simm.s32 @p2 $0x1082  }
0x22: {  	[simem:s7], [sflag:s8] =	dma.local @!p0 [hbm:s6], $0xF7A  }
0x23: {  	s9 =	sor.u32 $0xD0000000, s2;
	s6 =	simm.s32 $0x108;
	_ =	swait.ge @!p0 [sflag:s8], $0x0  }
0x24: {  	s3 =	sadd.s32 $0x88, s3;
	s6 =	simm.s32 @!p1 $0x1082;
	[sflag:s4] =	ssyncset.s32 $0xFFFFF086  }
0x25: {  	[simem:s6], [sflag:s4] =	dma.local [hbm:s3], $0xF7A  }
0x26: {  	[smem:$0x3F8E] =	sst s1;
	(tag) =	ssettag s2;
	_ =	strace s9  }
0x27: {  	s1 =	sld [smem:$0x3F9E]  }
0x28: {  	s2 =	sld [smem:$0x3F9F]  }
0x29: {  	s4 =	sld [smem:$0x3FA1]  }
0x2a: {  	p0 =	seq.s32 s5, $0x0;
	s5 =	sld [smem:$0x3FA2]  }
0x2b: {  	s6 =	sld [smem:$0x3FA3]  }
0x2c: {  	s7 =	sld [smem:$0x3FA4]  }
0x2d: {  	s3 =	simm.s32 $0x108;
	s8 =	sld [smem:$0x3FA5]  }
0x2e: {  	s3 =	simm.s32 @!p0 $0x1082;
	s9 =	sld [smem:$0x3FA6]  }
0x2f: {  	lr =	sadd.s32 s0, s3;
	s0 =	sld [smem:$0x3F9D]  }
0x30: {  	s3 =	sld [smem:$0x3FA0]  }
0x31: {  	[smem:$0x3FA9] =	sst s10  }
0x32: {  	s10 =	sld [smem:$0x3FA7];
	_ =	sdelay $0x3  }
0x33: {  	p0 =	seq.s32 s10, $0x1;
	s10 =	sld [smem:$0x3FA9];
	_ =	sdelay $0x3  }
0x34: {  	[smem:$0x3FA9] =	sst s10  }
0x35: {  	s10 =	sld [smem:$0x3FA8];
	_ =	sdelay $0x3  }
0x36: {  	p1 =	seq.s32 s10, $0x1;
	s10 =	sld [smem:$0x3FA9];
	_ =	sdelay $0x3  }
0x37: {  	[smem:$0x3FA9] =	sst s10  }
0x38: {  	s10 =	sld [smem:$0x3FAA]  }
0x39: {  	_ = 	snop;
	(pc) =	sbr.ind lr, $3  }
0x3a: {  	_ = 	snop  }
0x3b: {  	_ = 	snop  }
0x3c: {  	p2 =	seq.s32 s10, $0x1;
	s10 =	sld [smem:$0x3FA9]  }
0x3d: {  	_ =	shalt  }
0x3e: {  	_ =	shalt  }
0x3f: {  	_ =	shalt  }
0x40: {  	_ =	shalt  }
0x41: {  	_ =	shalt  }
0x42: {  	_ =	shalt  }
0x43: {  	_ =	shalt  }
0x44: {  	_ =	shalt  }
0x45: {  	_ =	shalt  }
0x46: {  	_ =	shalt  }
0x47: {  	_ =	shalt  }
0x48: {  	_ =	shalt  }
0x49: {  	_ =	shalt  }
0x4a: {  	_ =	shalt  }
0x4b: {  	_ =	shalt  }
0x4c: {  	_ =	shalt  }
0x4d: {  	_ =	shalt  }
0x4e: {  	_ =	shalt  }
0x4f: {  	_ =	shalt  }
0x50: {  	_ =	shalt  }
0x51: {  	_ =	shalt  }
0x52: {  	_ =	shalt  }
0x53: {  	_ =	shalt  }
0x54: {  	_ =	shalt  }
0x55: {  	_ =	shalt  }
0x56: {  	_ =	shalt  }
0x57: {  	_ =	shalt  }
0x58: {  	_ =	shalt  }
0x59: {  	_ =	shalt  }
0x5a: {  	_ =	shalt  }
0x5b: {  	_ =	shalt  }
0x5c: {  	_ =	shalt  }
0x5d: {  	_ =	shalt  }
0x5e: {  	_ =	shalt  }
0x5f: {  	_ =	shalt  }
0x60: {  	_ =	shalt  }
0x61: {  	_ =	shalt  }
0x62: {  	_ =	shalt  }
0x63: {  	_ =	shalt  }
0x64: {  	_ =	shalt  }
0x65: {  	_ =	shalt  }
0x66: {  	_ =	shalt  }
0x67: {  	_ =	shalt  }
0x68: {  	_ =	shalt  }
0x69: {  	_ =	shalt  }
0x6a: {  	_ =	shalt  }
0x6b: {  	_ =	shalt  }
0x6c: {  	_ =	shalt  }
0x6d: {  	_ =	shalt  }
0x6e: {  	_ =	shalt  }
0x6f: {  	_ =	shalt  }
0x70: {  	_ =	shalt  }
0x71: {  	_ =	shalt  }
0x72: {  	_ =	shalt  }
0x73: {  	_ =	shalt  }
0x74: {  	_ =	shalt  }
0x75: {  	_ =	shalt  }
0x76: {  	_ =	shalt  }
0x77: {  	_ =	shalt  }
0x78: {  	_ =	shalt  }
0x79: {  	_ =	shalt  }
0x7a: {  	_ =	shalt  }
0x7b: {  	_ =	shalt  }
0x7c: {  	_ =	shalt  }
0x7d: {  	_ =	shalt  }
0x7e: {  	_ =	shalt  }
0x7f: {  	_ =	shalt  }
0x80: {  	_ =	shalt  }
0x81: {  	_ =	shalt  }
0x82: {  	_ =	shalt  }
0x83: {  	_ =	shalt  }
0x84: {  	_ =	shalt  }
0x85: {  	_ =	shalt  }
0x86: {  	_ =	shalt  }
0x87: {  	_ =	shalt  }
.Lfunc_end0:
.L_simem_size_0:
called_computation.2_lowered:
.L_overlay_start_0:
0x88: {  	s2 =	sld [smem:$0x3FD9]  }
0x89: {  	s3 =	sld [smem:$0x3FFE];
	_ =	sdelay $0x1  }
0x8a: {  	s1 =	srdreg.scid  }
0x8b: {  	s0 =	sand.u32 $0x1, s1  }
0x8c: {  	s16 =	sshll.u32 s0, $0xA;
	s2 =	sadd.s32 s3, s2  }
0x8d: {  	s2 =	sadd.s32 s2, s16  }
0x8e: {  	[smem:$0x3FB5] =	sst s2  }
0x8f: {  	_ = 	snop  }
0x90: {  	(tm) =	ssettm $0x1  }
0x91: {  	s17 =	sld [smem:$0x3FFB];
	_ =	sdelay $0x3  }
0x92: {  	_ =	strace s17  }
0x93: {  	s2 =	sld [smem:$0x3FFC];
	_ =	sdelay $0x3  }
0x94: {  	_ =	strace s2  }
0x95: {  	s2 =	sld [smem:$0x3FFD];
	_ =	sdelay $0x3  }
0x96: {  	_ =	strace s2  }
0x97: {  	_ =	strace $0x8FFFFFFF  }
0x98: {  	s18 =	sld [smem:$0x3FDB];
	_ =	sdelay $0x1  }
0x99: {  	s19 =	simm.s32 $_scs_section_size  }
0x9a: {  	s4 =	simm.s32 $_size__tile_overlayer_lowered;
	s5 =	simm.s32 $_tile_overlayer_lowered  }
0x9b: {  	s22 =	simm.s32 $0x1BFF;
	s21 =	sshll.u32 s5, $0x1;
	s2 =	sadd.s32 s19, s18  }
0x9c: {  	s6 =	simm.s32 $0x0;
	s20 =	sshll.u32 s4, $0x1;
	s4 =	sadd.s32 s21, s2  }
0x9d: {  	[timem:s6], [sflag:s22] =	dma.local [hbm:s4], s20  }
0x9e: {  	_ =	swait.ge [sflag:s22], s20  }
0x9f: {  	s3 =	ssub.s32 $0x0, s20;
	[sflag:s22] =	ssyncset.done $0x0  }
0xa0: {  	[sflag:s22] =	ssyncadd.s32 s3;
	_ =	sdelay $0x1  }
0xa1: {  	s23 =	simm.s32 $0x1B8B  }
0xa2: {  	_ =	swait.ge [sflag:s23], $0x1  }
0xa3: {  	[sflag:s23] =	ssyncset.done $0x0  }
0xa4: {  	s25 =	simm.s32 $0x1B8E;
	s24 =	sld [smem:$0x3FFE];
	[sflag:s23] =	ssyncadd.s32 $0xFFFFFFFF  }
0xa5: {  	s26 =	simm.s32 $execute0_lowered;
	[smem:$0x3FD2] =	sst s25  }
0xa6: {  	s4 =	sshll.u32 s26, $0x1;
	_ =	strace $0x8000004C;
	[dreg:$0x1] =	wrdreg $0xFFFFFFFF  }
0xa7: {  	s28 =	simm.s32 $_size_execute0_lowered;
	s2 =	sadd.s32 s2, s4;
	[dreg:$0x0] =	wrdreg $0x0  }
0xa8: {  	s4 =	sshll.u32 s28, $0x1;
	[dreg:$0x2] =	wrdreg s2  }
0xa9: {  	[dreg:$0x3] =	wrdreg s4  }
0xaa: {  	[dreg:$0x4] =	wrdreg $0xC0  }
0xab: {  	_ =	task [dreg:s6], $0x5FFFF  }
0xac: {  	[dreg:$0x1] =	wrdreg $0xFFFFFFFF  }
0xad: {  	[dreg:$0x0] =	wrdreg $0x60  }
0xae: {  	[dreg:$0x2] =	wrdreg s24  }
0xaf: {  	[dreg:$0x3] =	wrdreg $0x56800  }
0xb0: {  	[dreg:$0x4] =	wrdreg $0x9  }
0xb1: {  	_ =	task.clear_ibuf [dreg:s6], $0x5FFFF;
	_ =	strace $0x9000004C  }
0xb2: {  	s29 =	simm.s32 $0x9;
	_ =	strace $0x8000004E  }
0xb3: {  	_ =	swait.ge [sflag:s29], $0x1  }
0xb4: {  	[sflag:s29] =	ssyncadd.s32 $0xFFFFFFFF  }
0xb5: {  	_ =	strace $0x9000004E  }
0xb6: {  	_ =	sfence  }
0xb7: {  	s30 =	sld [smem:$0x0];
	_ =	sdelay $0x2  }
0xb8: {  	s31 =	sshll.u32 s1, $0xD;
	s1 =	sshrl.u32 s1, $0x2  }
0xb9: {  	s3 =	sand.u32 $0x4000, s31;
	s1 =	sadd.s32 s1, s30  }
0xba: {  	s0 =	sor.u32 s3, s0;
	s1 =	sshll.u32 s1, $0x11  }
0xbb: {  	s0 =	sor.u32 s1, s0  }
0xbc: {  	s0 =	sadd.s32 $0x8F2B, s0  }
0xbd: {  	[sflag:s0] =	ssyncadd.remote.s32 $0x1  }
0xbe: {  	_ =	sfence.sel $0xFFFF  }
0xbf: {  	[dreg:$0x0] =	wrdreg $0xFFFFFFFF;
	(pc) =	sbr.abs _section_cstart, $3  }
0xc0: {  	[dreg:$0x1] =	wrdreg $0xFFFFFFFF  }
0xc1: {  	_ =	task.clear_ibuf [dreg:s6], $0x2FFFF;
	_ =	strace $0x9FFFFFFF  }
0xc2: {  	(tm) =	ssettm $0x7FFFFFFF  }
0xc3: {  	_ =	shalt  }
tec
execute0_lowered:
.L_overlay_start_1:
0x0: {  	(tag) =	ssettag $0x1  }
0x1: {  	s0 =	srdreg.scid;
	s8 =	rddreg [dreg:$0x0]  }
0x2: {  	s2 =	rddreg [dreg:$0x1];
	s3 =	simm.s32 $0x0;
	s11 =	simm.s32 $0x1A000  }
0x3: {  	s12 =	simm.s32 $0x2800;
	s13 =	simm.s32 $0x80;
	s14 =	simm.s32 $0x5000  }
0x4: {  	s15 =	simm.s32 $0x5080;
	s16 =	simm.s32 $0x5100;
	s17 =	simm.s32 $0x5180  }
0x5: {  	s18 =	simm.s32 $0x5200;
	s19 =	simm.s32 $0x5280;
	s20 =	simm.s32 $0x5300  }
0x6: {  	s21 =	simm.s32 $0x5380;
	s22 =	simm.s32 $0x1;
	s24 =	simm.s32 $0x0  }
0x7: {  	s5 =	sand.u32 $0x1, s0;
	s0 =	stileid.u32;
	[smem:$0x7FF] =	sst s3  }
0x8: {  	s1 =	sshll.u32 s5, $0x4;
	s6 =	ssub.s32 $0x2, s5;
	s10 =	smul.u32 $0x280, s0  }
0x9: {  	p0 =	seq.s32 s5, $0x1;
	s23 =	sshll.u32 s0, $0x6;
	s4 =	sor.u32 s0, s1  }
0xa: {  	s1 =	rddreg [dreg:$0x2];
	_ =	strace $0x8000004D;
	s9 =	sshrl.u32 s6, $0x1  }
0xb: {  	s11 =	simm.s32 @!p0 $0x19A00;
	s23 =	sor.u32 $0x1C02, s23;
	s4 =	smul.u32 $0x500, s4  }
0xc: {  	s9 =	ssub.s32 s6, s9;
	s5 =	sadd.s32 s10, s2;
	s10 =	sshrl.u32 s10, $0x3  }
0xd: {  	s11 =	sadd.s32 s11, s8;
	s7 =	sadd.s32 s4, s8;
	s4 =	sadd.s32 $0x19400, s8  }
0xe: {  	s8 =	smax.u32 s9, $0x1;
	s9 =	sadd.s32 s11, s10;
	s10 =	simm.s32 $0x5400  }
0xf: {  	v0 =	vimm.f32 $0.0e+00;
	s11 =	simm.s32 $0x2;
	s6 =	sadd.s32 $0xF400, s7;
	s7 =	sadd.s32 $0x5400, s7  }
.LBB2_1:
0x10: {  	[tilespmem:$0x5400] =	vst v0  }
0x11: {  	[tilespmem:$0x5410] =	vst v0  }
0x12: {  	[tilespmem:$0x5420] =	vst v0  }
0x13: {  	[tilespmem:$0x5430] =	vst v0  }
0x14: {  	[tilespmem:$0x5440] =	vst v0  }
0x15: {  	[tilespmem:$0x5450] =	vst v0  }
0x16: {  	[tilespmem:$0x5460] =	vst v0  }
0x17: {  	[tilespmem:$0x5470] =	vst v0  }
0x18: {  	[tilespmem:$0x5480] =	vst v0  }
0x19: {  	[tilespmem:$0x5490] =	vst v0  }
0x1a: {  	[tilespmem:$0x54A0] =	vst v0  }
0x1b: {  	[tilespmem:$0x54B0] =	vst v0  }
0x1c: {  	[tilespmem:$0x54C0] =	vst v0  }
0x1d: {  	[tilespmem:$0x54D0] =	vst v0  }
0x1e: {  	[tilespmem:$0x54E0] =	vst v0  }
0x1f: {  	[tilespmem:$0x54F0] =	vst v0  }
0x20: {  	[tilespmem:$0x5500] =	vst v0  }
0x21: {  	[tilespmem:$0x5510] =	vst v0  }
0x22: {  	[tilespmem:$0x5520] =	vst v0  }
0x23: {  	[tilespmem:$0x5530] =	vst v0  }
0x24: {  	[tilespmem:$0x5540] =	vst v0  }
0x25: {  	[tilespmem:$0x5550] =	vst v0  }
0x26: {  	[tilespmem:$0x5560] =	vst v0  }
0x27: {  	[tilespmem:$0x5570] =	vst v0  }
0x28: {  	[tilespmem:$0x5580] =	vst v0  }
0x29: {  	[tilespmem:$0x5590] =	vst v0  }
0x2a: {  	[tilespmem:$0x55A0] =	vst v0  }
0x2b: {  	[tilespmem:$0x55B0] =	vst v0  }
0x2c: {  	[tilespmem:$0x55C0] =	vst v0  }
0x2d: {  	[tilespmem:$0x55D0] =	vst v0  }
0x2e: {  	[tilespmem:$0x55E0] =	vst v0  }
0x2f: {  	[tilespmem:$0x55F0] =	vst v0  }
0x30: {  	[tilespmem:$0x5600] =	vst v0  }
0x31: {  	[tilespmem:$0x5610] =	vst v0  }
0x32: {  	[tilespmem:$0x5620] =	vst v0  }
0x33: {  	[tilespmem:$0x5630] =	vst v0  }
0x34: {  	[tilespmem:$0x5640] =	vst v0  }
0x35: {  	[tilespmem:$0x5650] =	vst v0  }
0x36: {  	[tilespmem:$0x5660] =	vst v0  }
0x37: {  	[tilespmem:$0x5670] =	vst v0  }
0x38: {  	[spmem:s5] =	stream.linear.scatter [tilespmem:s10], [sflag:$0x2], $0x280, $0x38;
	[tilespmem:$0x5900] =	vst v63  }
0x39: {  	_ =	swait.ge [sflag:s11], $0x280  }
0x3a: {  	[sflag:s11] =	ssyncset.done $0x0  }
0x3b: {  	[sflag:s11] =	ssyncadd.s32 $0xFFFFFD80  }
0x3c: {  	[tilespmem:s3], [sflag:$0x2] =	stream.linear.gather [hbm4b:s6+s3], $0x2800, $0x38;
	[tilespmem:$0x5900] =	vst v63  }
0x3d: {  	_ =	swait.ge [sflag:s11], $0x2800  }
0x3e: {  	[sflag:s11] =	ssyncset.done $0x0  }
0x3f: {  	[sflag:s11] =	ssyncadd.s32 $0xFFFFD800  }
0x40: {  	[tilespmem:s12], [sflag:$0x2] =	stream.linear.gather [hbm4b:s7+s3], $0x2800, $0x38;
	[tilespmem:$0x5900] =	vst v63  }
0x41: {  	_ =	swait.ge [sflag:s11], $0x2800  }
0x42: {  	[sflag:s11] =	ssyncset.done $0x0  }
0x43: {  	[sflag:s11] =	ssyncadd.s32 $0xFFFFD800  }
0x44: {  	s25 =	simm.s32 $0x0;
	[bflag:$0x0] =	sbarrier.arrive $0xFFFF  }
0x45: {  	[tilespmem:s14], [sflag:$0x1] =	stream.indirect.gather [hbm4b:s4+s13], $0x1, s25, s13, $0xb8;
	[tilespmem:$0x5900] =	vst v63  }
0x46: {  	s28 =	simm.s32 $0x80  }
0x47: {  	[tilespmem:s15], [sflag:$0x1] =	stream.indirect.gather [hbm4b:s4+s13], $0x1, s28, s13, $0xb8;
	[tilespmem:$0x5900] =	vst v63  }
0x48: {  	s30 =	simm.s32 $0x100  }
0x49: {  	[tilespmem:s16], [sflag:$0x1] =	stream.indirect.gather [hbm4b:s4+s13], $0x1, s30, s13, $0xb8;
	[tilespmem:$0x5900] =	vst v63  }
0x4a: {  	s31 =	simm.s32 $0x180  }
0x4b: {  	[tilespmem:s17], [sflag:$0x1] =	stream.indirect.gather [hbm4b:s4+s13], $0x1, s31, s13, $0xb8;
	[tilespmem:$0x5900] =	vst v63  }
0x4c: {  	s26 =	simm.s32 $0x200  }
0x4d: {  	[tilespmem:s18], [sflag:$0x1] =	stream.indirect.gather [hbm4b:s4+s13], $0x1, s26, s13, $0xb8;
	[tilespmem:$0x5900] =	vst v63  }
0x4e: {  	s28 =	simm.s32 $0x280  }
0x4f: {  	[tilespmem:s19], [sflag:$0x1] =	stream.indirect.gather [hbm4b:s4+s13], $0x1, s28, s13, $0xb8;
	[tilespmem:$0x5900] =	vst v63  }
0x50: {  	s30 =	simm.s32 $0x300  }
0x51: {  	[tilespmem:s20], [sflag:$0x1] =	stream.indirect.gather [hbm4b:s4+s13], $0x1, s30, s13, $0xb8;
	[tilespmem:$0x5900] =	vst v63  }
0x52: {  	s31 =	simm.s32 $0x380  }
0x53: {  	[tilespmem:s21], [sflag:$0x1] =	stream.indirect.gather [hbm4b:s4+s13], $0x1, s31, s13, $0xb8;
	[tilespmem:$0x5900] =	vst v63  }
0x54: {  	_ =	swait.ge [sflag:s22], $0x80  }
0x55: {  	[sflag:s22] =	ssyncset.done $0x0  }
0x56: {  	[sflag:s22] =	ssyncadd.s32 $0xFFFFFF80  }
0x57: {  	_ =	swait.ge [sflag:s22], $0x80  }
0x58: {  	[sflag:s22] =	ssyncset.done $0x0  }
0x59: {  	[sflag:s22] =	ssyncadd.s32 $0xFFFFFF80  }
0x5a: {  	_ =	swait.ge [sflag:s22], $0x80  }
0x5b: {  	[sflag:s22] =	ssyncset.done $0x0  }
0x5c: {  	[sflag:s22] =	ssyncadd.s32 $0xFFFFFF80  }
0x5d: {  	_ =	swait.ge [sflag:s22], $0x80  }
0x5e: {  	[sflag:s22] =	ssyncset.done $0x0  }
0x5f: {  	[sflag:s22] =	ssyncadd.s32 $0xFFFFFF80  }
0x60: {  	_ =	swait.ge [sflag:s22], $0x80  }
0x61: {  	[sflag:s22] =	ssyncset.done $0x0  }
0x62: {  	[sflag:s22] =	ssyncadd.s32 $0xFFFFFF80  }
0x63: {  	_ =	swait.ge [sflag:s22], $0x80  }
0x64: {  	[sflag:s22] =	ssyncset.done $0x0  }
0x65: {  	[sflag:s22] =	ssyncadd.s32 $0xFFFFFF80  }
0x66: {  	_ =	swait.ge [sflag:s22], $0x80  }
0x67: {  	[sflag:s22] =	ssyncset.done $0x0  }
0x68: {  	[sflag:s22] =	ssyncadd.s32 $0xFFFFFF80  }
0x69: {  	_ =	swait.ge [sflag:s22], $0x80  }
0x6a: {  	[sflag:s22] =	ssyncset.done $0x0  }
0x6b: {  	s26 =	simm.s32 $0x2800;
	[sflag:s22] =	ssyncadd.s32 $0xFFFFFF80  }
0x6c: {  	[spmem:s2] =	stream.indirect.scatter.add.f32 [tilespmem:s14], [sflag:$0x2], $0x1, s26, s13, $0xb8;
	[tilespmem:$0x5900] =	vst v63  }
0x6d: {  	_ =	swait.ge [sflag:s11], $0x80  }
0x6e: {  	[sflag:s11] =	ssyncset.done $0x0  }
0x6f: {  	s28 =	simm.s32 $0x2880;
	[sflag:s11] =	ssyncadd.s32 $0xFFFFFF80  }
0x70: {  	[spmem:s2] =	stream.indirect.scatter.add.f32 [tilespmem:s15], [sflag:$0x2], $0x1, s28, s13, $0xb8;
	[tilespmem:$0x5900] =	vst v63  }
0x71: {  	_ =	swait.ge [sflag:s11], $0x80  }
0x72: {  	[sflag:s11] =	ssyncset.done $0x0  }
0x73: {  	s30 =	simm.s32 $0x2900;
	[sflag:s11] =	ssyncadd.s32 $0xFFFFFF80  }
0x74: {  	[spmem:s2] =	stream.indirect.scatter.add.f32 [tilespmem:s16], [sflag:$0x2], $0x1, s30, s13, $0xb8;
	[tilespmem:$0x5900] =	vst v63  }
0x75: {  	_ =	swait.ge [sflag:s11], $0x80  }
0x76: {  	[sflag:s11] =	ssyncset.done $0x0  }
0x77: {  	s31 =	simm.s32 $0x2980;
	[sflag:s11] =	ssyncadd.s32 $0xFFFFFF80  }
0x78: {  	[spmem:s2] =	stream.indirect.scatter.add.f32 [tilespmem:s17], [sflag:$0x2], $0x1, s31, s13, $0xb8;
	[tilespmem:$0x5900] =	vst v63  }
0x79: {  	_ =	swait.ge [sflag:s11], $0x80  }
0x7a: {  	[sflag:s11] =	ssyncset.done $0x0  }
0x7b: {  	s26 =	simm.s32 $0x2A00;
	[sflag:s11] =	ssyncadd.s32 $0xFFFFFF80  }
0x7c: {  	[spmem:s2] =	stream.indirect.scatter.add.f32 [tilespmem:s18], [sflag:$0x2], $0x1, s26, s13, $0xb8;
	[tilespmem:$0x5900] =	vst v63  }
0x7d: {  	_ =	swait.ge [sflag:s11], $0x80  }
0x7e: {  	[sflag:s11] =	ssyncset.done $0x0  }
0x7f: {  	s28 =	simm.s32 $0x2A80;
	[sflag:s11] =	ssyncadd.s32 $0xFFFFFF80  }
0x80: {  	[spmem:s2] =	stream.indirect.scatter.add.f32 [tilespmem:s19], [sflag:$0x2], $0x1, s28, s13, $0xb8;
	[tilespmem:$0x5900] =	vst v63  }
0x81: {  	_ =	swait.ge [sflag:s11], $0x80  }
0x82: {  	[sflag:s11] =	ssyncset.done $0x0  }
0x83: {  	s30 =	simm.s32 $0x2B00;
	[sflag:s11] =	ssyncadd.s32 $0xFFFFFF80  }
0x84: {  	[spmem:s2] =	stream.indirect.scatter.add.f32 [tilespmem:s20], [sflag:$0x2], $0x1, s30, s13, $0xb8;
	[tilespmem:$0x5900] =	vst v63  }
0x85: {  	_ =	swait.ge [sflag:s11], $0x80  }
0x86: {  	[sflag:s11] =	ssyncset.done $0x0  }
0x87: {  	s31 =	simm.s32 $0x2B80;
	[sflag:s11] =	ssyncadd.s32 $0xFFFFFF80  }
0x88: {  	[spmem:s2] =	stream.indirect.scatter.add.f32 [tilespmem:s21], [sflag:$0x2], $0x1, s31, s13, $0xb8;
	[tilespmem:$0x5900] =	vst v63  }
0x89: {  	_ =	swait.ge [sflag:s11], $0x80  }
0x8a: {  	s29 =	simm.s32 $0x2000;
	s25 =	simm.s32 $0x1000;
	[sflag:s11] =	ssyncset.done $0x0  }
.LBB2_2:
0x8b: {  	s28 =	sshra.s32 s25, $0x2  }
0x8c: {  	[sflag:s11] =	ssyncadd.s32 $0xFFFFFF80;
	s25 =	smov.u32 s29;
	s26 =	sadd.s32 $0x1000, s29  }
0x8d: {  	[tilespmem:s14], [sflag:$0x1] =	stream.indirect.gather [hbm4b:s4+s13], $0x1, s28, s13, $0xb8;
	[tilespmem:$0x5900] =	vst v63  }
0x8e: {  	p0 =	sne.s32 s29, $0x9000;
	s29 =	sadd.s32 $0x80, s28  }
0x8f: {  	[tilespmem:s15], [sflag:$0x1] =	stream.indirect.gather [hbm4b:s4+s13], $0x1, s29, s13, $0xb8;
	[tilespmem:$0x5900] =	vst v63  }
0x90: {  	s29 =	sadd.s32 $0x100, s28  }
0x91: {  	[tilespmem:s16], [sflag:$0x1] =	stream.indirect.gather [hbm4b:s4+s13], $0x1, s29, s13, $0xb8;
	[tilespmem:$0x5900] =	vst v63  }
0x92: {  	s29 =	sadd.s32 $0x180, s28  }
0x93: {  	[tilespmem:s17], [sflag:$0x1] =	stream.indirect.gather [hbm4b:s4+s13], $0x1, s29, s13, $0xb8;
	[tilespmem:$0x5900] =	vst v63  }
0x94: {  	s29 =	sadd.s32 $0x200, s28  }
0x95: {  	[tilespmem:s18], [sflag:$0x1] =	stream.indirect.gather [hbm4b:s4+s13], $0x1, s29, s13, $0xb8;
	[tilespmem:$0x5900] =	vst v63  }
0x96: {  	s29 =	sadd.s32 $0x280, s28  }
0x97: {  	[tilespmem:s19], [sflag:$0x1] =	stream.indirect.gather [hbm4b:s4+s13], $0x1, s29, s13, $0xb8;
	[tilespmem:$0x5900] =	vst v63  }
0x98: {  	s29 =	sadd.s32 $0x300, s28  }
0x99: {  	[tilespmem:s20], [sflag:$0x1] =	stream.indirect.gather [hbm4b:s4+s13], $0x1, s29, s13, $0xb8;
	[tilespmem:$0x5900] =	vst v63  }
0x9a: {  	s29 =	sadd.s32 $0x380, s28  }
0x9b: {  	[tilespmem:s21], [sflag:$0x1] =	stream.indirect.gather [hbm4b:s4+s13], $0x1, s29, s13, $0xb8;
	[tilespmem:$0x5900] =	vst v63  }
0x9c: {  	_ =	swait.ge [sflag:s22], $0x80  }
0x9d: {  	[sflag:s22] =	ssyncset.done $0x0  }
0x9e: {  	[sflag:s22] =	ssyncadd.s32 $0xFFFFFF80  }
0x9f: {  	_ =	swait.ge [sflag:s22], $0x80  }
0xa0: {  	[sflag:s22] =	ssyncset.done $0x0  }
0xa1: {  	[sflag:s22] =	ssyncadd.s32 $0xFFFFFF80  }
0xa2: {  	_ =	swait.ge [sflag:s22], $0x80  }
0xa3: {  	[sflag:s22] =	ssyncset.done $0x0  }
0xa4: {  	[sflag:s22] =	ssyncadd.s32 $0xFFFFFF80  }
0xa5: {  	_ =	swait.ge [sflag:s22], $0x80  }
0xa6: {  	[sflag:s22] =	ssyncset.done $0x0  }
0xa7: {  	[sflag:s22] =	ssyncadd.s32 $0xFFFFFF80  }
0xa8: {  	_ =	swait.ge [sflag:s22], $0x80  }
0xa9: {  	[sflag:s22] =	ssyncset.done $0x0  }
0xaa: {  	[sflag:s22] =	ssyncadd.s32 $0xFFFFFF80  }
0xab: {  	_ =	swait.ge [sflag:s22], $0x80  }
0xac: {  	[sflag:s22] =	ssyncset.done $0x0  }
0xad: {  	[sflag:s22] =	ssyncadd.s32 $0xFFFFFF80  }
0xae: {  	_ =	swait.ge [sflag:s22], $0x80  }
0xaf: {  	[sflag:s22] =	ssyncset.done $0x0  }
0xb0: {  	[sflag:s22] =	ssyncadd.s32 $0xFFFFFF80  }
0xb1: {  	_ =	swait.ge [sflag:s22], $0x80  }
0xb2: {  	[sflag:s22] =	ssyncset.done $0x0  }
0xb3: {  	s29 =	sadd.s32 $0x2800, s28;
	[sflag:s22] =	ssyncadd.s32 $0xFFFFFF80  }
0xb4: {  	[spmem:s2] =	stream.indirect.scatter.add.f32 [tilespmem:s14], [sflag:$0x2], $0x1, s29, s13, $0xb8;
	[tilespmem:$0x5900] =	vst v63  }
0xb5: {  	_ =	swait.ge [sflag:s11], $0x80  }
0xb6: {  	[sflag:s11] =	ssyncset.done $0x0  }
0xb7: {  	s29 =	sadd.s32 $0x2880, s28;
	[sflag:s11] =	ssyncadd.s32 $0xFFFFFF80  }
0xb8: {  	[spmem:s2] =	stream.indirect.scatter.add.f32 [tilespmem:s15], [sflag:$0x2], $0x1, s29, s13, $0xb8;
	[tilespmem:$0x5900] =	vst v63  }
0xb9: {  	_ =	swait.ge [sflag:s11], $0x80  }
0xba: {  	[sflag:s11] =	ssyncset.done $0x0  }
0xbb: {  	s29 =	sadd.s32 $0x2900, s28;
	[sflag:s11] =	ssyncadd.s32 $0xFFFFFF80  }
0xbc: {  	[spmem:s2] =	stream.indirect.scatter.add.f32 [tilespmem:s16], [sflag:$0x2], $0x1, s29, s13, $0xb8;
	[tilespmem:$0x5900] =	vst v63  }
0xbd: {  	_ =	swait.ge [sflag:s11], $0x80  }
0xbe: {  	[sflag:s11] =	ssyncset.done $0x0  }
0xbf: {  	s29 =	sadd.s32 $0x2980, s28;
	[sflag:s11] =	ssyncadd.s32 $0xFFFFFF80  }
0xc0: {  	[spmem:s2] =	stream.indirect.scatter.add.f32 [tilespmem:s17], [sflag:$0x2], $0x1, s29, s13, $0xb8;
	[tilespmem:$0x5900] =	vst v63  }
0xc1: {  	_ =	swait.ge [sflag:s11], $0x80  }
0xc2: {  	[sflag:s11] =	ssyncset.done $0x0  }
0xc3: {  	s29 =	sadd.s32 $0x2A00, s28;
	[sflag:s11] =	ssyncadd.s32 $0xFFFFFF80  }
0xc4: {  	[spmem:s2] =	stream.indirect.scatter.add.f32 [tilespmem:s18], [sflag:$0x2], $0x1, s29, s13, $0xb8;
	[tilespmem:$0x5900] =	vst v63  }
0xc5: {  	_ =	swait.ge [sflag:s11], $0x80  }
0xc6: {  	[sflag:s11] =	ssyncset.done $0x0  }
0xc7: {  	s29 =	sadd.s32 $0x2A80, s28;
	[sflag:s11] =	ssyncadd.s32 $0xFFFFFF80  }
0xc8: {  	[spmem:s2] =	stream.indirect.scatter.add.f32 [tilespmem:s19], [sflag:$0x2], $0x1, s29, s13, $0xb8;
	[tilespmem:$0x5900] =	vst v63  }
0xc9: {  	_ =	swait.ge [sflag:s11], $0x80  }
0xca: {  	[sflag:s11] =	ssyncset.done $0x0  }
0xcb: {  	s29 =	sadd.s32 $0x2B00, s28;
	[sflag:s11] =	ssyncadd.s32 $0xFFFFFF80  }
0xcc: {  	[spmem:s2] =	stream.indirect.scatter.add.f32 [tilespmem:s20], [sflag:$0x2], $0x1, s29, s13, $0xb8;
	[tilespmem:$0x5900] =	vst v63  }
0xcd: {  	_ =	swait.ge [sflag:s11], $0x80  }
.Ltmp0:
0xce: {  	[sflag:s11] =	ssyncset.done $0x0;
	(pc) =	sbr.rel @p0 .LBB2_2-.Ltmp0, $4  }
0xcf: {  	s28 =	sadd.s32 $0x2B80, s28;
	[sflag:s11] =	ssyncadd.s32 $0xFFFFFF80  }
0xd0: {  	[spmem:s2] =	stream.indirect.scatter.add.f32 [tilespmem:s21], [sflag:$0x2], $0x1, s28, s13, $0xb8;
	[tilespmem:$0x5900] =	vst v63  }
0xd1: {  	_ =	swait.ge [sflag:s11], $0x80  }
0xd2: {  	s29 =	smov.u32 s26;
	[sflag:s11] =	ssyncset.done $0x0  }
0xd3: {  	s25 =	sshra.s32 s25, $0x2;
	[sflag:s11] =	ssyncadd.s32 $0xFFFFFF80  }
0xd4: {  	[tilespmem:s14], [sflag:$0x1] =	stream.indirect.gather [hbm4b:s4+s13], $0x1, s25, s13, $0xb8;
	[tilespmem:$0x5900] =	vst v63  }
0xd5: {  	s26 =	sadd.s32 $0x80, s25  }
0xd6: {  	[tilespmem:s15], [sflag:$0x1] =	stream.indirect.gather [hbm4b:s4+s13], $0x1, s26, s13, $0xb8;
	[tilespmem:$0x5900] =	vst v63  }
0xd7: {  	s30 =	sadd.s32 $0x100, s25  }
0xd8: {  	[tilespmem:s16], [sflag:$0x1] =	stream.indirect.gather [hbm4b:s4+s13], $0x1, s30, s13, $0xb8;
	[tilespmem:$0x5900] =	vst v63  }
0xd9: {  	s31 =	sadd.s32 $0x180, s25  }
0xda: {  	[tilespmem:s17], [sflag:$0x1] =	stream.indirect.gather [hbm4b:s4+s13], $0x1, s31, s13, $0xb8;
	[tilespmem:$0x5900] =	vst v63  }
0xdb: {  	s28 =	sadd.s32 $0x200, s25  }
0xdc: {  	[tilespmem:s18], [sflag:$0x1] =	stream.indirect.gather [hbm4b:s4+s13], $0x1, s28, s13, $0xb8;
	[tilespmem:$0x5900] =	vst v63  }
0xdd: {  	s29 =	sadd.s32 $0x280, s25  }
0xde: {  	[tilespmem:s19], [sflag:$0x1] =	stream.indirect.gather [hbm4b:s4+s13], $0x1, s29, s13, $0xb8;
	[tilespmem:$0x5900] =	vst v63  }
0xdf: {  	s30 =	sadd.s32 $0x300, s25  }
0xe0: {  	[tilespmem:s20], [sflag:$0x1] =	stream.indirect.gather [hbm4b:s4+s13], $0x1, s30, s13, $0xb8;
	[tilespmem:$0x5900] =	vst v63  }
0xe1: {  	s31 =	sadd.s32 $0x380, s25  }
0xe2: {  	[tilespmem:s21], [sflag:$0x1] =	stream.indirect.gather [hbm4b:s4+s13], $0x1, s31, s13, $0xb8;
	[tilespmem:$0x5900] =	vst v63  }
0xe3: {  	_ =	swait.ge [sflag:s22], $0x80  }
0xe4: {  	[sflag:s22] =	ssyncset.done $0x0  }
0xe5: {  	[sflag:s22] =	ssyncadd.s32 $0xFFFFFF80  }
0xe6: {  	_ =	swait.ge [sflag:s22], $0x80  }
0xe7: {  	[sflag:s22] =	ssyncset.done $0x0  }
0xe8: {  	[sflag:s22] =	ssyncadd.s32 $0xFFFFFF80  }
0xe9: {  	_ =	swait.ge [sflag:s22], $0x80  }
0xea: {  	[sflag:s22] =	ssyncset.done $0x0  }
0xeb: {  	[sflag:s22] =	ssyncadd.s32 $0xFFFFFF80  }
0xec: {  	_ =	swait.ge [sflag:s22], $0x80  }
0xed: {  	[sflag:s22] =	ssyncset.done $0x0  }
0xee: {  	[sflag:s22] =	ssyncadd.s32 $0xFFFFFF80  }
0xef: {  	_ =	swait.ge [sflag:s22], $0x80  }
0xf0: {  	[sflag:s22] =	ssyncset.done $0x0  }
0xf1: {  	[sflag:s22] =	ssyncadd.s32 $0xFFFFFF80  }
0xf2: {  	_ =	swait.ge [sflag:s22], $0x80  }
0xf3: {  	[sflag:s22] =	ssyncset.done $0x0  }
0xf4: {  	[sflag:s22] =	ssyncadd.s32 $0xFFFFFF80  }
0xf5: {  	_ =	swait.ge [sflag:s22], $0x80  }
0xf6: {  	[sflag:s22] =	ssyncset.done $0x0  }
0xf7: {  	[sflag:s22] =	ssyncadd.s32 $0xFFFFFF80  }
0xf8: {  	_ =	swait.ge [sflag:s22], $0x80  }
0xf9: {  	[sflag:s22] =	ssyncset.done $0x0  }
0xfa: {  	s28 =	sadd.s32 $0x2800, s25;
	[sflag:s22] =	ssyncadd.s32 $0xFFFFFF80  }
0xfb: {  	[spmem:s2] =	stream.indirect.scatter.add.f32 [tilespmem:s14], [sflag:$0x2], $0x1, s28, s13, $0xb8;
	[tilespmem:$0x5900] =	vst v63  }
0xfc: {  	_ =	swait.ge [sflag:s11], $0x80  }
0xfd: {  	[sflag:s11] =	ssyncset.done $0x0  }
0xfe: {  	s29 =	sadd.s32 $0x2880, s25;
	[sflag:s11] =	ssyncadd.s32 $0xFFFFFF80  }
0xff: {  	[spmem:s2] =	stream.indirect.scatter.add.f32 [tilespmem:s15], [sflag:$0x2], $0x1, s29, s13, $0xb8;
	[tilespmem:$0x5900] =	vst v63  }
0x100: {  	_ =	swait.ge [sflag:s11], $0x80  }
0x101: {  	[sflag:s11] =	ssyncset.done $0x0  }
0x102: {  	s30 =	sadd.s32 $0x2900, s25;
	[sflag:s11] =	ssyncadd.s32 $0xFFFFFF80  }
0x103: {  	[spmem:s2] =	stream.indirect.scatter.add.f32 [tilespmem:s16], [sflag:$0x2], $0x1, s30, s13, $0xb8;
	[tilespmem:$0x5900] =	vst v63  }
0x104: {  	_ =	swait.ge [sflag:s11], $0x80  }
0x105: {  	[sflag:s11] =	ssyncset.done $0x0  }
0x106: {  	s31 =	sadd.s32 $0x2980, s25;
	[sflag:s11] =	ssyncadd.s32 $0xFFFFFF80  }
0x107: {  	[spmem:s2] =	stream.indirect.scatter.add.f32 [tilespmem:s17], [sflag:$0x2], $0x1, s31, s13, $0xb8;
	[tilespmem:$0x5900] =	vst v63  }
0x108: {  	_ =	swait.ge [sflag:s11], $0x80  }
0x109: {  	[sflag:s11] =	ssyncset.done $0x0  }
0x10a: {  	s28 =	sadd.s32 $0x2A00, s25;
	[sflag:s11] =	ssyncadd.s32 $0xFFFFFF80  }
0x10b: {  	[spmem:s2] =	stream.indirect.scatter.add.f32 [tilespmem:s18], [sflag:$0x2], $0x1, s28, s13, $0xb8;
	[tilespmem:$0x5900] =	vst v63  }
0x10c: {  	_ =	swait.ge [sflag:s11], $0x80  }
0x10d: {  	[sflag:s11] =	ssyncset.done $0x0  }
0x10e: {  	s29 =	sadd.s32 $0x2A80, s25;
	[sflag:s11] =	ssyncadd.s32 $0xFFFFFF80  }
0x10f: {  	[spmem:s2] =	stream.indirect.scatter.add.f32 [tilespmem:s19], [sflag:$0x2], $0x1, s29, s13, $0xb8;
	[tilespmem:$0x5900] =	vst v63  }
0x110: {  	_ =	swait.ge [sflag:s11], $0x80  }
0x111: {  	[sflag:s11] =	ssyncset.done $0x0  }
0x112: {  	s30 =	sadd.s32 $0x2B00, s25;
	[sflag:s11] =	ssyncadd.s32 $0xFFFFFF80  }
0x113: {  	[spmem:s2] =	stream.indirect.scatter.add.f32 [tilespmem:s20], [sflag:$0x2], $0x1, s30, s13, $0xb8;
	[tilespmem:$0x5900] =	vst v63  }
0x114: {  	_ =	swait.ge [sflag:s11], $0x80  }
0x115: {  	[sflag:s11] =	ssyncset.done $0x0  }
0x116: {  	s25 =	sadd.s32 $0x2B80, s25;
	[sflag:s11] =	ssyncadd.s32 $0xFFFFFF80  }
0x117: {  	[spmem:s2] =	stream.indirect.scatter.add.f32 [tilespmem:s21], [sflag:$0x2], $0x1, s25, s13, $0xb8;
	[tilespmem:$0x5900] =	vst v63  }
0x118: {  	_ =	swait.ge [sflag:s11], $0x80  }
0x119: {  	s24 =	sadd.s32 $0x1, s24;
	[sflag:s11] =	ssyncset.done $0x0  }
0x11a: {  	p0 =	sne.s32 s24, s8;
	[sflag:s11] =	ssyncadd.s32 $0xFFFFFF80  }
.Ltmp1:
0x11b: {  	s31 =	sshrl.u32 s5, $0x3;
	[bflag:$0x0] =	sbarrier.arrive $0xFFFF;
	(pc) =	sbr.rel @p0 .LBB2_1-.Ltmp1, $4  }
0x11c: {  	[hbm:s9], [sflag:s23] =	dma.local [spmem:s31], $0x50  }
0x11d: {  	_ =	swait.ge [sflag:s11], $0x50  }
0x11e: {  	[sflag:s11] =	ssyncset.done $0x0  }
0x11f: {  	[sflag:s11] =	ssyncadd.s32 $0xFFFFFFB0  }
0x120: {  	_ =	sfence.sel $0x180000  }
0x121: {  	[bflag:$0x0] =	sbarrier.arrive $0xFFFF  }
0x122: {  	p0 =	sne.s32 s0, $0x0;
	_ =	strace $0x9000004D  }
0x123: {  	s0 =	sadd.s32 @!p0 $0x100000, s1;
	[bflag:$0x2] =	sbarrier.arrive $0xFFFF  }
0x124: {  	[sflag:s0] =	ssyncadd.tile.s32 @!p0 $0x1;
	_ =	shalt  }
.Lfunc_end2:
_tile_overlayer_lowered:
.L_overlay_start_2:
0x125: {  	(tag) =	ssettag $0x2  }
0x126: {  	s0 =	rddreg [dreg:$0x0];
	s2 =	stileid.u32  }
0x127: {  	s1 =	rddreg [dreg:$0x1];
	p0 =	sne.s32 s2, $0x0  }
0x128: {  	s3 =	rddreg [dreg:$0x2];
	[bflag:$0x3] =	sbarrier.arrive $0xFFFF;
	s2 =	simm.s32 @!p0 $0x1C02  }
0x129: {  	[timem:s3], [sflag:s2] =	dma.local @!p0 [hbm:s0], s1  }
0x12a: {  	s0 =	simm.s32 @!p0 $0x2  }
0x12b: {  	_ =	swait.ge @!p0 [sflag:s0], s1  }
0x12c: {  	s1 =	ssub.s32 @!p0 $0x0, s1;
	[sflag:s0] =	ssyncset.done @!p0 $0x0  }
0x12d: {  	[sflag:s0] =	ssyncadd.s32 @!p0 s1  }
0x12e: {  	[bflag:$0x3] =	sbarrier.arrive $0xFFFF  }
0x12f: {  	_ =	shalt  }

// kernel: kernel.9.cloned.1.call-start
scs
__scs_entry_jumppad:
0x0: {  	(pc) =	sbr.rel $0x88, $3  }
0x1: {  	(tag) =	ssettag $0x0;
	lr =	simm.s32 $0x1  }
0x2: {  	[smem:$0x3F8E] =	sst lr;
	_ =	strace $0xD0000000  }
0x3: {  	_ = 	snop  }
0x4: {  	_ = 	snop  }
0x5: {  	_ = 	snop  }
0x6: {  	_ = 	snop  }
0x7: {  	_ = 	snop  }
__scs_overlays_trampoline_lowered:
0x8: {  	[smem:$0x3F9D] =	sst s0  }
0x9: {  	[smem:$0x3F9E] =	sst s1  }
0xa: {  	[smem:$0x3F9F] =	sst s2  }
0xb: {  	[smem:$0x3FA0] =	sst s3  }
0xc: {  	[smem:$0x3FA1] =	sst s4  }
0xd: {  	[smem:$0x3FA2] =	sst s5  }
0xe: {  	[smem:$0x3FA3] =	sst s6  }
0xf: {  	[smem:$0x3FA4] =	sst s7  }
0x10: {  	[smem:$0x3FA5] =	sst s8  }
0x11: {  	[smem:$0x3FA6] =	sst s9;
	s0 =	simm.s32 @!p0 $0x0  }
0x12: {  	s1 =	sld [smem:$0x3F8C];
	s0 =	simm.s32 @p0 $0x1  }
0x13: {  	[smem:$0x3FA7] =	sst s0;
	s0 =	simm.s32 @!p1 $0x0  }
0x14: {  	s2 =	sld [smem:$0x3F8B];
	s0 =	simm.s32 @p1 $0x1  }
0x15: {  	[smem:$0x3FA8] =	sst s0;
	s0 =	simm.s32 @!p2 $0x0  }
0x16: {  	s3 =	sld [smem:$0x3FDB];
	s0 =	simm.s32 @p2 $0x1  }
0x17: {  	s4 =	simm.s32 $0x1BF5;
	[smem:$0x3FAA] =	sst s0  }
0x18: {  	s0 =	sld [smem:$0x3F8D];
	_ =	swait.ge [sflag:s4], $0x0  }
0x19: {  	s7 =	sld [smem:$0x3F8E]  }
0x1a: {  	s8 =	sadd.s32 $0xFFFFE003, lr  }
0x1b: {  	s9 =	sadd.s32 $0xFFFFFEF7, lr;
	s5 =	simm.s32 $0xFFFFFFFF;
	p2 =	slt.u32 s8, $0xFFFFF086  }
0x1c: {  	p1 =	slt.u32 s9, $0xF7A;
	s5 =	simm.s32 @!p2 $0x0  }
0x1d: {  	s5 =	simm.s32 @p1 $0x1;
	p0 =	seq.s32 s7, s2  }
0x1e: {  	s7 =	smul.u32 @!p0 $0xF7A, s2;
	p2 =	seq.s32 @!p0 s5, $0x0  }
0x1f: {  	s9 =	smul.u32 $0xF7A, s1;
	s8 =	simm.s32 @!p0 $0x1BF5;
	p2 =	por !p2, p0  }
0x20: {  	[sflag:s8] =	ssyncset.s32 @!p0 $0xFFFFF086;
	s6 =	sadd.s32 @!p0 s3, s7;
	s7 =	simm.s32 @!p0 $0x108  }
0x21: {  	s3 =	sadd.s32 s3, s9;
	s6 =	sadd.s32 @!p0 $0x88, s6;
	s7 =	simm.s32 @p2 $0x1082  }
0x22: {  	[simem:s7], [sflag:s8] =	dma.local @!p0 [hbm:s6], $0xF7A  }
0x23: {  	s9 =	sor.u32 $0xD0000000, s2;
	s6 =	simm.s32 $0x108;
	_ =	swait.ge @!p0 [sflag:s8], $0x0  }
0x24: {  	s3 =	sadd.s32 $0x88, s3;
	s6 =	simm.s32 @!p1 $0x1082;
	[sflag:s4] =	ssyncset.s32 $0xFFFFF086  }
0x25: {  	[simem:s6], [sflag:s4] =	dma.local [hbm:s3], $0xF7A  }
0x26: {  	[smem:$0x3F8E] =	sst s1;
	(tag) =	ssettag s2;
	_ =	strace s9  }
0x27: {  	s1 =	sld [smem:$0x3F9E]  }
0x28: {  	s2 =	sld [smem:$0x3F9F]  }
0x29: {  	s4 =	sld [smem:$0x3FA1]  }
0x2a: {  	p0 =	seq.s32 s5, $0x0;
	s5 =	sld [smem:$0x3FA2]  }
0x2b: {  	s6 =	sld [smem:$0x3FA3]  }
0x2c: {  	s7 =	sld [smem:$0x3FA4]  }
0x2d: {  	s3 =	simm.s32 $0x108;
	s8 =	sld [smem:$0x3FA5]  }
0x2e: {  	s3 =	simm.s32 @!p0 $0x1082;
	s9 =	sld [smem:$0x3FA6]  }
0x2f: {  	lr =	sadd.s32 s0, s3;
	s0 =	sld [smem:$0x3F9D]  }
0x30: {  	s3 =	sld [smem:$0x3FA0]  }
0x31: {  	[smem:$0x3FA9] =	sst s10  }
0x32: {  	s10 =	sld [smem:$0x3FA7];
	_ =	sdelay $0x3  }
0x33: {  	p0 =	seq.s32 s10, $0x1;
	s10 =	sld [smem:$0x3FA9];
	_ =	sdelay $0x3  }
0x34: {  	[smem:$0x3FA9] =	sst s10  }
0x35: {  	s10 =	sld [smem:$0x3FA8];
	_ =	sdelay $0x3  }
0x36: {  	p1 =	seq.s32 s10, $0x1;
	s10 =	sld [smem:$0x3FA9];
	_ =	sdelay $0x3  }
0x37: {  	[smem:$0x3FA9] =	sst s10  }
0x38: {  	s10 =	sld [smem:$0x3FAA]  }
0x39: {  	_ = 	snop;
	(pc) =	sbr.ind lr, $3  }
0x3a: {  	_ = 	snop  }
0x3b: {  	_ = 	snop  }
0x3c: {  	p2 =	seq.s32 s10, $0x1;
	s10 =	sld [smem:$0x3FA9]  }
0x3d: {  	_ =	shalt  }
0x3e: {  	_ =	shalt  }
0x3f: {  	_ =	shalt  }
0x40: {  	_ =	shalt  }
0x41: {  	_ =	shalt  }
0x42: {  	_ =	shalt  }
0x43: {  	_ =	shalt  }
0x44: {  	_ =	shalt  }
0x45: {  	_ =	shalt  }
0x46: {  	_ =	shalt  }
0x47: {  	_ =	shalt  }
0x48: {  	_ =	shalt  }
0x49: {  	_ =	shalt  }
0x4a: {  	_ =	shalt  }
0x4b: {  	_ =	shalt  }
0x4c: {  	_ =	shalt  }
0x4d: {  	_ =	shalt  }
0x4e: {  	_ =	shalt  }
0x4f: {  	_ =	shalt  }
0x50: {  	_ =	shalt  }
0x51: {  	_ =	shalt  }
0x52: {  	_ =	shalt  }
0x53: {  	_ =	shalt  }
0x54: {  	_ =	shalt  }
0x55: {  	_ =	shalt  }
0x56: {  	_ =	shalt  }
0x57: {  	_ =	shalt  }
0x58: {  	_ =	shalt  }
0x59: {  	_ =	shalt  }
0x5a: {  	_ =	shalt  }
0x5b: {  	_ =	shalt  }
0x5c: {  	_ =	shalt  }
0x5d: {  	_ =	shalt  }
0x5e: {  	_ =	shalt  }
0x5f: {  	_ =	shalt  }
0x60: {  	_ =	shalt  }
0x61: {  	_ =	shalt  }
0x62: {  	_ =	shalt  }
0x63: {  	_ =	shalt  }
0x64: {  	_ =	shalt  }
0x65: {  	_ =	shalt  }
0x66: {  	_ =	shalt  }
0x67: {  	_ =	shalt  }
0x68: {  	_ =	shalt  }
0x69: {  	_ =	shalt  }
0x6a: {  	_ =	shalt  }
0x6b: {  	_ =	shalt  }
0x6c: {  	_ =	shalt  }
0x6d: {  	_ =	shalt  }
0x6e: {  	_ =	shalt  }
0x6f: {  	_ =	shalt  }
0x70: {  	_ =	shalt  }
0x71: {  	_ =	shalt  }
0x72: {  	_ =	shalt  }
0x73: {  	_ =	shalt  }
0x74: {  	_ =	shalt  }
0x75: {  	_ =	shalt  }
0x76: {  	_ =	shalt  }
0x77: {  	_ =	shalt  }
0x78: {  	_ =	shalt  }
0x79: {  	_ =	shalt  }
0x7a: {  	_ =	shalt  }
0x7b: {  	_ =	shalt  }
0x7c: {  	_ =	shalt  }
0x7d: {  	_ =	shalt  }
0x7e: {  	_ =	shalt  }
0x7f: {  	_ =	shalt  }
0x80: {  	_ =	shalt  }
0x81: {  	_ =	shalt  }
0x82: {  	_ =	shalt  }
0x83: {  	_ =	shalt  }
0x84: {  	_ =	shalt  }
0x85: {  	_ =	shalt  }
0x86: {  	_ =	shalt  }
0x87: {  	_ =	shalt  }
.Lfunc_end0:
.L_simem_size_0:
called_computation_lowered:
.L_overlay_start_0:
0x88: {  	s2 =	sld [smem:$0x3FD9]  }
0x89: {  	s3 =	sld [smem:$0x3FFE];
	_ =	sdelay $0x1  }
0x8a: {  	s1 =	srdreg.scid  }
0x8b: {  	s0 =	sand.u32 $0x1, s1  }
0x8c: {  	s16 =	sshll.u32 s0, $0xA;
	s2 =	sadd.s32 s3, s2  }
0x8d: {  	s2 =	sadd.s32 s2, s16  }
0x8e: {  	[smem:$0x3FB5] =	sst s2  }
0x8f: {  	_ = 	snop  }
0x90: {  	(tm) =	ssettm $0x1  }
0x91: {  	s17 =	sld [smem:$0x3FFB];
	_ =	sdelay $0x3  }
0x92: {  	_ =	strace s17  }
0x93: {  	s2 =	sld [smem:$0x3FFC];
	_ =	sdelay $0x3  }
0x94: {  	_ =	strace s2  }
0x95: {  	s2 =	sld [smem:$0x3FFD];
	_ =	sdelay $0x3  }
0x96: {  	_ =	strace s2  }
0x97: {  	_ =	strace $0x8FFFFFFF  }
0x98: {  	s18 =	sld [smem:$0x3FDB];
	_ =	sdelay $0x1  }
0x99: {  	s19 =	simm.s32 $_scs_section_size  }
0x9a: {  	s4 =	simm.s32 $_size__tile_overlayer_lowered;
	s5 =	simm.s32 $_tile_overlayer_lowered  }
0x9b: {  	s22 =	simm.s32 $0x1BFF;
	s21 =	sshll.u32 s5, $0x1;
	s2 =	sadd.s32 s19, s18  }
0x9c: {  	s6 =	simm.s32 $0x0;
	s20 =	sshll.u32 s4, $0x1;
	s4 =	sadd.s32 s21, s2  }
0x9d: {  	[timem:s6], [sflag:s22] =	dma.local [hbm:s4], s20  }
0x9e: {  	_ =	swait.ge [sflag:s22], s20  }
0x9f: {  	s3 =	ssub.s32 $0x0, s20;
	[sflag:s22] =	ssyncset.done $0x0  }
0xa0: {  	[sflag:s22] =	ssyncadd.s32 s3;
	_ =	sdelay $0x1  }
0xa1: {  	s23 =	simm.s32 $0x1B8B  }
0xa2: {  	_ =	swait.ge [sflag:s23], $0x1  }
0xa3: {  	[sflag:s23] =	ssyncset.done $0x0  }
0xa4: {  	s25 =	simm.s32 $0x1B8E;
	s24 =	sld [smem:$0x3FFE];
	[sflag:s23] =	ssyncadd.s32 $0xFFFFFFFF  }
0xa5: {  	s26 =	simm.s32 $execute0_lowered;
	[smem:$0x3FD2] =	sst s25  }
0xa6: {  	s4 =	sshll.u32 s26, $0x1;
	_ =	strace $0x80000046;
	[dreg:$0x1] =	wrdreg $0xFFFFFFFF  }
0xa7: {  	s28 =	simm.s32 $_size_execute0_lowered;
	s2 =	sadd.s32 s2, s4;
	[dreg:$0x0] =	wrdreg $0x0  }
0xa8: {  	s4 =	sshll.u32 s28, $0x1;
	[dreg:$0x2] =	wrdreg s2  }
0xa9: {  	[dreg:$0x3] =	wrdreg s4  }
0xaa: {  	[dreg:$0x4] =	wrdreg $0xC0  }
0xab: {  	_ =	task [dreg:s6], $0x5FFFF  }
0xac: {  	[dreg:$0x1] =	wrdreg $0xFFFFFFFF  }
0xad: {  	[dreg:$0x0] =	wrdreg $0x60  }
0xae: {  	[dreg:$0x2] =	wrdreg s24  }
0xaf: {  	[dreg:$0x3] =	wrdreg $0x8B000  }
0xb0: {  	[dreg:$0x4] =	wrdreg $0x1CB000  }
0xb1: {  	[dreg:$0x5] =	wrdreg $0x9  }
0xb2: {  	_ =	task.clear_ibuf [dreg:s6], $0x6FFFF;
	_ =	strace $0x90000046  }
0xb3: {  	s29 =	simm.s32 $0x9;
	_ =	strace $0x80000048  }
0xb4: {  	_ =	swait.ge [sflag:s29], $0x1  }
0xb5: {  	[sflag:s29] =	ssyncadd.s32 $0xFFFFFFFF  }
0xb6: {  	_ =	strace $0x90000048  }
0xb7: {  	_ =	sfence  }
0xb8: {  	s30 =	sld [smem:$0x0];
	_ =	sdelay $0x2  }
0xb9: {  	s31 =	sshll.u32 s1, $0xD;
	s1 =	sshrl.u32 s1, $0x2  }
0xba: {  	s3 =	sand.u32 $0x4000, s31;
	s1 =	sadd.s32 s1, s30  }
0xbb: {  	s0 =	sor.u32 s3, s0;
	s1 =	sshll.u32 s1, $0x11  }
0xbc: {  	s0 =	sor.u32 s1, s0  }
0xbd: {  	s0 =	sadd.s32 $0x8F2B, s0  }
0xbe: {  	[sflag:s0] =	ssyncadd.remote.s32 $0x1  }
0xbf: {  	_ =	sfence.sel $0xFFFF  }
0xc0: {  	[dreg:$0x0] =	wrdreg $0xFFFFFFFF;
	(pc) =	sbr.abs _section_cstart, $3  }
0xc1: {  	[dreg:$0x1] =	wrdreg $0xFFFFFFFF  }
0xc2: {  	_ =	task.clear_ibuf [dreg:s6], $0x2FFFF;
	_ =	strace $0x9FFFFFFF  }
0xc3: {  	(tm) =	ssettm $0x7FFFFFFF  }
tec
execute0_lowered:
.L_overlay_start_1:
0x0: {  	(tag) =	ssettag $0x1  }
0x1: {  	s0 =	rddreg [dreg:$0x0]  }
0x2: {  	s1 =	rddreg [dreg:$0x1]  }
0x3: {  	s2 =	rddreg [dreg:$0x2]  }
0x4: {  	s4 =	srdreg.scid;
	s31 =	stileid.u32  }
0x5: {  	s3 =	simm.s32 $0x0;
	s28 =	simm.s32 $0x8800;
	s12 =	smul.u32 $0x280, s31  }
0x6: {  	s29 =	simm.s32 $0x0;
	s4 =	sand.u32 $0x1, s4;
	s6 =	smul.u32 $0x50000, s31  }
0x7: {  	[smem:$0x7FF] =	sst s3;
	s13 =	sadd.s32 $0x42800, s0;
	s25 =	smul.u32 $0x2800, s31  }
0x8: {  	s18 =	sadd.s32 $0x6A800, s0;
	s19 =	sadd.s32 $0x41C00, s0;
	s5 =	smul.u32 $0x5000, s4  }
0x9: {  	_ =	strace $0x80000047;
	s7 =	ssub.s32 $0x2, s4;
	p0 =	seq.s32 s4, $0x0  }
0xa: {  	s8 =	sshrl.u32 s7, $0x1;
	s6 =	sshrl.u32 s6, $0x2;
	s14 =	sadd.s32 $0x80, s12  }
0xb: {  	s16 =	sadd.s32 $0x100, s12;
	s20 =	sadd.s32 $0x180, s12;
	s21 =	sadd.s32 $0x200, s12  }
0xc: {  	s11 =	sadd.s32 s12, s2;
	s22 =	sshrl.u32 s12, $0x3;
	s18 =	smov.u32 @p0 s13  }
0xd: {  	s17 =	sadd.s32 s5, s0;
	s5 =	sadd.s32 $0x19400, s0;
	s0 =	sadd.s32 $0x42200, s0  }
0xe: {  	s15 =	ssub.s32 s7, s8;
	s6 =	sadd.s32 s6, s1;
	s23 =	sshll.u32 s14, $0x7  }
0xf: {  	s24 =	sshll.u32 s16, $0x7;
	s9 =	sshll.u32 s20, $0x7;
	s10 =	sshll.u32 s21, $0x7  }
0x10: {  	s14 =	sshll.u32 s14, $0x4;
	s16 =	sshll.u32 s16, $0x4;
	s20 =	sshll.u32 s20, $0x4  }
0x11: {  	s21 =	sshll.u32 s21, $0x4;
	s30 =	sadd.s32 s18, s25;
	s25 =	simm.s32 $0x4800  }
0x12: {  	s7 =	sadd.s32 s23, s1;
	s8 =	sadd.s32 s24, s1;
	s9 =	sadd.s32 s9, s1  }
0x13: {  	s10 =	sadd.s32 s10, s1;
	s26 =	smax.u32 s15, $0x1;
	s23 =	smul.u32 $0x500, s31  }
0x14: {  	[dreg:$0x5] =	wrdreg s30;
	s14 =	sadd.s32 s18, s14;
	s15 =	sadd.s32 s18, s16  }
0x15: {  	s16 =	sadd.s32 s18, s20;
	s0 =	smov.u32 @p0 s19;
	s24 =	simm.s32 $0x80  }
0x16: {  	[dreg:$0x4] =	wrdreg s26;
	s26 =	simm.s32 $0x1;
	s31 =	sadd.s32 s23, s17  }
0x17: {  	s17 =	sadd.s32 s18, s21;
	s18 =	sadd.s32 s0, s22;
	s21 =	simm.s32 $0x800  }
0x18: {  	v0 =	vimm.f32 $0.0e+00;
	v1 =	vimm.f32 $1.000000000e+00;
	s22 =	simm.s32 $0x2;
	s19 =	sadd.s32 $0xF400, s31;
	s20 =	sadd.s32 $0x5400, s31  }
.LBB2_1:
0x19: {  	s3 =	simm.s32 $0x0  }
0x1a: {  	s0 =	sand.u32 $0x1FE00, s3  }
0x1b: {  	s4 =	sand.u32 $0x70, s3;
	s23 =	sshrl.u32 s0, $0x2  }
0x1c: {  	s0 =	simm.s32 $0x40;
	s23 =	sor.u32 s4, s23;
	s4 =	simm.s32 $0x0  }
.LBB2_2:
0x1d: {  	p0 =	sne.s32 s0, $0x1FFC0  }
0x1e: {  	[tilespmem:s23+$0x800] =	vst v0;
	s4 =	sadd.s32 $0x10, s4;
	s23 =	smov.u32 s0;
	s0 =	sadd.s32 $0x40, s0  }
.Ltmp0:
0x1f: {  	(pc) =	sbr.rel @p0 .LBB2_2-.Ltmp0, $4  }
0x20: {  	_ = 	snop  }
0x21: {  	s23 =	sand.u32 $0x1FE00, s23  }
0x22: {  	s30 =	sand.u32 $0x70, s4;
	s23 =	sshrl.u32 s23, $0x2  }
0x23: {  	s23 =	sor.u32 s30, s23  }
0x24: {  	[tilespmem:s23+$0x800] =	vst v0  }
0x25: {  	[tilespmem:$0x8880] =	vst v0  }
0x26: {  	[tilespmem:$0x8890] =	vst v0  }
0x27: {  	[tilespmem:$0x88A0] =	vst v0  }
0x28: {  	[tilespmem:$0x88B0] =	vst v0  }
0x29: {  	[tilespmem:$0x88C0] =	vst v0  }
0x2a: {  	[tilespmem:$0x88D0] =	vst v0  }
0x2b: {  	[tilespmem:$0x88E0] =	vst v0  }
0x2c: {  	[tilespmem:$0x88F0] =	vst v0  }
0x2d: {  	[tilespmem:$0x8900] =	vst v0  }
0x2e: {  	[tilespmem:$0x8910] =	vst v0  }
0x2f: {  	[tilespmem:$0x8920] =	vst v0  }
0x30: {  	[tilespmem:$0x8930] =	vst v0  }
0x31: {  	[tilespmem:$0x8940] =	vst v0  }
0x32: {  	[tilespmem:$0x8950] =	vst v0  }
0x33: {  	[tilespmem:$0x8960] =	vst v0  }
0x34: {  	[tilespmem:$0x8970] =	vst v0  }
0x35: {  	[tilespmem:$0x8980] =	vst v0  }
0x36: {  	[tilespmem:$0x8990] =	vst v0  }
0x37: {  	[tilespmem:$0x89A0] =	vst v0  }
0x38: {  	[tilespmem:$0x89B0] =	vst v0  }
0x39: {  	[tilespmem:$0x89C0] =	vst v0  }
0x3a: {  	[tilespmem:$0x89D0] =	vst v0  }
0x3b: {  	[tilespmem:$0x89E0] =	vst v0  }
0x3c: {  	[tilespmem:$0x89F0] =	vst v0  }
0x3d: {  	[tilespmem:$0x8A00] =	vst v0  }
0x3e: {  	[tilespmem:$0x8A10] =	vst v0  }
0x3f: {  	[tilespmem:$0x8A20] =	vst v0  }
0x40: {  	[tilespmem:$0x8A30] =	vst v0  }
0x41: {  	[tilespmem:$0x8A40] =	vst v0  }
0x42: {  	[tilespmem:$0x8A50] =	vst v0  }
0x43: {  	[tilespmem:$0x8A60] =	vst v0  }
0x44: {  	[tilespmem:$0x8A70] =	vst v0  }
0x45: {  	[tilespmem:$0x8A80] =	vst v0  }
0x46: {  	[tilespmem:$0x8A90] =	vst v0  }
0x47: {  	[tilespmem:$0x8AA0] =	vst v0  }
0x48: {  	[tilespmem:$0x8AB0] =	vst v0  }
0x49: {  	[tilespmem:$0x8AC0] =	vst v0  }
0x4a: {  	[tilespmem:$0x8AD0] =	vst v0  }
0x4b: {  	[tilespmem:$0x8AE0] =	vst v0  }
0x4c: {  	[tilespmem:$0x8AF0] =	vst v0  }
0x4d: {  	[tilespmem:$0x8800] =	vst v1  }
0x4e: {  	[tilespmem:$0x8810] =	vst v1  }
0x4f: {  	[tilespmem:$0x8820] =	vst v1  }
0x50: {  	[tilespmem:$0x8830] =	vst v1  }
0x51: {  	[tilespmem:$0x8840] =	vst v1  }
0x52: {  	[tilespmem:$0x8850] =	vst v1  }
0x53: {  	[tilespmem:$0x8860] =	vst v1  }
0x54: {  	[tilespmem:$0x8870] =	vst v1  }
0x55: {  	[spmem:s6] =	stream.linear.scatter [tilespmem:s21], [sflag:$0x2], $0x4000, $0x38;
	[tilespmem:$0x1CD80] =	vst v63  }
0x56: {  	_ =	swait.ge [sflag:s22], $0x4000  }
0x57: {  	[sflag:s22] =	ssyncset.done $0x0  }
0x58: {  	[sflag:s22] =	ssyncadd.s32 $0xFFFFC000  }
0x59: {  	[spmem:s7] =	stream.linear.scatter [tilespmem:s21], [sflag:$0x2], $0x4000, $0x38;
	[tilespmem:$0x1CD80] =	vst v63  }
0x5a: {  	_ =	swait.ge [sflag:s22], $0x4000  }
0x5b: {  	[sflag:s22] =	ssyncset.done $0x0  }
0x5c: {  	[sflag:s22] =	ssyncadd.s32 $0xFFFFC000  }
0x5d: {  	[spmem:s8] =	stream.linear.scatter [tilespmem:s21], [sflag:$0x2], $0x4000, $0x38;
	[tilespmem:$0x1CD80] =	vst v63  }
0x5e: {  	_ =	swait.ge [sflag:s22], $0x4000  }
0x5f: {  	[sflag:s22] =	ssyncset.done $0x0  }
0x60: {  	[sflag:s22] =	ssyncadd.s32 $0xFFFFC000  }
0x61: {  	[spmem:s9] =	stream.linear.scatter [tilespmem:s21], [sflag:$0x2], $0x4000, $0x38;
	[tilespmem:$0x1CD80] =	vst v63  }
0x62: {  	_ =	swait.ge [sflag:s22], $0x4000  }
0x63: {  	[sflag:s22] =	ssyncset.done $0x0  }
0x64: {  	[sflag:s22] =	ssyncadd.s32 $0xFFFFC000  }
0x65: {  	[spmem:s10] =	stream.linear.scatter [tilespmem:s21], [sflag:$0x2], $0x4000, $0x38;
	[tilespmem:$0x1CD80] =	vst v63  }
0x66: {  	_ =	swait.ge [sflag:s22], $0x4000  }
0x67: {  	[sflag:s22] =	ssyncset.done $0x0  }
0x68: {  	s0 =	simm.s32 $0x8880;
	[sflag:s22] =	ssyncadd.s32 $0xFFFFC000  }
0x69: {  	[spmem:s11] =	stream.linear.scatter [tilespmem:s0], [sflag:$0x2], $0x280, $0x38;
	[tilespmem:$0x1CD80] =	vst v63  }
0x6a: {  	s4 =	simm.s32 $0x0;
	_ =	swait.ge [sflag:s22], $0x280  }
0x6b: {  	s0 =	sand.u32 $0x6, s4;
	[sflag:s22] =	ssyncset.done $0x0  }
0x6c: {  	p0 =	sne.s32 s0, $0x0;
	[sflag:s22] =	ssyncadd.s32 $0xFFFFFD80  }
0x6d: {  	s4 =	simm.s32 @!p0 $0x0;
	s23 =	simm.s32 @!p0 $0x2;
	[bflag:$0x0] =	sbarrier.arrive $0xFFFF  }
0x6e: {  	[tilespmem:s4], [sflag:$0x2] =	stream.linear.gather @!p0 [hbm4b:s19+s4], $0x400, $0x38;
	[tilespmem:$0x1CD80] =	vst v63  }
0x6f: {  	_ =	swait.ge @!p0 [sflag:s23], $0x400  }
0x70: {  	[sflag:s23] =	ssyncset.done @!p0 $0x0  }
0x71: {  	s30 =	simm.s32 @!p0 $0x400;
	[sflag:s23] =	ssyncadd.s32 @!p0 $0xFFFFFC00  }
0x72: {  	[tilespmem:s30], [sflag:$0x2] =	stream.linear.gather @!p0 [hbm4b:s20+s4], $0x400, $0x38;
	[tilespmem:$0x1CD80] =	vst v63  }
0x73: {  	_ =	swait.ge @!p0 [sflag:s23], $0x400  }
0x74: {  	[sflag:s23] =	ssyncset.done @!p0 $0x0  }
0x75: {  	s0 =	sshll.u32 s0, $0x7;
	[sflag:s23] =	ssyncadd.s32 @!p0 $0xFFFFFC00  }
0x76: {  	[tilespmem:s21], [sflag:$0x1] =	stream.indirect.gather [hbm4b:s5+s24], $0x80, s0, s24, $0xb8;
	[tilespmem:$0x1CD80] =	vst v63  }
0x77: {  	s12 =	sor.u32 $0x80, s0  }
0x78: {  	[tilespmem:s25], [sflag:$0x1] =	stream.indirect.gather [hbm4b:s5+s24], $0x80, s12, s24, $0xb8;
	[tilespmem:$0x1CD80] =	vst v63  }
0x79: {  	_ =	swait.ge [sflag:s26], $0x4000  }
0x7a: {  	[sflag:s26] =	ssyncset.done $0x0  }
0x7b: {  	[sflag:s26] =	ssyncadd.s32 $0xFFFFC000  }
0x7c: {  	_ =	swait.ge [sflag:s26], $0x4000  }
0x7d: {  	[sflag:s26] =	ssyncset.done $0x0  }
0x7e: {  	s13 =	sor.u32 $0x400, s0;
	[sflag:s26] =	ssyncadd.s32 $0xFFFFC000  }
0x7f: {  	[spmem:s1] =	stream.indirect.scatter.add.f32 [tilespmem:s21], [sflag:$0x2], $0x80, s13, s24, $0xb8;
	[tilespmem:$0x1CD80] =	vst v63  }
0x80: {  	_ =	swait.ge [sflag:s22], $0x4000  }
0x81: {  	[sflag:s22] =	ssyncset.done $0x0  }
0x82: {  	[sflag:s22] =	ssyncadd.s32 $0xFFFFC000  }
0x83: {  	[spmem:s2] =	stream.indirect.scatter.add.f32 [tilespmem:s28], [sflag:$0x2], $0x1, s13, s24, $0xb8;
	[tilespmem:$0x1CD80] =	vst v63  }
0x84: {  	_ =	swait.ge [sflag:s22], $0x80  }
0x85: {  	[sflag:s22] =	ssyncset.done $0x0  }
0x86: {  	s0 =	sor.u32 $0x480, s0;
	[sflag:s22] =	ssyncadd.s32 $0xFFFFFF80  }
0x87: {  	[spmem:s1] =	stream.indirect.scatter.add.f32 [tilespmem:s25], [sflag:$0x2], $0x80, s0, s24, $0xb8;
	[tilespmem:$0x1CD80] =	vst v63  }
0x88: {  	_ =	swait.ge [sflag:s22], $0x4000  }
0x89: {  	[sflag:s22] =	ssyncset.done $0x0  }
0x8a: {  	s31 =	simm.s32 $0x4;
	s23 =	simm.s32 $0x2;
	[sflag:s22] =	ssyncadd.s32 $0xFFFFC000  }
0x8b: {  	[spmem:s2] =	stream.indirect.scatter.add.f32 [tilespmem:s28], [sflag:$0x2], $0x1, s0, s24, $0xb8;
	[tilespmem:$0x1CD80] =	vst v63  }
0x8c: {  	s30 =	sadd.s32 $0x20, s20;
	s23 =	sand.u32 $0x6, s23;
	_ =	swait.ge [sflag:s22], $0x80  }
0x8d: {  	p1 =	sne.s32 s23, $0x0;
	s0 =	sadd.s32 $0x20, s19;
	[sflag:s22] =	ssyncset.done $0x0  }
.LBB2_4:
0x8e: {  	s3 =	simm.s32 @!p1 $0x0;
	s12 =	simm.s32 @!p1 $0x2;
	[sflag:s22] =	ssyncadd.s32 $0xFFFFFF80  }
0x8f: {  	[tilespmem:s3], [sflag:$0x2] =	stream.linear.gather @!p1 [hbm4b:s0+s3], $0x400, $0x38;
	[tilespmem:$0x1CD80] =	vst v63  }
0x90: {  	s4 =	smov.u32 s31;
	s31 =	sadd.s32 $0x2, s31;
	_ =	swait.ge @!p1 [sflag:s12], $0x400  }
0x91: {  	p0 =	sne.s32 s31, $0x50;
	[sflag:s12] =	ssyncset.done @!p1 $0x0  }
0x92: {  	s13 =	simm.s32 @!p1 $0x400;
	[sflag:s12] =	ssyncadd.s32 @!p1 $0xFFFFFC00  }
0x93: {  	[tilespmem:s13], [sflag:$0x2] =	stream.linear.gather @!p1 [hbm4b:s30+s3], $0x400, $0x38;
	[tilespmem:$0x1CD80] =	vst v63  }
0x94: {  	_ =	swait.ge @!p1 [sflag:s12], $0x400  }
0x95: {  	[sflag:s12] =	ssyncset.done @!p1 $0x0  }
0x96: {  	s3 =	sshll.u32 s23, $0x7;
	[sflag:s12] =	ssyncadd.s32 @!p1 $0xFFFFFC00  }
0x97: {  	[tilespmem:s21], [sflag:$0x1] =	stream.indirect.gather [hbm4b:s5+s24], $0x80, s3, s24, $0xb8;
	[tilespmem:$0x1CD80] =	vst v63  }
0x98: {  	s12 =	sor.u32 $0x80, s3  }
0x99: {  	[tilespmem:s25], [sflag:$0x1] =	stream.indirect.gather [hbm4b:s5+s24], $0x80, s12, s24, $0xb8;
	[tilespmem:$0x1CD80] =	vst v63  }
0x9a: {  	_ =	swait.ge [sflag:s26], $0x4000  }
0x9b: {  	[sflag:s26] =	ssyncset.done $0x0  }
0x9c: {  	[sflag:s26] =	ssyncadd.s32 $0xFFFFC000  }
0x9d: {  	_ =	swait.ge [sflag:s26], $0x4000  }
0x9e: {  	[sflag:s26] =	ssyncset.done $0x0  }
0x9f: {  	s12 =	sor.u32 $0x400, s3;
	[sflag:s26] =	ssyncadd.s32 $0xFFFFC000  }
0xa0: {  	[spmem:s1] =	stream.indirect.scatter.add.f32 [tilespmem:s21], [sflag:$0x2], $0x80, s12, s24, $0xb8;
	[tilespmem:$0x1CD80] =	vst v63  }
0xa1: {  	_ =	swait.ge [sflag:s22], $0x4000  }
0xa2: {  	[sflag:s22] =	ssyncset.done $0x0  }
0xa3: {  	[sflag:s22] =	ssyncadd.s32 $0xFFFFC000  }
0xa4: {  	[spmem:s2] =	stream.indirect.scatter.add.f32 [tilespmem:s28], [sflag:$0x2], $0x1, s12, s24, $0xb8;
	[tilespmem:$0x1CD80] =	vst v63  }
0xa5: {  	_ =	swait.ge [sflag:s22], $0x80  }
0xa6: {  	[sflag:s22] =	ssyncset.done $0x0  }
0xa7: {  	s3 =	sor.u32 $0x480, s3;
	[sflag:s22] =	ssyncadd.s32 $0xFFFFFF80  }
0xa8: {  	[spmem:s1] =	stream.indirect.scatter.add.f32 [tilespmem:s25], [sflag:$0x2], $0x80, s3, s24, $0xb8;
	[tilespmem:$0x1CD80] =	vst v63  }
0xa9: {  	_ =	swait.ge [sflag:s22], $0x4000  }
.Ltmp1:
0xaa: {  	[sflag:s22] =	ssyncset.done $0x0;
	(pc) =	sbr.rel @p0 .LBB2_4-.Ltmp1, $4  }
0xab: {  	[sflag:s22] =	ssyncadd.s32 $0xFFFFC000  }
0xac: {  	[spmem:s2] =	stream.indirect.scatter.add.f32 [tilespmem:s28], [sflag:$0x2], $0x1, s3, s24, $0xb8;
	[tilespmem:$0x1CD80] =	vst v63  }
0xad: {  	s23 =	sand.u32 $0x6, s4;
	s30 =	sadd.s32 $0x20, s30;
	_ =	swait.ge [sflag:s22], $0x80  }
0xae: {  	s0 =	sadd.s32 $0x20, s0;
	p1 =	sne.s32 s23, $0x0;
	[sflag:s22] =	ssyncset.done $0x0  }
0xaf: {  	s3 =	simm.s32 @!p1 $0x0;
	s4 =	simm.s32 @!p1 $0x2;
	[sflag:s22] =	ssyncadd.s32 $0xFFFFFF80  }
0xb0: {  	[tilespmem:s3], [sflag:$0x2] =	stream.linear.gather @!p1 [hbm4b:s0+s3], $0x400, $0x38;
	[tilespmem:$0x1CD80] =	vst v63  }
0xb1: {  	_ =	swait.ge @!p1 [sflag:s4], $0x400  }
0xb2: {  	[sflag:s4] =	ssyncset.done @!p1 $0x0  }
0xb3: {  	s0 =	simm.s32 @!p1 $0x400;
	[sflag:s4] =	ssyncadd.s32 @!p1 $0xFFFFFC00  }
0xb4: {  	[tilespmem:s0], [sflag:$0x2] =	stream.linear.gather @!p1 [hbm4b:s30+s3], $0x400, $0x38;
	[tilespmem:$0x1CD80] =	vst v63  }
0xb5: {  	_ =	swait.ge @!p1 [sflag:s4], $0x400  }
0xb6: {  	[sflag:s4] =	ssyncset.done @!p1 $0x0  }
0xb7: {  	[sflag:s4] =	ssyncadd.s32 @!p1 $0xFFFFFC00;
	s4 =	sshll.u32 s23, $0x7  }
0xb8: {  	[tilespmem:s21], [sflag:$0x1] =	stream.indirect.gather [hbm4b:s5+s24], $0x80, s4, s24, $0xb8;
	[tilespmem:$0x1CD80] =	vst v63  }
0xb9: {  	s12 =	sor.u32 $0x80, s4  }
0xba: {  	[tilespmem:s25], [sflag:$0x1] =	stream.indirect.gather [hbm4b:s5+s24], $0x80, s12, s24, $0xb8;
	[tilespmem:$0x1CD80] =	vst v63  }
0xbb: {  	_ =	swait.ge [sflag:s26], $0x4000  }
0xbc: {  	[sflag:s26] =	ssyncset.done $0x0  }
0xbd: {  	[sflag:s26] =	ssyncadd.s32 $0xFFFFC000  }
0xbe: {  	_ =	swait.ge [sflag:s26], $0x4000  }
0xbf: {  	[sflag:s26] =	ssyncset.done $0x0  }
0xc0: {  	s13 =	sor.u32 $0x400, s4;
	[sflag:s26] =	ssyncadd.s32 $0xFFFFC000  }
0xc1: {  	[spmem:s1] =	stream.indirect.scatter.add.f32 [tilespmem:s21], [sflag:$0x2], $0x80, s13, s24, $0xb8;
	[tilespmem:$0x1CD80] =	vst v63  }
0xc2: {  	_ =	swait.ge [sflag:s22], $0x4000  }
0xc3: {  	[sflag:s22] =	ssyncset.done $0x0  }
0xc4: {  	[sflag:s22] =	ssyncadd.s32 $0xFFFFC000  }
0xc5: {  	[spmem:s2] =	stream.indirect.scatter.add.f32 [tilespmem:s28], [sflag:$0x2], $0x1, s13, s24, $0xb8;
	[tilespmem:$0x1CD80] =	vst v63  }
0xc6: {  	_ =	swait.ge [sflag:s22], $0x80  }
0xc7: {  	[sflag:s22] =	ssyncset.done $0x0  }
0xc8: {  	s0 =	sor.u32 $0x480, s4;
	[sflag:s22] =	ssyncadd.s32 $0xFFFFFF80  }
0xc9: {  	[spmem:s1] =	stream.indirect.scatter.add.f32 [tilespmem:s25], [sflag:$0x2], $0x80, s0, s24, $0xb8;
	[tilespmem:$0x1CD80] =	vst v63  }
0xca: {  	_ =	swait.ge [sflag:s22], $0x4000  }
0xcb: {  	[sflag:s22] =	ssyncset.done $0x0  }
0xcc: {  	[sflag:s22] =	ssyncadd.s32 $0xFFFFC000  }
0xcd: {  	[spmem:s2] =	stream.indirect.scatter.add.f32 [tilespmem:s28], [sflag:$0x2], $0x1, s0, s24, $0xb8;
	[tilespmem:$0x1CD80] =	vst v63  }
0xce: {  	_ =	swait.ge [sflag:s22], $0x80  }
0xcf: {  	[sflag:s22] =	ssyncset.done $0x0  }
0xd0: {  	s23 =	stileid.u32;
	[sflag:s22] =	ssyncadd.s32 $0xFFFFFF80  }
0xd1: {  	s0 =	sshll.u32 s23, $0x6;
	[bflag:$0x0] =	sbarrier.arrive $0xFFFF  }
0xd2: {  	s30 =	sshrl.u32 s6, $0x3;
	s0 =	sor.u32 $0x1C02, s0;
	s31 =	rddreg [dreg:$0x5]  }
0xd3: {  	[hbm:s31], [sflag:s0] =	dma.local [spmem:s30], $0x800  }
0xd4: {  	_ =	swait.ge [sflag:s22], $0x800  }
0xd5: {  	[sflag:s22] =	ssyncset.done $0x0  }
0xd6: {  	s4 =	sshrl.u32 s7, $0x3;
	[sflag:s22] =	ssyncadd.s32 $0xFFFFF800  }
0xd7: {  	[hbm:s14], [sflag:s0] =	dma.local [spmem:s4], $0x800  }
0xd8: {  	_ =	swait.ge [sflag:s22], $0x800  }
0xd9: {  	[sflag:s22] =	ssyncset.done $0x0  }
0xda: {  	s12 =	sshrl.u32 s8, $0x3;
	[sflag:s22] =	ssyncadd.s32 $0xFFFFF800  }
0xdb: {  	[hbm:s15], [sflag:s0] =	dma.local [spmem:s12], $0x800  }
0xdc: {  	_ =	swait.ge [sflag:s22], $0x800  }
0xdd: {  	[sflag:s22] =	ssyncset.done $0x0  }
0xde: {  	s13 =	sshrl.u32 s9, $0x3;
	[sflag:s22] =	ssyncadd.s32 $0xFFFFF800  }
0xdf: {  	[hbm:s16], [sflag:s0] =	dma.local [spmem:s13], $0x800  }
0xe0: {  	_ =	swait.ge [sflag:s22], $0x800  }
0xe1: {  	[sflag:s22] =	ssyncset.done $0x0  }
0xe2: {  	s23 =	sshrl.u32 s10, $0x3;
	[sflag:s22] =	ssyncadd.s32 $0xFFFFF800  }
0xe3: {  	[hbm:s17], [sflag:s0] =	dma.local [spmem:s23], $0x800  }
0xe4: {  	_ =	swait.ge [sflag:s22], $0x800  }
0xe5: {  	[sflag:s22] =	ssyncset.done $0x0  }
0xe6: {  	s30 =	sshrl.u32 s11, $0x3;
	[sflag:s22] =	ssyncadd.s32 $0xFFFFF800  }
0xe7: {  	[hbm:s18], [sflag:s0] =	dma.local [spmem:s30], $0x50  }
0xe8: {  	_ =	swait.ge [sflag:s22], $0x50  }
0xe9: {  	s29 =	sadd.s32 $0x1, s29;
	s31 =	rddreg [dreg:$0x4]  }
0xea: {  	p0 =	sne.s32 s29, s31  }
.Ltmp2:
0xeb: {  	_ = 	snop;
	(pc) =	sbr.rel @p0 .LBB2_1-.Ltmp2, $3  }
0xec: {  	_ =	sdelay $0x1  }
0xed: {  	[sflag:s22] =	ssyncset.done $0x0  }
0xee: {  	[sflag:s22] =	ssyncadd.s32 $0xFFFFFFB0  }
0xef: {  	_ =	sfence.sel $0x180000  }
0xf0: {  	[bflag:$0x0] =	sbarrier.arrive $0xFFFF  }
0xf1: {  	_ =	strace $0x90000047  }
0xf2: {  	s0 =	stileid.u32;
	[bflag:$0x2] =	sbarrier.arrive $0xFFFF  }
0xf3: {  	p0 =	sne.s32 s0, $0x0;
	s0 =	rddreg [dreg:$0x3]  }
0xf4: {  	s0 =	sadd.s32 @!p0 $0x100000, s0  }
0xf5: {  	[sflag:s0] =	ssyncadd.tile.s32 @!p0 $0x1;
	_ =	shalt  }
.Lfunc_end2:
_tile_overlayer_lowered:
.L_overlay_start_2:
0xf6: {  	(tag) =	ssettag $0x2  }
0xf7: {  	s0 =	rddreg [dreg:$0x0];
	s2 =	stileid.u32  }
0xf8: {  	s1 =	rddreg [dreg:$0x1];
	p0 =	sne.s32 s2, $0x0  }
0xf9: {  	s3 =	rddreg [dreg:$0x2];
	[bflag:$0x3] =	sbarrier.arrive $0xFFFF;
	s2 =	simm.s32 @!p0 $0x1C02  }
0xfa: {  	[timem:s3], [sflag:s2] =	dma.local @!p0 [hbm:s0], s1  }
0xfb: {  	s0 =	simm.s32 @!p0 $0x2  }
0xfc: {  	_ =	swait.ge @!p0 [sflag:s0], s1  }
0xfd: {  	s1 =	ssub.s32 @!p0 $0x0, s1;
	[sflag:s0] =	ssyncset.done @!p0 $0x0  }
0xfe: {  	[sflag:s0] =	ssyncadd.s32 @!p0 s1  }
0xff: {  	[bflag:$0x3] =	sbarrier.arrive $0xFFFF  }
0x100: {  	_ =	shalt  }

</sc_bundles>
